<compile_context>
chip_gen: v7x
topology: tpu7x:2x2x1
jax: 0.10.2.dev20260603
libtpu: 0.0.44.dev20260713+nightly
codegen_flags: <defaults>
</compile_context>

<pallas_src>
import functools

import jax
import jax.numpy as jnp
from jax import lax
from jax.experimental import pallas as pl
from jax.experimental.pallas import tpu as pltpu
from jax.experimental.pallas import tpu_sc as plsc

K = 32
SEG = 8
CBLK = 1024
NSEGCAP = 64
NCAND = NSEGCAP * SEG
_DIMS = (((1,), (1,)), ((), ()))
_IMIN = -(2 ** 31)


def _tokey(x):
    i = lax.bitcast_convert_type(x, jnp.int32)
    return jnp.where(i < 0, (~i) ^ _IMIN, i)


def _nth_largest_key(key, n):
    kf = jnp.float32(n)

    def body(_, carry):
        lo, hi = carry
        mid = (lo >> 1) + (hi >> 1) + (((lo & 1) + (hi & 1) + 1) >> 1)
        cnt = jnp.sum((key >= mid).astype(jnp.float32), axis=1, keepdims=True)
        ge = cnt >= kf
        lo = jnp.where(ge, mid, lo)
        hi = jnp.where(ge, hi, mid - 1)
        return lo, hi

    shape = (key.shape[0], 1)
    lo0 = jnp.full(shape, -2 ** 31, jnp.int32)
    hi0 = jnp.full(shape, 2 ** 31 - 1, jnp.int32)
    lo, _ = lax.fori_loop(0, 32, body, (lo0, hi0))
    return lo


def _matmul_seg_kernel(x_ref, w_ref, o_ref, s_ref):
    xb = lax.dot_general(
        x_ref[...], w_ref[...],
        dimension_numbers=_DIMS,
        preferred_element_type=jnp.float32)
    o_ref[...] = xb
    m = xb[:, 0:128]
    for u in range(1, SEG):
        m = jnp.maximum(m, xb[:, u * 128:(u + 1) * 128])
    s_ref[...] = m


def _tseg_kernel(s_ref, t_ref, s2_ref):
    s = s_ref[...]
    key = _tokey(s)
    tkey = _nth_largest_key(key, K)
    bits = jnp.where(tkey >= 0, tkey, ~(tkey ^ _IMIN))
    t = lax.bitcast_convert_type(bits, jnp.float32)
    t_ref[...] = jnp.broadcast_to(t, (t.shape[0], 128))
    m = s[:, 0:256]
    for u in range(1, 16):
        m = jnp.maximum(m, s[:, u * 256:(u + 1) * 256])
    s2_ref[...] = m


GCAP = 48


def _sc_gather_kernel(nc, row_off, nrows, s_hbm, s2_hbm, tseg_hbm, x_hbm,
                      vals_hbm, cols_hbm, tseg_v, s_row, s2_row, x_row, gids,
                      segids, cand_v, cols_b, sem):
    wid = lax.axis_index("s") * nc + lax.axis_index("c")
    rows_per = nrows // 32
    pltpu.sync_copy(tseg_hbm, tseg_v)
    lanes = lax.iota(jnp.int32, 16)

    def row_body(rr, _):
        row = wid * rows_per + rr
        grow = row + row_off
        xcp = pltpu.async_copy(x_hbm.at[grow], x_row, sem)
        pltpu.sync_copy(s2_hbm.at[row], s2_row)
        pltpu.sync_copy(s_hbm.at[grow], s_row)
        t = plsc.load_gather(tseg_v, [jnp.full((16,), row, jnp.int32)])

        def fa(i, gcnt):
            v = s2_row[pl.ds(i * 16, 16)]
            m = v >= t
            mi = m.astype(jnp.int32)
            pos = jnp.minimum(gcnt + plsc.cumsum(mi) - mi, GCAP + 15)
            plsc.store_scatter(gids, [pos], lanes + i * 16, mask=m)
            return gcnt + plsc.all_reduce_population_count(m)

        gcnt = lax.fori_loop(0, 256 // 16, fa, jnp.zeros((16,), jnp.int32))

        def fb(e, cnt):
            ev = jnp.full((16,), e, jnp.int32)
            g = plsc.load_gather(gids, [jnp.minimum(ev, GCAP + 15)])
            gvalid = ev < gcnt
            seg_idx = g + lanes * 256
            sv = plsc.load_gather(s_row, [jnp.where(gvalid, seg_idx, 0)])
            m = (sv >= t) & gvalid
            mi = m.astype(jnp.int32)
            pos = jnp.minimum(cnt + plsc.cumsum(mi) - mi, NSEGCAP + 15)
            plsc.store_scatter(segids, [pos], seg_idx, mask=m)
            return cnt + plsc.all_reduce_population_count(m)

        cnt = lax.fori_loop(0, GCAP, fb, jnp.zeros((16,), jnp.int32))
        nseg = jnp.minimum(cnt, NSEGCAP)

        xcp.wait()
        for c in range(NSEGCAP // 16):
            sv = segids[pl.ds(c * 16, 16)]
            valid = (lanes + c * 16) < nseg
            svc = jnp.where(valid, sv, 0)
            base_col = ((svc >> 7) * CBLK) + (svc & 127)
            for u in range(SEG):
                col = base_col + u * 128
                off = c * 128 + u * 16
                cand_v[pl.ds(off, 16)] = plsc.load_gather(
                    x_row, [jnp.where(valid, col, 0)])
                cols_b[pl.ds(off, 16)] = jnp.where(valid, col, -1)

        pltpu.sync_copy(cand_v, vals_hbm.at[row])
        pltpu.sync_copy(cols_b, cols_hbm.at[row])
        return 0

    lax.fori_loop(0, rows_per, row_body, 0)


def _final_kernel(cv_ref, cc_ref, x_ref, o_ref):
    cc = cc_ref[...]
    valid = cc >= 0
    ckey = jnp.where(valid, _tokey(cv_ref[...]), _IMIN)
    tkey = _nth_largest_key(ckey, K)

    gt = ckey > tkey
    n_gt = jnp.sum(gt.astype(jnp.float32), axis=1, keepdims=True)
    eq = (ckey == tkey) & valid
    m = jnp.float32(K) - n_gt

    colkey = jnp.where(eq, cc, jnp.int32(2 ** 31 - 1))

    def cbody(_, carry):
        lo, hi = carry
        mid = (lo >> 1) + (hi >> 1) + ((lo & 1) & (hi & 1))
        cle = jnp.sum((colkey <= mid).astype(jnp.float32), axis=1,
                      keepdims=True)
        ok = cle >= m
        hi = jnp.where(ok, mid, hi)
        lo = jnp.where(ok, lo, mid + 1)
        return lo, hi

    shape = (cc.shape[0], 1)
    lo0 = jnp.zeros(shape, jnp.int32)
    hi0 = jnp.full(shape, 32767, jnp.int32)
    _, cutoff = lax.fori_loop(0, 15, cbody, (lo0, hi0))

    x = x_ref[...]
    xkey = _tokey(x)
    col_iota = lax.broadcasted_iota(jnp.int32, x.shape, 1)
    keep = (xkey > tkey) | ((xkey == tkey) & (col_iota <= cutoff))
    o_ref[...] = jnp.where(keep, x, 0.0)


def _final_acc_kernel(cv_ref, cc_ref, x_ref, prev_ref, o_ref):
    del prev_ref
    _final_kernel(cv_ref, cc_ref, x_ref, o_ref)


def kernel(input, W):
    B, NF = input.shape
    OF = W.shape[0]
    nseg_tot = OF // SEG

    x, S = pl.pallas_call(
        _matmul_seg_kernel,
        grid=(OF // CBLK,),
        in_specs=[pl.BlockSpec((B, NF), lambda j: (0, 0)),
                  pl.BlockSpec((CBLK, NF), lambda j: (j, 0))],
        out_specs=[pl.BlockSpec((B, CBLK), lambda j: (0, j)),
                   pl.BlockSpec((B, CBLK // SEG), lambda j: (0, j))],
        out_shape=[jax.ShapeDtypeStruct((B, OF), jnp.float32),
                   jax.ShapeDtypeStruct((B, nseg_tot), jnp.float32)],
    )(input, W)

    rb2 = 128
    HB = B // 2
    nc = 2
    mesh = plsc.VectorSubcoreMesh(core_axis_name="c", subcore_axis_name="s")

    def tseg_call(off):
        ob = off // rb2
        return pl.pallas_call(
            _tseg_kernel,
            grid=(HB // rb2,),
            in_specs=[pl.BlockSpec((rb2, nseg_tot), lambda i: (i + ob, 0))],
            out_specs=[pl.BlockSpec((rb2, 128), lambda i: (i, 0)),
                       pl.BlockSpec((rb2, 256), lambda i: (i, 0))],
            out_shape=[jax.ShapeDtypeStruct((HB, 128), jnp.float32),
                       jax.ShapeDtypeStruct((HB, 256), jnp.float32)],
        )(S)

    def sc_call(off, tseg_h, s2_h):
        sc = functools.partial(
            pl.kernel, mesh=mesh,
            compiler_params=pltpu.CompilerParams(needs_layout_passes=False),
            out_type=(jax.ShapeDtypeStruct((HB, NCAND), jnp.float32),
                      jax.ShapeDtypeStruct((HB, NCAND), jnp.int32)),
            scratch_types=[
                pltpu.VMEM((HB,), jnp.float32),
                pltpu.VMEM((nseg_tot,), jnp.float32),
                pltpu.VMEM((256,), jnp.float32),
                pltpu.VMEM((OF,), jnp.float32),
                pltpu.VMEM((GCAP + 16,), jnp.int32),
                pltpu.VMEM((NSEGCAP + 32,), jnp.int32),
                pltpu.VMEM((NCAND,), jnp.float32),
                pltpu.VMEM((NCAND,), jnp.int32),
                pltpu.SemaphoreType.DMA,
            ],
        )(functools.partial(_sc_gather_kernel, nc, off, HB))
        return sc(S, s2_h, tseg_h, x)

    ta, s2a = tseg_call(0)
    cva, cca = sc_call(0, ta[:, 0], s2a)
    tb, s2b = tseg_call(HB)
    cvb, ccb = sc_call(HB, tb[:, 0], s2b)

    rb4 = 32
    nb = HB // rb4
    out1 = pl.pallas_call(
        _final_kernel,
        grid=(nb,),
        in_specs=[pl.BlockSpec((rb4, NCAND), lambda i: (i, 0)),
                  pl.BlockSpec((rb4, NCAND), lambda i: (i, 0)),
                  pl.BlockSpec((rb4, OF), lambda i: (i, 0))],
        out_specs=pl.BlockSpec((rb4, OF), lambda i: (i, 0)),
        out_shape=jax.ShapeDtypeStruct((B, OF), jnp.float32),
    )(cva, cca, x)
    out = pl.pallas_call(
        _final_acc_kernel,
        grid=(nb,),
        in_specs=[pl.BlockSpec((rb4, NCAND), lambda i: (i, 0)),
                  pl.BlockSpec((rb4, NCAND), lambda i: (i, 0)),
                  pl.BlockSpec((rb4, OF), lambda i: (i + nb, 0)),
                  pl.BlockSpec(memory_space=pl.ANY)],
        out_specs=pl.BlockSpec((rb4, OF), lambda i: (i + nb, 0)),
        out_shape=jax.ShapeDtypeStruct((B, OF), jnp.float32),
        input_output_aliases={3: 0},
    )(cvb, ccb, x, out1)
    return out

# --- scband reference (transcript-rebuilt; emitter-appended) ---
"""Pipeline reference for scband-mb-projection-18708877541408 (READ-ONLY COPY).

The authoritative reference and input builder live on the scoring server;
editing this copy changes nothing except your own understanding.
"""

import jax, jax.numpy as jnp
import numpy as np

NB_FEATURES = 1024
DIM_EXPLOSION_FACTOR = 32
OUT_FEATURES = NB_FEATURES * DIM_EXPLOSION_FACTOR  # 32768
NB_PROJ_ENTRIES = 64
HASH_LENGTH = 32
BATCH = 1024


def setup_inputs(seed: int = 0) -> dict:
    key = jax.random.key(seed)
    x = jax.random.normal(key, (BATCH, NB_FEATURES), dtype=jnp.float32)
    # Random sparse binary projection matrix (OlfactoryModel.create_rand_proj_matrix):
    # each of the OUT_FEATURES rows samples NB_PROJ_ENTRIES distinct input features with weight 1.0.
    rng = np.random.default_rng(0)
    scores = rng.random((OUT_FEATURES, NB_FEATURES))
    cols = np.argpartition(scores, NB_PROJ_ENTRIES, axis=1)[:, :NB_PROJ_ENTRIES]
    W = np.zeros((OUT_FEATURES, NB_FEATURES), dtype=np.float32)
    np.put_along_axis(W, cols, 1.0, axis=1)
    return {"input": x, "W": jnp.asarray(W)}


def reference(input, W):
    # x = (weight @ input.T).T  == input @ W.T  (weight is sparse binary; zeros preserved in dense form)
    x = input @ W.T  # [B, OUT_FEATURES]
    # WTA: keep top-k per row (dim=1), everything else zero (densified sparse_coo_tensor)
    vals, idx = jax.lax.top_k(x, HASH_LENGTH)
    rows = jnp.arange(x.shape[0])[:, None]
    out = jnp.zeros_like(x).at[rows, idx].set(vals)
    return out

if __name__ == "__main__":
    import jax
    _d = setup_inputs()
    print(jax.jit(kernel)(*tuple(_d.values())))

</pallas_src>

<mosaic_0001>
#map = affine_map<(d0, d1) -> (0, 0)>
#map1 = affine_map<(d0, d1) -> (0)>
module attributes {stable_mosaic.version = 14 : i64} {
  func.func @_sc_gather_kernel(%arg0: i32, %arg1: i32, %arg2: memref<1024x4096xf32, #tpu.memory_space<hbm>>, %arg3: memref<512x256xf32, #tpu.memory_space<hbm>>, %arg4: memref<512xf32, #tpu.memory_space<hbm>>, %arg5: memref<1024x32768xf32, #tpu.memory_space<hbm>>, %arg6: memref<512x512xf32, #tpu.memory_space<hbm>>, %arg7: memref<512x512xi32, #tpu.memory_space<hbm>>, %arg8: memref<512xf32, #tpu.memory_space<vmem>>, %arg9: memref<4096xf32, #tpu.memory_space<vmem>>, %arg10: memref<256xf32, #tpu.memory_space<vmem>>, %arg11: memref<32768xf32, #tpu.memory_space<vmem>>, %arg12: memref<64xi32, #tpu.memory_space<vmem>>, %arg13: memref<96xi32, #tpu.memory_space<vmem>>, %arg14: memref<512xf32, #tpu.memory_space<vmem>>, %arg15: memref<512xi32, #tpu.memory_space<vmem>>, %arg16: memref<!tpu.dma_semaphore, #tpu.memory_space<semaphore_mem>>) attributes {dimension_semantics = [#tpu.dimension_semantics<core_parallel>, #tpu.dimension_semantics<subcore_parallel>], iteration_bounds = array<i64: 2, 16>, scalar_prefetch = 0 : i64, scratch_operands = 9 : i64, tpu.core_type = #tpu.core_type<sc_vector_subcore>, window_params = [{transform_indices = #map}, {transform_indices = #map}, {transform_indices = #map1}, {transform_indices = #map}, {transform_indices = #map}, {transform_indices = #map}]} {
    %mul3A = arith.constant 2 : i32
    %mul3A_0 = arith.muli %arg1, %mul3A : i32
    %add3A = arith.addi %mul3A_0, %arg0 : i32
    "tpu.region"() ({
      %run_scoped3A = tpu.sem_alloc : memref<!tpu.dma_semaphore, #tpu.memory_space<semaphore_mem>>
      tpu.enqueue_dma source(%arg4 : memref<512xf32, #tpu.memory_space<hbm>>) target(%arg8 : memref<512xf32, #tpu.memory_space<vmem>>) target_semaphore(%run_scoped3A : memref<!tpu.dma_semaphore, #tpu.memory_space<semaphore_mem>>)
      tpu.wait_dma2 semaphore(%run_scoped3A : memref<!tpu.dma_semaphore, #tpu.memory_space<semaphore_mem>>) src(%arg4 : memref<512xf32, #tpu.memory_space<hbm>>) dst(%arg8 : memref<512xf32, #tpu.memory_space<vmem>>)
      tpu.yield
    }) : () -> ()
    %iota3A = tpu.iota {dimensions = array<i32: 0>} : vector<16xi32>
    %scan3A = arith.constant 0 : i32
    %scan3A_1 = arith.constant 0 : i32
    %scan3A_2 = arith.constant 16 : i32
    %scan3A_3 = arith.addi %scan3A_1, %scan3A_2 : i32
    %scan3A_4 = arith.constant 1 : i32
    %scan3A_5 = scf.for %scan3A_7 = %scan3A_1 to %scan3A_3 step %scan3A_4 iter_args(%scan3A_8 = %scan3A) -> (i32)  : i32 {
      %mul3A_9 = arith.constant 16 : i32
      %mul3A_10 = arith.muli %add3A, %mul3A_9 : i32
      %add3A_11 = arith.addi %mul3A_10, %scan3A_7 : i32
      %add3A_12 = arith.constant 0 : i32
      %add3A_13 = arith.addi %add3A_11, %add3A_12 : i32
      %dma_start3A = arith.constant 0 : i32
      %dma_start3A_14 = tpu.memref_slice %arg5[%add3A_13, %dma_start3A] : memref<1024x32768xf32, #tpu.memory_space<hbm>> -> memref<1x32768xf32, #tpu.memory_space<hbm>>
      %dma_start3A_15 = tpu.memref_squeeze %dma_start3A_14 : memref<1x32768xf32, #tpu.memory_space<hbm>> -> memref<32768xf32, #tpu.memory_space<hbm>>
      %dma_start3A_16 = arith.constant 0 : i32
      %dma_start3A_17 = tpu.memref_slice %arg5[%add3A_13, %dma_start3A_16] : memref<1024x32768xf32, #tpu.memory_space<hbm>> -> memref<1x32768xf32, #tpu.memory_space<hbm>>
      %dma_start3A_18 = tpu.memref_squeeze %dma_start3A_17 : memref<1x32768xf32, #tpu.memory_space<hbm>> -> memref<32768xf32, #tpu.memory_space<hbm>>
      tpu.enqueue_dma source(%dma_start3A_18 : memref<32768xf32, #tpu.memory_space<hbm>>) target(%arg11 : memref<32768xf32, #tpu.memory_space<vmem>>) target_semaphore(%arg16 : memref<!tpu.dma_semaphore, #tpu.memory_space<semaphore_mem>>)
      "tpu.region"() ({
        %run_scoped3A = tpu.sem_alloc : memref<!tpu.dma_semaphore, #tpu.memory_space<semaphore_mem>>
        %dma_start3A_560 = arith.constant 0 : i32
        %dma_start3A_561 = tpu.memref_slice %arg3[%add3A_11, %dma_start3A_560] : memref<512x256xf32, #tpu.memory_space<hbm>> -> memref<1x256xf32, #tpu.memory_space<hbm>>
        %dma_start3A_562 = tpu.memref_squeeze %dma_start3A_561 : memref<1x256xf32, #tpu.memory_space<hbm>> -> memref<256xf32, #tpu.memory_space<hbm>>
        %dma_start3A_563 = arith.constant 0 : i32
        %dma_start3A_564 = tpu.memref_slice %arg3[%add3A_11, %dma_start3A_563] : memref<512x256xf32, #tpu.memory_space<hbm>> -> memref<1x256xf32, #tpu.memory_space<hbm>>
        %dma_start3A_565 = tpu.memref_squeeze %dma_start3A_564 : memref<1x256xf32, #tpu.memory_space<hbm>> -> memref<256xf32, #tpu.memory_space<hbm>>
        tpu.enqueue_dma source(%dma_start3A_565 : memref<256xf32, #tpu.memory_space<hbm>>) target(%arg10 : memref<256xf32, #tpu.memory_space<vmem>>) target_semaphore(%run_scoped3A : memref<!tpu.dma_semaphore, #tpu.memory_space<semaphore_mem>>)
        %dma_wait3A_566 = arith.constant 0 : i32
        %dma_wait3A_567 = tpu.memref_slice %arg3[%add3A_11, %dma_wait3A_566] : memref<512x256xf32, #tpu.memory_space<hbm>> -> memref<1x256xf32, #tpu.memory_space<hbm>>
        %dma_wait3A_568 = tpu.memref_squeeze %dma_wait3A_567 : memref<1x256xf32, #tpu.memory_space<hbm>> -> memref<256xf32, #tpu.memory_space<hbm>>
        %dma_wait3A_569 = arith.constant 0 : i32
        %dma_wait3A_570 = tpu.memref_slice %arg3[%add3A_11, %dma_wait3A_569] : memref<512x256xf32, #tpu.memory_space<hbm>> -> memref<1x256xf32, #tpu.memory_space<hbm>>
        %dma_wait3A_571 = tpu.memref_squeeze %dma_wait3A_570 : memref<1x256xf32, #tpu.memory_space<hbm>> -> memref<256xf32, #tpu.memory_space<hbm>>
        tpu.wait_dma2 semaphore(%run_scoped3A : memref<!tpu.dma_semaphore, #tpu.memory_space<semaphore_mem>>) src(%dma_wait3A_571 : memref<256xf32, #tpu.memory_space<hbm>>) dst(%arg10 : memref<256xf32, #tpu.memory_space<vmem>>)
        tpu.yield
      }) : () -> ()
      "tpu.region"() ({
        %run_scoped3A = tpu.sem_alloc : memref<!tpu.dma_semaphore, #tpu.memory_space<semaphore_mem>>
        %dma_start3A_560 = arith.constant 0 : i32
        %dma_start3A_561 = tpu.memref_slice %arg2[%add3A_13, %dma_start3A_560] : memref<1024x4096xf32, #tpu.memory_space<hbm>> -> memref<1x4096xf32, #tpu.memory_space<hbm>>
        %dma_start3A_562 = tpu.memref_squeeze %dma_start3A_561 : memref<1x4096xf32, #tpu.memory_space<hbm>> -> memref<4096xf32, #tpu.memory_space<hbm>>
        %dma_start3A_563 = arith.constant 0 : i32
        %dma_start3A_564 = tpu.memref_slice %arg2[%add3A_13, %dma_start3A_563] : memref<1024x4096xf32, #tpu.memory_space<hbm>> -> memref<1x4096xf32, #tpu.memory_space<hbm>>
        %dma_start3A_565 = tpu.memref_squeeze %dma_start3A_564 : memref<1x4096xf32, #tpu.memory_space<hbm>> -> memref<4096xf32, #tpu.memory_space<hbm>>
        tpu.enqueue_dma source(%dma_start3A_565 : memref<4096xf32, #tpu.memory_space<hbm>>) target(%arg9 : memref<4096xf32, #tpu.memory_space<vmem>>) target_semaphore(%run_scoped3A : memref<!tpu.dma_semaphore, #tpu.memory_space<semaphore_mem>>)
        %dma_wait3A_566 = arith.constant 0 : i32
        %dma_wait3A_567 = tpu.memref_slice %arg2[%add3A_13, %dma_wait3A_566] : memref<1024x4096xf32, #tpu.memory_space<hbm>> -> memref<1x4096xf32, #tpu.memory_space<hbm>>
        %dma_wait3A_568 = tpu.memref_squeeze %dma_wait3A_567 : memref<1x4096xf32, #tpu.memory_space<hbm>> -> memref<4096xf32, #tpu.memory_space<hbm>>
        %dma_wait3A_569 = arith.constant 0 : i32
        %dma_wait3A_570 = tpu.memref_slice %arg2[%add3A_13, %dma_wait3A_569] : memref<1024x4096xf32, #tpu.memory_space<hbm>> -> memref<1x4096xf32, #tpu.memory_space<hbm>>
        %dma_wait3A_571 = tpu.memref_squeeze %dma_wait3A_570 : memref<1x4096xf32, #tpu.memory_space<hbm>> -> memref<4096xf32, #tpu.memory_space<hbm>>
        tpu.wait_dma2 semaphore(%run_scoped3A : memref<!tpu.dma_semaphore, #tpu.memory_space<semaphore_mem>>) src(%dma_wait3A_571 : memref<4096xf32, #tpu.memory_space<hbm>>) dst(%arg9 : memref<4096xf32, #tpu.memory_space<vmem>>)
        tpu.yield
      }) : () -> ()
      %broadcast_in_dim3A = vector.broadcast %add3A_11 : i32 to vector<16xi32>
      %gather3A = tpu.vector_load_idx %arg8[%broadcast_in_dim3A] : memref<512xf32, #tpu.memory_space<vmem>>[vector<16xi32>], vector<16xf32>,
      %broadcast_in_dim3A_19 = arith.constant 0 : i32
      %broadcast_in_dim3A_20 = vector.broadcast %broadcast_in_dim3A_19 : i32 to vector<16xi32>
      %scan3A_21 = arith.constant 0 : i32
      %scan3A_22 = arith.constant 16 : i32
      %scan3A_23 = arith.addi %scan3A_21, %scan3A_22 : i32
      %scan3A_24 = arith.constant 1 : i32
      %scan3A_25 = scf.for %scan3A_560 = %scan3A_21 to %scan3A_23 step %scan3A_24 iter_args(%scan3A_561 = %broadcast_in_dim3A_20) -> (vector<16xi32>)  : i32 {
        %mul3A_562 = arith.constant 16 : i32
        %mul3A_563 = arith.muli %scan3A_560, %mul3A_562 : i32
        %get3A_564 = arith.index_cast %mul3A_563 : i32 to index
        %get3A_565 = tpu.vector_load %arg10[%get3A_564] {strides = array<i32>} : memref<256xf32, #tpu.memory_space<vmem>>, vector<16xf32>,
        %ge3A = arith.cmpf oge, %get3A_565, %gather3A : vector<16xf32>
        %convert_element_type3A = arith.extui %ge3A : vector<16xi1> to vector<16xi32>
        %broadcast_in_dim3A_566 = arith.constant true
        %broadcast_in_dim3A_567 = vector.broadcast %broadcast_in_dim3A_566 : i1 to vector<16xi1>
        %masked_cumsum3A = tpu.scan <sum>, %convert_element_type3A masked %broadcast_in_dim3A_567 : vector<16xi32>, vector<16xi1> -> vector<16xi32>
        %add3A_568 = arith.addi %scan3A_561, %masked_cumsum3A : vector<16xi32>
        %sub3A = arith.subi %add3A_568, %convert_element_type3A : vector<16xi32>
        %min3A_569 = arith.constant 63 : i32
        %min3A_570 = vector.broadcast %min3A_569 : i32 to vector<16xi32>
        %min3A_571 = arith.minsi %sub3A, %min3A_570 : vector<16xi32>
        %mul3A_572 = arith.constant 16 : i32
        %mul3A_573 = arith.muli %scan3A_560, %mul3A_572 : i32
        %add3A_574 = vector.broadcast %mul3A_573 : i32 to vector<16xi32>
        %add3A_575 = arith.addi %iota3A, %add3A_574 : vector<16xi32>
        tpu.vector_store_idx %arg12[%min3A_571], %add3A_575 masked %ge3A : memref<64xi32, #tpu.memory_space<vmem>>[vector<16xi32>], vector<16xi32>, vector<16xi1>
        %all_reduce_population_count3A = tpu.all_reduce %ge3A {dim = 0 : i64, kind = #tpu.reduction_kind<sum>} : vector<16xi1> -> vector<16xi32>
        %add3A_576 = arith.addi %scan3A_561, %all_reduce_population_count3A : vector<16xi32>
        scf.yield %add3A_576 : vector<16xi32>
      }
      %scan3A_26 = arith.constant 16 : i32
      %broadcast_in_dim3A_27 = arith.constant 0 : i32
      %broadcast_in_dim3A_28 = vector.broadcast %broadcast_in_dim3A_27 : i32 to vector<16xi32>
      %scan3A_29 = arith.constant 0 : i32
      %scan3A_30 = arith.constant 48 : i32
      %scan3A_31 = arith.addi %scan3A_29, %scan3A_30 : i32
      %scan3A_32 = arith.constant 1 : i32
      %scan3A_33 = scf.for %scan3A_560 = %scan3A_29 to %scan3A_31 step %scan3A_32 iter_args(%scan3A_561 = %broadcast_in_dim3A_28) -> (vector<16xi32>)  : i32 {
        %broadcast_in_dim3A_562 = vector.broadcast %scan3A_560 : i32 to vector<16xi32>
        %min3A_563 = arith.constant 63 : i32
        %min3A_564 = vector.broadcast %min3A_563 : i32 to vector<16xi32>
        %min3A_565 = arith.minsi %broadcast_in_dim3A_562, %min3A_564 : vector<16xi32>
        %gather3A_566 = tpu.vector_load_idx %arg12[%min3A_565] : memref<64xi32, #tpu.memory_space<vmem>>[vector<16xi32>], vector<16xi32>,
        %lt3A_567 = arith.cmpi slt, %broadcast_in_dim3A_562, %scan3A_25 : vector<16xi32>
        %mul3A_568 = arith.constant 256 : i32
        %mul3A_569 = vector.broadcast %mul3A_568 : i32 to vector<16xi32>
        %mul3A_570 = arith.muli %iota3A, %mul3A_569 : vector<16xi32>
        %add3A_571 = arith.addi %gather3A_566, %mul3A_570 : vector<16xi32>
        %jit3A_572 = arith.constant 0 : i32
        %broadcast_in_dim3A_573 = vector.broadcast %jit3A_572 : i32 to vector<16xi32>
        %select_n3A_574 = arith.select %lt3A_567, %add3A_571, %broadcast_in_dim3A_573 : vector<16xi1>, vector<16xi32>
        %gather3A_575 = tpu.vector_load_idx %arg9[%select_n3A_574] : memref<4096xf32, #tpu.memory_space<vmem>>[vector<16xi32>], vector<16xf32>,
        %ge3A = arith.cmpf oge, %gather3A_575, %gather3A : vector<16xf32>
        %and3A_576 = arith.andi %ge3A, %lt3A_567 : vector<16xi1>
        %convert_element_type3A = arith.extui %and3A_576 : vector<16xi1> to vector<16xi32>
        %broadcast_in_dim3A_577 = arith.constant true
        %broadcast_in_dim3A_578 = vector.broadcast %broadcast_in_dim3A_577 : i1 to vector<16xi1>
        %masked_cumsum3A = tpu.scan <sum>, %convert_element_type3A masked %broadcast_in_dim3A_578 : vector<16xi32>, vector<16xi1> -> vector<16xi32>
        %add3A_579 = arith.addi %scan3A_561, %masked_cumsum3A : vector<16xi32>
        %sub3A = arith.subi %add3A_579, %convert_element_type3A : vector<16xi32>
        %min3A_580 = arith.constant 79 : i32
        %min3A_581 = vector.broadcast %min3A_580 : i32 to vector<16xi32>
        %min3A_582 = arith.minsi %sub3A, %min3A_581 : vector<16xi32>
        tpu.vector_store_idx %arg13[%min3A_582], %add3A_571 masked %and3A_576 : memref<96xi32, #tpu.memory_space<vmem>>[vector<16xi32>], vector<16xi32>, vector<16xi1>
        %all_reduce_population_count3A = tpu.all_reduce %and3A_576 {dim = 0 : i64, kind = #tpu.reduction_kind<sum>} : vector<16xi1> -> vector<16xi32>
        %add3A_583 = arith.addi %scan3A_561, %all_reduce_population_count3A : vector<16xi32>
        scf.yield %add3A_583 : vector<16xi32>
      }
      %scan3A_34 = arith.constant 48 : i32
      %min3A = arith.constant 64 : i32
      %min3A_35 = vector.broadcast %min3A : i32 to vector<16xi32>
      %min3A_36 = arith.minsi %scan3A_33, %min3A_35 : vector<16xi32>
      %dma_wait3A = arith.constant 0 : i32
      %dma_wait3A_37 = tpu.memref_slice %arg5[%add3A_13, %dma_wait3A] : memref<1024x32768xf32, #tpu.memory_space<hbm>> -> memref<1x32768xf32, #tpu.memory_space<hbm>>
      %dma_wait3A_38 = tpu.memref_squeeze %dma_wait3A_37 : memref<1x32768xf32, #tpu.memory_space<hbm>> -> memref<32768xf32, #tpu.memory_space<hbm>>
      %dma_wait3A_39 = arith.constant 0 : i32
      %dma_wait3A_40 = tpu.memref_slice %arg5[%add3A_13, %dma_wait3A_39] : memref<1024x32768xf32, #tpu.memory_space<hbm>> -> memref<1x32768xf32, #tpu.memory_space<hbm>>
      %dma_wait3A_41 = tpu.memref_squeeze %dma_wait3A_40 : memref<1x32768xf32, #tpu.memory_space<hbm>> -> memref<32768xf32, #tpu.memory_space<hbm>>
      tpu.wait_dma2 semaphore(%arg16 : memref<!tpu.dma_semaphore, #tpu.memory_space<semaphore_mem>>) src(%dma_wait3A_41 : memref<32768xf32, #tpu.memory_space<hbm>>) dst(%arg11 : memref<32768xf32, #tpu.memory_space<vmem>>)
      %get3A = arith.constant 0 : index
      %get3A_42 = tpu.vector_load %arg13[%get3A] {strides = array<i32>} : memref<96xi32, #tpu.memory_space<vmem>>, vector<16xi32>,
      %add3A_43 = arith.constant 0 : i32
      %add3A_44 = vector.broadcast %add3A_43 : i32 to vector<16xi32>
      %add3A_45 = arith.addi %iota3A, %add3A_44 : vector<16xi32>
      %lt3A = arith.cmpi slt, %add3A_45, %min3A_36 : vector<16xi32>
      %jit3A = arith.constant 0 : i32
      %broadcast_in_dim3A_46 = vector.broadcast %jit3A : i32 to vector<16xi32>
      %select_n3A = arith.select %lt3A, %get3A_42, %broadcast_in_dim3A_46 : vector<16xi1>, vector<16xi32>
      %shift_right_arithmetic3A = arith.constant 7 : i32
      %shift_right_arithmetic3A_47 = vector.broadcast %shift_right_arithmetic3A : i32 to vector<16xi32>
      %shift_right_arithmetic3A_48 = arith.shrsi %select_n3A, %shift_right_arithmetic3A_47 : vector<16xi32>
      %mul3A_49 = arith.constant 1024 : i32
      %mul3A_50 = vector.broadcast %mul3A_49 : i32 to vector<16xi32>
      %mul3A_51 = arith.muli %shift_right_arithmetic3A_48, %mul3A_50 : vector<16xi32>
      %and3A = arith.constant 127 : i32
      %and3A_52 = vector.broadcast %and3A : i32 to vector<16xi32>
      %and3A_53 = arith.andi %select_n3A, %and3A_52 : vector<16xi32>
      %add3A_54 = arith.addi %mul3A_51, %and3A_53 : vector<16xi32>
      %add3A_55 = arith.constant 0 : i32
      %add3A_56 = vector.broadcast %add3A_55 : i32 to vector<16xi32>
      %add3A_57 = arith.addi %add3A_54, %add3A_56 : vector<16xi32>
      %jit3A_58 = arith.constant 0 : i32
      %broadcast_in_dim3A_59 = vector.broadcast %jit3A_58 : i32 to vector<16xi32>
      %select_n3A_60 = arith.select %lt3A, %add3A_57, %broadcast_in_dim3A_59 : vector<16xi1>, vector<16xi32>
      %gather3A_61 = tpu.vector_load_idx %arg11[%select_n3A_60] : memref<32768xf32, #tpu.memory_space<vmem>>[vector<16xi32>], vector<16xf32>,
      %swap3A = arith.constant 0 : index
      %swap3A_62 = tpu.vector_load %arg14[%swap3A] {strides = array<i32>} : memref<512xf32, #tpu.memory_space<vmem>>, vector<16xf32>,
      tpu.vector_store %arg14[%swap3A], %gather3A_61 {strides = array<i32>} : memref<512xf32, #tpu.memory_space<vmem>>, vector<16xf32>,
      %jit3A_63 = arith.constant -1 : i32
      %broadcast_in_dim3A_64 = vector.broadcast %jit3A_63 : i32 to vector<16xi32>
      %select_n3A_65 = arith.select %lt3A, %add3A_57, %broadcast_in_dim3A_64 : vector<16xi1>, vector<16xi32>
      %swap3A_66 = arith.constant 0 : index
      %swap3A_67 = tpu.vector_load %arg15[%swap3A_66] {strides = array<i32>} : memref<512xi32, #tpu.memory_space<vmem>>, vector<16xi32>,
      tpu.vector_store %arg15[%swap3A_66], %select_n3A_65 {strides = array<i32>} : memref<512xi32, #tpu.memory_space<vmem>>, vector<16xi32>,
      %add3A_68 = arith.constant 128 : i32
      %add3A_69 = vector.broadcast %add3A_68 : i32 to vector<16xi32>
      %add3A_70 = arith.addi %add3A_54, %add3A_69 : vector<16xi32>
      %jit3A_71 = arith.constant 0 : i32
      %broadcast_in_dim3A_72 = vector.broadcast %jit3A_71 : i32 to vector<16xi32>
      %select_n3A_73 = arith.select %lt3A, %add3A_70, %broadcast_in_dim3A_72 : vector<16xi1>, vector<16xi32>
      %gather3A_74 = tpu.vector_load_idx %arg11[%select_n3A_73] : memref<32768xf32, #tpu.memory_space<vmem>>[vector<16xi32>], vector<16xf32>,
      %swap3A_75 = arith.constant 16 : index
      %swap3A_76 = tpu.vector_load %arg14[%swap3A_75] {strides = array<i32>} : memref<512xf32, #tpu.memory_space<vmem>>, vector<16xf32>,
      tpu.vector_store %arg14[%swap3A_75], %gather3A_74 {strides = array<i32>} : memref<512xf32, #tpu.memory_space<vmem>>, vector<16xf32>,
      %jit3A_77 = arith.constant -1 : i32
      %broadcast_in_dim3A_78 = vector.broadcast %jit3A_77 : i32 to vector<16xi32>
      %select_n3A_79 = arith.select %lt3A, %add3A_70, %broadcast_in_dim3A_78 : vector<16xi1>, vector<16xi32>
      %swap3A_80 = arith.constant 16 : index
      %swap3A_81 = tpu.vector_load %arg15[%swap3A_80] {strides = array<i32>} : memref<512xi32, #tpu.memory_space<vmem>>, vector<16xi32>,
      tpu.vector_store %arg15[%swap3A_80], %select_n3A_79 {strides = array<i32>} : memref<512xi32, #tpu.memory_space<vmem>>, vector<16xi32>,
      %add3A_82 = arith.constant 256 : i32
      %add3A_83 = vector.broadcast %add3A_82 : i32 to vector<16xi32>
      %add3A_84 = arith.addi %add3A_54, %add3A_83 : vector<16xi32>
      %jit3A_85 = arith.constant 0 : i32
      %broadcast_in_dim3A_86 = vector.broadcast %jit3A_85 : i32 to vector<16xi32>
      %select_n3A_87 = arith.select %lt3A, %add3A_84, %broadcast_in_dim3A_86 : vector<16xi1>, vector<16xi32>
      %gather3A_88 = tpu.vector_load_idx %arg11[%select_n3A_87] : memref<32768xf32, #tpu.memory_space<vmem>>[vector<16xi32>], vector<16xf32>,
      %swap3A_89 = arith.constant 32 : index
      %swap3A_90 = tpu.vector_load %arg14[%swap3A_89] {strides = array<i32>} : memref<512xf32, #tpu.memory_space<vmem>>, vector<16xf32>,
      tpu.vector_store %arg14[%swap3A_89], %gather3A_88 {strides = array<i32>} : memref<512xf32, #tpu.memory_space<vmem>>, vector<16xf32>,
      %jit3A_91 = arith.constant -1 : i32
      %broadcast_in_dim3A_92 = vector.broadcast %jit3A_91 : i32 to vector<16xi32>
      %select_n3A_93 = arith.select %lt3A, %add3A_84, %broadcast_in_dim3A_92 : vector<16xi1>, vector<16xi32>
      %swap3A_94 = arith.constant 32 : index
      %swap3A_95 = tpu.vector_load %arg15[%swap3A_94] {strides = array<i32>} : memref<512xi32, #tpu.memory_space<vmem>>, vector<16xi32>,
      tpu.vector_store %arg15[%swap3A_94], %select_n3A_93 {strides = array<i32>} : memref<512xi32, #tpu.memory_space<vmem>>, vector<16xi32>,
      %add3A_96 = arith.constant 384 : i32
      %add3A_97 = vector.broadcast %add3A_96 : i32 to vector<16xi32>
      %add3A_98 = arith.addi %add3A_54, %add3A_97 : vector<16xi32>
      %jit3A_99 = arith.constant 0 : i32
      %broadcast_in_dim3A_100 = vector.broadcast %jit3A_99 : i32 to vector<16xi32>
      %select_n3A_101 = arith.select %lt3A, %add3A_98, %broadcast_in_dim3A_100 : vector<16xi1>, vector<16xi32>
      %gather3A_102 = tpu.vector_load_idx %arg11[%select_n3A_101] : memref<32768xf32, #tpu.memory_space<vmem>>[vector<16xi32>], vector<16xf32>,
      %swap3A_103 = arith.constant 48 : index
      %swap3A_104 = tpu.vector_load %arg14[%swap3A_103] {strides = array<i32>} : memref<512xf32, #tpu.memory_space<vmem>>, vector<16xf32>,
      tpu.vector_store %arg14[%swap3A_103], %gather3A_102 {strides = array<i32>} : memref<512xf32, #tpu.memory_space<vmem>>, vector<16xf32>,
      %jit3A_105 = arith.constant -1 : i32
      %broadcast_in_dim3A_106 = vector.broadcast %jit3A_105 : i32 to vector<16xi32>
      %select_n3A_107 = arith.select %lt3A, %add3A_98, %broadcast_in_dim3A_106 : vector<16xi1>, vector<16xi32>
      %swap3A_108 = arith.constant 48 : index
      %swap3A_109 = tpu.vector_load %arg15[%swap3A_108] {strides = array<i32>} : memref<512xi32, #tpu.memory_space<vmem>>, vector<16xi32>,
      tpu.vector_store %arg15[%swap3A_108], %select_n3A_107 {strides = array<i32>} : memref<512xi32, #tpu.memory_space<vmem>>, vector<16xi32>,
      %add3A_110 = arith.constant 512 : i32
      %add3A_111 = vector.broadcast %add3A_110 : i32 to vector<16xi32>
      %add3A_112 = arith.addi %add3A_54, %add3A_111 : vector<16xi32>
      %jit3A_113 = arith.constant 0 : i32
      %broadcast_in_dim3A_114 = vector.broadcast %jit3A_113 : i32 to vector<16xi32>
      %select_n3A_115 = arith.select %lt3A, %add3A_112, %broadcast_in_dim3A_114 : vector<16xi1>, vector<16xi32>
      %gather3A_116 = tpu.vector_load_idx %arg11[%select_n3A_115] : memref<32768xf32, #tpu.memory_space<vmem>>[vector<16xi32>], vector<16xf32>,
      %swap3A_117 = arith.constant 64 : index
      %swap3A_118 = tpu.vector_load %arg14[%swap3A_117] {strides = array<i32>} : memref<512xf32, #tpu.memory_space<vmem>>, vector<16xf32>,
      tpu.vector_store %arg14[%swap3A_117], %gather3A_116 {strides = array<i32>} : memref<512xf32, #tpu.memory_space<vmem>>, vector<16xf32>,
      %jit3A_119 = arith.constant -1 : i32
      %broadcast_in_dim3A_120 = vector.broadcast %jit3A_119 : i32 to vector<16xi32>
      %select_n3A_121 = arith.select %lt3A, %add3A_112, %broadcast_in_dim3A_120 : vector<16xi1>, vector<16xi32>
      %swap3A_122 = arith.constant 64 : index
      %swap3A_123 = tpu.vector_load %arg15[%swap3A_122] {strides = array<i32>} : memref<512xi32, #tpu.memory_space<vmem>>, vector<16xi32>,
      tpu.vector_store %arg15[%swap3A_122], %select_n3A_121 {strides = array<i32>} : memref<512xi32, #tpu.memory_space<vmem>>, vector<16xi32>,
      %add3A_124 = arith.constant 640 : i32
      %add3A_125 = vector.broadcast %add3A_124 : i32 to vector<16xi32>
      %add3A_126 = arith.addi %add3A_54, %add3A_125 : vector<16xi32>
      %jit3A_127 = arith.constant 0 : i32
      %broadcast_in_dim3A_128 = vector.broadcast %jit3A_127 : i32 to vector<16xi32>
      %select_n3A_129 = arith.select %lt3A, %add3A_126, %broadcast_in_dim3A_128 : vector<16xi1>, vector<16xi32>
      %gather3A_130 = tpu.vector_load_idx %arg11[%select_n3A_129] : memref<32768xf32, #tpu.memory_space<vmem>>[vector<16xi32>], vector<16xf32>,
      %swap3A_131 = arith.constant 80 : index
      %swap3A_132 = tpu.vector_load %arg14[%swap3A_131] {strides = array<i32>} : memref<512xf32, #tpu.memory_space<vmem>>, vector<16xf32>,
      tpu.vector_store %arg14[%swap3A_131], %gather3A_130 {strides = array<i32>} : memref<512xf32, #tpu.memory_space<vmem>>, vector<16xf32>,
      %jit3A_133 = arith.constant -1 : i32
      %broadcast_in_dim3A_134 = vector.broadcast %jit3A_133 : i32 to vector<16xi32>
      %select_n3A_135 = arith.select %lt3A, %add3A_126, %broadcast_in_dim3A_134 : vector<16xi1>, vector<16xi32>
      %swap3A_136 = arith.constant 80 : index
      %swap3A_137 = tpu.vector_load %arg15[%swap3A_136] {strides = array<i32>} : memref<512xi32, #tpu.memory_space<vmem>>, vector<16xi32>,
      tpu.vector_store %arg15[%swap3A_136], %select_n3A_135 {strides = array<i32>} : memref<512xi32, #tpu.memory_space<vmem>>, vector<16xi32>,
      %add3A_138 = arith.constant 768 : i32
      %add3A_139 = vector.broadcast %add3A_138 : i32 to vector<16xi32>
      %add3A_140 = arith.addi %add3A_54, %add3A_139 : vector<16xi32>
      %jit3A_141 = arith.constant 0 : i32
      %broadcast_in_dim3A_142 = vector.broadcast %jit3A_141 : i32 to vector<16xi32>
      %select_n3A_143 = arith.select %lt3A, %add3A_140, %broadcast_in_dim3A_142 : vector<16xi1>, vector<16xi32>
      %gather3A_144 = tpu.vector_load_idx %arg11[%select_n3A_143] : memref<32768xf32, #tpu.memory_space<vmem>>[vector<16xi32>], vector<16xf32>,
      %swap3A_145 = arith.constant 96 : index
      %swap3A_146 = tpu.vector_load %arg14[%swap3A_145] {strides = array<i32>} : memref<512xf32, #tpu.memory_space<vmem>>, vector<16xf32>,
      tpu.vector_store %arg14[%swap3A_145], %gather3A_144 {strides = array<i32>} : memref<512xf32, #tpu.memory_space<vmem>>, vector<16xf32>,
      %jit3A_147 = arith.constant -1 : i32
      %broadcast_in_dim3A_148 = vector.broadcast %jit3A_147 : i32 to vector<16xi32>
      %select_n3A_149 = arith.select %lt3A, %add3A_140, %broadcast_in_dim3A_148 : vector<16xi1>, vector<16xi32>
      %swap3A_150 = arith.constant 96 : index
      %swap3A_151 = tpu.vector_load %arg15[%swap3A_150] {strides = array<i32>} : memref<512xi32, #tpu.memory_space<vmem>>, vector<16xi32>,
      tpu.vector_store %arg15[%swap3A_150], %select_n3A_149 {strides = array<i32>} : memref<512xi32, #tpu.memory_space<vmem>>, vector<16xi32>,
      %add3A_152 = arith.constant 896 : i32
      %add3A_153 = vector.broadcast %add3A_152 : i32 to vector<16xi32>
      %add3A_154 = arith.addi %add3A_54, %add3A_153 : vector<16xi32>
      %jit3A_155 = arith.constant 0 : i32
      %broadcast_in_dim3A_156 = vector.broadcast %jit3A_155 : i32 to vector<16xi32>
      %select_n3A_157 = arith.select %lt3A, %add3A_154, %broadcast_in_dim3A_156 : vector<16xi1>, vector<16xi32>
      %gather3A_158 = tpu.vector_load_idx %arg11[%select_n3A_157] : memref<32768xf32, #tpu.memory_space<vmem>>[vector<16xi32>], vector<16xf32>,
      %swap3A_159 = arith.constant 112 : index
      %swap3A_160 = tpu.vector_load %arg14[%swap3A_159] {strides = array<i32>} : memref<512xf32, #tpu.memory_space<vmem>>, vector<16xf32>,
      tpu.vector_store %arg14[%swap3A_159], %gather3A_158 {strides = array<i32>} : memref<512xf32, #tpu.memory_space<vmem>>, vector<16xf32>,
      %jit3A_161 = arith.constant -1 : i32
      %broadcast_in_dim3A_162 = vector.broadcast %jit3A_161 : i32 to vector<16xi32>
      %select_n3A_163 = arith.select %lt3A, %add3A_154, %broadcast_in_dim3A_162 : vector<16xi1>, vector<16xi32>
      %swap3A_164 = arith.constant 112 : index
      %swap3A_165 = tpu.vector_load %arg15[%swap3A_164] {strides = array<i32>} : memref<512xi32, #tpu.memory_space<vmem>>, vector<16xi32>,
      tpu.vector_store %arg15[%swap3A_164], %select_n3A_163 {strides = array<i32>} : memref<512xi32, #tpu.memory_space<vmem>>, vector<16xi32>,
      %get3A_166 = arith.constant 16 : index
      %get3A_167 = tpu.vector_load %arg13[%get3A_166] {strides = array<i32>} : memref<96xi32, #tpu.memory_space<vmem>>, vector<16xi32>,
      %add3A_168 = arith.constant 16 : i32
      %add3A_169 = vector.broadcast %add3A_168 : i32 to vector<16xi32>
      %add3A_170 = arith.addi %iota3A, %add3A_169 : vector<16xi32>
      %lt3A_171 = arith.cmpi slt, %add3A_170, %min3A_36 : vector<16xi32>
      %jit3A_172 = arith.constant 0 : i32
      %broadcast_in_dim3A_173 = vector.broadcast %jit3A_172 : i32 to vector<16xi32>
      %select_n3A_174 = arith.select %lt3A_171, %get3A_167, %broadcast_in_dim3A_173 : vector<16xi1>, vector<16xi32>
      %shift_right_arithmetic3A_175 = arith.constant 7 : i32
      %shift_right_arithmetic3A_176 = vector.broadcast %shift_right_arithmetic3A_175 : i32 to vector<16xi32>
      %shift_right_arithmetic3A_177 = arith.shrsi %select_n3A_174, %shift_right_arithmetic3A_176 : vector<16xi32>
      %mul3A_178 = arith.constant 1024 : i32
      %mul3A_179 = vector.broadcast %mul3A_178 : i32 to vector<16xi32>
      %mul3A_180 = arith.muli %shift_right_arithmetic3A_177, %mul3A_179 : vector<16xi32>
      %and3A_181 = arith.constant 127 : i32
      %and3A_182 = vector.broadcast %and3A_181 : i32 to vector<16xi32>
      %and3A_183 = arith.andi %select_n3A_174, %and3A_182 : vector<16xi32>
      %add3A_184 = arith.addi %mul3A_180, %and3A_183 : vector<16xi32>
      %add3A_185 = arith.constant 0 : i32
      %add3A_186 = vector.broadcast %add3A_185 : i32 to vector<16xi32>
      %add3A_187 = arith.addi %add3A_184, %add3A_186 : vector<16xi32>
      %jit3A_188 = arith.constant 0 : i32
      %broadcast_in_dim3A_189 = vector.broadcast %jit3A_188 : i32 to vector<16xi32>
      %select_n3A_190 = arith.select %lt3A_171, %add3A_187, %broadcast_in_dim3A_189 : vector<16xi1>, vector<16xi32>
      %gather3A_191 = tpu.vector_load_idx %arg11[%select_n3A_190] : memref<32768xf32, #tpu.memory_space<vmem>>[vector<16xi32>], vector<16xf32>,
      %swap3A_192 = arith.constant 128 : index
      %swap3A_193 = tpu.vector_load %arg14[%swap3A_192] {strides = array<i32>} : memref<512xf32, #tpu.memory_space<vmem>>, vector<16xf32>,
      tpu.vector_store %arg14[%swap3A_192], %gather3A_191 {strides = array<i32>} : memref<512xf32, #tpu.memory_space<vmem>>, vector<16xf32>,
      %jit3A_194 = arith.constant -1 : i32
      %broadcast_in_dim3A_195 = vector.broadcast %jit3A_194 : i32 to vector<16xi32>
      %select_n3A_196 = arith.select %lt3A_171, %add3A_187, %broadcast_in_dim3A_195 : vector<16xi1>, vector<16xi32>
      %swap3A_197 = arith.constant 128 : index
      %swap3A_198 = tpu.vector_load %arg15[%swap3A_197] {strides = array<i32>} : memref<512xi32, #tpu.memory_space<vmem>>, vector<16xi32>,
      tpu.vector_store %arg15[%swap3A_197], %select_n3A_196 {strides = array<i32>} : memref<512xi32, #tpu.memory_space<vmem>>, vector<16xi32>,
      %add3A_199 = arith.constant 128 : i32
      %add3A_200 = vector.broadcast %add3A_199 : i32 to vector<16xi32>
      %add3A_201 = arith.addi %add3A_184, %add3A_200 : vector<16xi32>
      %jit3A_202 = arith.constant 0 : i32
      %broadcast_in_dim3A_203 = vector.broadcast %jit3A_202 : i32 to vector<16xi32>
      %select_n3A_204 = arith.select %lt3A_171, %add3A_201, %broadcast_in_dim3A_203 : vector<16xi1>, vector<16xi32>
      %gather3A_205 = tpu.vector_load_idx %arg11[%select_n3A_204] : memref<32768xf32, #tpu.memory_space<vmem>>[vector<16xi32>], vector<16xf32>,
      %swap3A_206 = arith.constant 144 : index
      %swap3A_207 = tpu.vector_load %arg14[%swap3A_206] {strides = array<i32>} : memref<512xf32, #tpu.memory_space<vmem>>, vector<16xf32>,
      tpu.vector_store %arg14[%swap3A_206], %gather3A_205 {strides = array<i32>} : memref<512xf32, #tpu.memory_space<vmem>>, vector<16xf32>,
      %jit3A_208 = arith.constant -1 : i32
      %broadcast_in_dim3A_209 = vector.broadcast %jit3A_208 : i32 to vector<16xi32>
      %select_n3A_210 = arith.select %lt3A_171, %add3A_201, %broadcast_in_dim3A_209 : vector<16xi1>, vector<16xi32>
      %swap3A_211 = arith.constant 144 : index
      %swap3A_212 = tpu.vector_load %arg15[%swap3A_211] {strides = array<i32>} : memref<512xi32, #tpu.memory_space<vmem>>, vector<16xi32>,
      tpu.vector_store %arg15[%swap3A_211], %select_n3A_210 {strides = array<i32>} : memref<512xi32, #tpu.memory_space<vmem>>, vector<16xi32>,
      %add3A_213 = arith.constant 256 : i32
      %add3A_214 = vector.broadcast %add3A_213 : i32 to vector<16xi32>
      %add3A_215 = arith.addi %add3A_184, %add3A_214 : vector<16xi32>
      %jit3A_216 = arith.constant 0 : i32
      %broadcast_in_dim3A_217 = vector.broadcast %jit3A_216 : i32 to vector<16xi32>
      %select_n3A_218 = arith.select %lt3A_171, %add3A_215, %broadcast_in_dim3A_217 : vector<16xi1>, vector<16xi32>
      %gather3A_219 = tpu.vector_load_idx %arg11[%select_n3A_218] : memref<32768xf32, #tpu.memory_space<vmem>>[vector<16xi32>], vector<16xf32>,
      %swap3A_220 = arith.constant 160 : index
      %swap3A_221 = tpu.vector_load %arg14[%swap3A_220] {strides = array<i32>} : memref<512xf32, #tpu.memory_space<vmem>>, vector<16xf32>,
      tpu.vector_store %arg14[%swap3A_220], %gather3A_219 {strides = array<i32>} : memref<512xf32, #tpu.memory_space<vmem>>, vector<16xf32>,
      %jit3A_222 = arith.constant -1 : i32
      %broadcast_in_dim3A_223 = vector.broadcast %jit3A_222 : i32 to vector<16xi32>
      %select_n3A_224 = arith.select %lt3A_171, %add3A_215, %broadcast_in_dim3A_223 : vector<16xi1>, vector<16xi32>
      %swap3A_225 = arith.constant 160 : index
      %swap3A_226 = tpu.vector_load %arg15[%swap3A_225] {strides = array<i32>} : memref<512xi32, #tpu.memory_space<vmem>>, vector<16xi32>,
      tpu.vector_store %arg15[%swap3A_225], %select_n3A_224 {strides = array<i32>} : memref<512xi32, #tpu.memory_space<vmem>>, vector<16xi32>,
      %add3A_227 = arith.constant 384 : i32
      %add3A_228 = vector.broadcast %add3A_227 : i32 to vector<16xi32>
      %add3A_229 = arith.addi %add3A_184, %add3A_228 : vector<16xi32>
      %jit3A_230 = arith.constant 0 : i32
      %broadcast_in_dim3A_231 = vector.broadcast %jit3A_230 : i32 to vector<16xi32>
      %select_n3A_232 = arith.select %lt3A_171, %add3A_229, %broadcast_in_dim3A_231 : vector<16xi1>, vector<16xi32>
      %gather3A_233 = tpu.vector_load_idx %arg11[%select_n3A_232] : memref<32768xf32, #tpu.memory_space<vmem>>[vector<16xi32>], vector<16xf32>,
      %swap3A_234 = arith.constant 176 : index
      %swap3A_235 = tpu.vector_load %arg14[%swap3A_234] {strides = array<i32>} : memref<512xf32, #tpu.memory_space<vmem>>, vector<16xf32>,
      tpu.vector_store %arg14[%swap3A_234], %gather3A_233 {strides = array<i32>} : memref<512xf32, #tpu.memory_space<vmem>>, vector<16xf32>,
      %jit3A_236 = arith.constant -1 : i32
      %broadcast_in_dim3A_237 = vector.broadcast %jit3A_236 : i32 to vector<16xi32>
      %select_n3A_238 = arith.select %lt3A_171, %add3A_229, %broadcast_in_dim3A_237 : vector<16xi1>, vector<16xi32>
      %swap3A_239 = arith.constant 176 : index
      %swap3A_240 = tpu.vector_load %arg15[%swap3A_239] {strides = array<i32>} : memref<512xi32, #tpu.memory_space<vmem>>, vector<16xi32>,
      tpu.vector_store %arg15[%swap3A_239], %select_n3A_238 {strides = array<i32>} : memref<512xi32, #tpu.memory_space<vmem>>, vector<16xi32>,
      %add3A_241 = arith.constant 512 : i32
      %add3A_242 = vector.broadcast %add3A_241 : i32 to vector<16xi32>
      %add3A_243 = arith.addi %add3A_184, %add3A_242 : vector<16xi32>
      %jit3A_244 = arith.constant 0 : i32
      %broadcast_in_dim3A_245 = vector.broadcast %jit3A_244 : i32 to vector<16xi32>
      %select_n3A_246 = arith.select %lt3A_171, %add3A_243, %broadcast_in_dim3A_245 : vector<16xi1>, vector<16xi32>
      %gather3A_247 = tpu.vector_load_idx %arg11[%select_n3A_246] : memref<32768xf32, #tpu.memory_space<vmem>>[vector<16xi32>], vector<16xf32>,
      %swap3A_248 = arith.constant 192 : index
      %swap3A_249 = tpu.vector_load %arg14[%swap3A_248] {strides = array<i32>} : memref<512xf32, #tpu.memory_space<vmem>>, vector<16xf32>,
      tpu.vector_store %arg14[%swap3A_248], %gather3A_247 {strides = array<i32>} : memref<512xf32, #tpu.memory_space<vmem>>, vector<16xf32>,
      %jit3A_250 = arith.constant -1 : i32
      %broadcast_in_dim3A_251 = vector.broadcast %jit3A_250 : i32 to vector<16xi32>
      %select_n3A_252 = arith.select %lt3A_171, %add3A_243, %broadcast_in_dim3A_251 : vector<16xi1>, vector<16xi32>
      %swap3A_253 = arith.constant 192 : index
      %swap3A_254 = tpu.vector_load %arg15[%swap3A_253] {strides = array<i32>} : memref<512xi32, #tpu.memory_space<vmem>>, vector<16xi32>,
      tpu.vector_store %arg15[%swap3A_253], %select_n3A_252 {strides = array<i32>} : memref<512xi32, #tpu.memory_space<vmem>>, vector<16xi32>,
      %add3A_255 = arith.constant 640 : i32
      %add3A_256 = vector.broadcast %add3A_255 : i32 to vector<16xi32>
      %add3A_257 = arith.addi %add3A_184, %add3A_256 : vector<16xi32>
      %jit3A_258 = arith.constant 0 : i32
      %broadcast_in_dim3A_259 = vector.broadcast %jit3A_258 : i32 to vector<16xi32>
      %select_n3A_260 = arith.select %lt3A_171, %add3A_257, %broadcast_in_dim3A_259 : vector<16xi1>, vector<16xi32>
      %gather3A_261 = tpu.vector_load_idx %arg11[%select_n3A_260] : memref<32768xf32, #tpu.memory_space<vmem>>[vector<16xi32>], vector<16xf32>,
      %swap3A_262 = arith.constant 208 : index
      %swap3A_263 = tpu.vector_load %arg14[%swap3A_262] {strides = array<i32>} : memref<512xf32, #tpu.memory_space<vmem>>, vector<16xf32>,
      tpu.vector_store %arg14[%swap3A_262], %gather3A_261 {strides = array<i32>} : memref<512xf32, #tpu.memory_space<vmem>>, vector<16xf32>,
      %jit3A_264 = arith.constant -1 : i32
      %broadcast_in_dim3A_265 = vector.broadcast %jit3A_264 : i32 to vector<16xi32>
      %select_n3A_266 = arith.select %lt3A_171, %add3A_257, %broadcast_in_dim3A_265 : vector<16xi1>, vector<16xi32>
      %swap3A_267 = arith.constant 208 : index
      %swap3A_268 = tpu.vector_load %arg15[%swap3A_267] {strides = array<i32>} : memref<512xi32, #tpu.memory_space<vmem>>, vector<16xi32>,
      tpu.vector_store %arg15[%swap3A_267], %select_n3A_266 {strides = array<i32>} : memref<512xi32, #tpu.memory_space<vmem>>, vector<16xi32>,
      %add3A_269 = arith.constant 768 : i32
      %add3A_270 = vector.broadcast %add3A_269 : i32 to vector<16xi32>
      %add3A_271 = arith.addi %add3A_184, %add3A_270 : vector<16xi32>
      %jit3A_272 = arith.constant 0 : i32
      %broadcast_in_dim3A_273 = vector.broadcast %jit3A_272 : i32 to vector<16xi32>
      %select_n3A_274 = arith.select %lt3A_171, %add3A_271, %broadcast_in_dim3A_273 : vector<16xi1>, vector<16xi32>
      %gather3A_275 = tpu.vector_load_idx %arg11[%select_n3A_274] : memref<32768xf32, #tpu.memory_space<vmem>>[vector<16xi32>], vector<16xf32>,
      %swap3A_276 = arith.constant 224 : index
      %swap3A_277 = tpu.vector_load %arg14[%swap3A_276] {strides = array<i32>} : memref<512xf32, #tpu.memory_space<vmem>>, vector<16xf32>,
      tpu.vector_store %arg14[%swap3A_276], %gather3A_275 {strides = array<i32>} : memref<512xf32, #tpu.memory_space<vmem>>, vector<16xf32>,
      %jit3A_278 = arith.constant -1 : i32
      %broadcast_in_dim3A_279 = vector.broadcast %jit3A_278 : i32 to vector<16xi32>
      %select_n3A_280 = arith.select %lt3A_171, %add3A_271, %broadcast_in_dim3A_279 : vector<16xi1>, vector<16xi32>
      %swap3A_281 = arith.constant 224 : index
      %swap3A_282 = tpu.vector_load %arg15[%swap3A_281] {strides = array<i32>} : memref<512xi32, #tpu.memory_space<vmem>>, vector<16xi32>,
      tpu.vector_store %arg15[%swap3A_281], %select_n3A_280 {strides = array<i32>} : memref<512xi32, #tpu.memory_space<vmem>>, vector<16xi32>,
      %add3A_283 = arith.constant 896 : i32
      %add3A_284 = vector.broadcast %add3A_283 : i32 to vector<16xi32>
      %add3A_285 = arith.addi %add3A_184, %add3A_284 : vector<16xi32>
      %jit3A_286 = arith.constant 0 : i32
      %broadcast_in_dim3A_287 = vector.broadcast %jit3A_286 : i32 to vector<16xi32>
      %select_n3A_288 = arith.select %lt3A_171, %add3A_285, %broadcast_in_dim3A_287 : vector<16xi1>, vector<16xi32>
      %gather3A_289 = tpu.vector_load_idx %arg11[%select_n3A_288] : memref<32768xf32, #tpu.memory_space<vmem>>[vector<16xi32>], vector<16xf32>,
      %swap3A_290 = arith.constant 240 : index
      %swap3A_291 = tpu.vector_load %arg14[%swap3A_290] {strides = array<i32>} : memref<512xf32, #tpu.memory_space<vmem>>, vector<16xf32>,
      tpu.vector_store %arg14[%swap3A_290], %gather3A_289 {strides = array<i32>} : memref<512xf32, #tpu.memory_space<vmem>>, vector<16xf32>,
      %jit3A_292 = arith.constant -1 : i32
      %broadcast_in_dim3A_293 = vector.broadcast %jit3A_292 : i32 to vector<16xi32>
      %select_n3A_294 = arith.select %lt3A_171, %add3A_285, %broadcast_in_dim3A_293 : vector<16xi1>, vector<16xi32>
      %swap3A_295 = arith.constant 240 : index
      %swap3A_296 = tpu.vector_load %arg15[%swap3A_295] {strides = array<i32>} : memref<512xi32, #tpu.memory_space<vmem>>, vector<16xi32>,
      tpu.vector_store %arg15[%swap3A_295], %select_n3A_294 {strides = array<i32>} : memref<512xi32, #tpu.memory_space<vmem>>, vector<16xi32>,
      %get3A_297 = arith.constant 32 : index
      %get3A_298 = tpu.vector_load %arg13[%get3A_297] {strides = array<i32>} : memref<96xi32, #tpu.memory_space<vmem>>, vector<16xi32>,
      %add3A_299 = arith.constant 32 : i32
      %add3A_300 = vector.broadcast %add3A_299 : i32 to vector<16xi32>
      %add3A_301 = arith.addi %iota3A, %add3A_300 : vector<16xi32>
      %lt3A_302 = arith.cmpi slt, %add3A_301, %min3A_36 : vector<16xi32>
      %jit3A_303 = arith.constant 0 : i32
      %broadcast_in_dim3A_304 = vector.broadcast %jit3A_303 : i32 to vector<16xi32>
      %select_n3A_305 = arith.select %lt3A_302, %get3A_298, %broadcast_in_dim3A_304 : vector<16xi1>, vector<16xi32>
      %shift_right_arithmetic3A_306 = arith.constant 7 : i32
      %shift_right_arithmetic3A_307 = vector.broadcast %shift_right_arithmetic3A_306 : i32 to vector<16xi32>
      %shift_right_arithmetic3A_308 = arith.shrsi %select_n3A_305, %shift_right_arithmetic3A_307 : vector<16xi32>
      %mul3A_309 = arith.constant 1024 : i32
      %mul3A_310 = vector.broadcast %mul3A_309 : i32 to vector<16xi32>
      %mul3A_311 = arith.muli %shift_right_arithmetic3A_308, %mul3A_310 : vector<16xi32>
      %and3A_312 = arith.constant 127 : i32
      %and3A_313 = vector.broadcast %and3A_312 : i32 to vector<16xi32>
      %and3A_314 = arith.andi %select_n3A_305, %and3A_313 : vector<16xi32>
      %add3A_315 = arith.addi %mul3A_311, %and3A_314 : vector<16xi32>
      %add3A_316 = arith.constant 0 : i32
      %add3A_317 = vector.broadcast %add3A_316 : i32 to vector<16xi32>
      %add3A_318 = arith.addi %add3A_315, %add3A_317 : vector<16xi32>
      %jit3A_319 = arith.constant 0 : i32
      %broadcast_in_dim3A_320 = vector.broadcast %jit3A_319 : i32 to vector<16xi32>
      %select_n3A_321 = arith.select %lt3A_302, %add3A_318, %broadcast_in_dim3A_320 : vector<16xi1>, vector<16xi32>
      %gather3A_322 = tpu.vector_load_idx %arg11[%select_n3A_321] : memref<32768xf32, #tpu.memory_space<vmem>>[vector<16xi32>], vector<16xf32>,
      %swap3A_323 = arith.constant 256 : index
      %swap3A_324 = tpu.vector_load %arg14[%swap3A_323] {strides = array<i32>} : memref<512xf32, #tpu.memory_space<vmem>>, vector<16xf32>,
      tpu.vector_store %arg14[%swap3A_323], %gather3A_322 {strides = array<i32>} : memref<512xf32, #tpu.memory_space<vmem>>, vector<16xf32>,
      %jit3A_325 = arith.constant -1 : i32
      %broadcast_in_dim3A_326 = vector.broadcast %jit3A_325 : i32 to vector<16xi32>
      %select_n3A_327 = arith.select %lt3A_302, %add3A_318, %broadcast_in_dim3A_326 : vector<16xi1>, vector<16xi32>
      %swap3A_328 = arith.constant 256 : index
      %swap3A_329 = tpu.vector_load %arg15[%swap3A_328] {strides = array<i32>} : memref<512xi32, #tpu.memory_space<vmem>>, vector<16xi32>,
      tpu.vector_store %arg15[%swap3A_328], %select_n3A_327 {strides = array<i32>} : memref<512xi32, #tpu.memory_space<vmem>>, vector<16xi32>,
      %add3A_330 = arith.constant 128 : i32
      %add3A_331 = vector.broadcast %add3A_330 : i32 to vector<16xi32>
      %add3A_332 = arith.addi %add3A_315, %add3A_331 : vector<16xi32>
      %jit3A_333 = arith.constant 0 : i32
      %broadcast_in_dim3A_334 = vector.broadcast %jit3A_333 : i32 to vector<16xi32>
      %select_n3A_335 = arith.select %lt3A_302, %add3A_332, %broadcast_in_dim3A_334 : vector<16xi1>, vector<16xi32>
      %gather3A_336 = tpu.vector_load_idx %arg11[%select_n3A_335] : memref<32768xf32, #tpu.memory_space<vmem>>[vector<16xi32>], vector<16xf32>,
      %swap3A_337 = arith.constant 272 : index
      %swap3A_338 = tpu.vector_load %arg14[%swap3A_337] {strides = array<i32>} : memref<512xf32, #tpu.memory_space<vmem>>, vector<16xf32>,
      tpu.vector_store %arg14[%swap3A_337], %gather3A_336 {strides = array<i32>} : memref<512xf32, #tpu.memory_space<vmem>>, vector<16xf32>,
      %jit3A_339 = arith.constant -1 : i32
      %broadcast_in_dim3A_340 = vector.broadcast %jit3A_339 : i32 to vector<16xi32>
      %select_n3A_341 = arith.select %lt3A_302, %add3A_332, %broadcast_in_dim3A_340 : vector<16xi1>, vector<16xi32>
      %swap3A_342 = arith.constant 272 : index
      %swap3A_343 = tpu.vector_load %arg15[%swap3A_342] {strides = array<i32>} : memref<512xi32, #tpu.memory_space<vmem>>, vector<16xi32>,
      tpu.vector_store %arg15[%swap3A_342], %select_n3A_341 {strides = array<i32>} : memref<512xi32, #tpu.memory_space<vmem>>, vector<16xi32>,
      %add3A_344 = arith.constant 256 : i32
      %add3A_345 = vector.broadcast %add3A_344 : i32 to vector<16xi32>
      %add3A_346 = arith.addi %add3A_315, %add3A_345 : vector<16xi32>
      %jit3A_347 = arith.constant 0 : i32
      %broadcast_in_dim3A_348 = vector.broadcast %jit3A_347 : i32 to vector<16xi32>
      %select_n3A_349 = arith.select %lt3A_302, %add3A_346, %broadcast_in_dim3A_348 : vector<16xi1>, vector<16xi32>
      %gather3A_350 = tpu.vector_load_idx %arg11[%select_n3A_349] : memref<32768xf32, #tpu.memory_space<vmem>>[vector<16xi32>], vector<16xf32>,
      %swap3A_351 = arith.constant 288 : index
      %swap3A_352 = tpu.vector_load %arg14[%swap3A_351] {strides = array<i32>} : memref<512xf32, #tpu.memory_space<vmem>>, vector<16xf32>,
      tpu.vector_store %arg14[%swap3A_351], %gather3A_350 {strides = array<i32>} : memref<512xf32, #tpu.memory_space<vmem>>, vector<16xf32>,
      %jit3A_353 = arith.constant -1 : i32
      %broadcast_in_dim3A_354 = vector.broadcast %jit3A_353 : i32 to vector<16xi32>
      %select_n3A_355 = arith.select %lt3A_302, %add3A_346, %broadcast_in_dim3A_354 : vector<16xi1>, vector<16xi32>
      %swap3A_356 = arith.constant 288 : index
      %swap3A_357 = tpu.vector_load %arg15[%swap3A_356] {strides = array<i32>} : memref<512xi32, #tpu.memory_space<vmem>>, vector<16xi32>,
      tpu.vector_store %arg15[%swap3A_356], %select_n3A_355 {strides = array<i32>} : memref<512xi32, #tpu.memory_space<vmem>>, vector<16xi32>,
      %add3A_358 = arith.constant 384 : i32
      %add3A_359 = vector.broadcast %add3A_358 : i32 to vector<16xi32>
      %add3A_360 = arith.addi %add3A_315, %add3A_359 : vector<16xi32>
      %jit3A_361 = arith.constant 0 : i32
      %broadcast_in_dim3A_362 = vector.broadcast %jit3A_361 : i32 to vector<16xi32>
      %select_n3A_363 = arith.select %lt3A_302, %add3A_360, %broadcast_in_dim3A_362 : vector<16xi1>, vector<16xi32>
      %gather3A_364 = tpu.vector_load_idx %arg11[%select_n3A_363] : memref<32768xf32, #tpu.memory_space<vmem>>[vector<16xi32>], vector<16xf32>,
      %swap3A_365 = arith.constant 304 : index
      %swap3A_366 = tpu.vector_load %arg14[%swap3A_365] {strides = array<i32>} : memref<512xf32, #tpu.memory_space<vmem>>, vector<16xf32>,
      tpu.vector_store %arg14[%swap3A_365], %gather3A_364 {strides = array<i32>} : memref<512xf32, #tpu.memory_space<vmem>>, vector<16xf32>,
      %jit3A_367 = arith.constant -1 : i32
      %broadcast_in_dim3A_368 = vector.broadcast %jit3A_367 : i32 to vector<16xi32>
      %select_n3A_369 = arith.select %lt3A_302, %add3A_360, %broadcast_in_dim3A_368 : vector<16xi1>, vector<16xi32>
      %swap3A_370 = arith.constant 304 : index
      %swap3A_371 = tpu.vector_load %arg15[%swap3A_370] {strides = array<i32>} : memref<512xi32, #tpu.memory_space<vmem>>, vector<16xi32>,
      tpu.vector_store %arg15[%swap3A_370], %select_n3A_369 {strides = array<i32>} : memref<512xi32, #tpu.memory_space<vmem>>, vector<16xi32>,
      %add3A_372 = arith.constant 512 : i32
      %add3A_373 = vector.broadcast %add3A_372 : i32 to vector<16xi32>
      %add3A_374 = arith.addi %add3A_315, %add3A_373 : vector<16xi32>
      %jit3A_375 = arith.constant 0 : i32
      %broadcast_in_dim3A_376 = vector.broadcast %jit3A_375 : i32 to vector<16xi32>
      %select_n3A_377 = arith.select %lt3A_302, %add3A_374, %broadcast_in_dim3A_376 : vector<16xi1>, vector<16xi32>
      %gather3A_378 = tpu.vector_load_idx %arg11[%select_n3A_377] : memref<32768xf32, #tpu.memory_space<vmem>>[vector<16xi32>], vector<16xf32>,
      %swap3A_379 = arith.constant 320 : index
      %swap3A_380 = tpu.vector_load %arg14[%swap3A_379] {strides = array<i32>} : memref<512xf32, #tpu.memory_space<vmem>>, vector<16xf32>,
      tpu.vector_store %arg14[%swap3A_379], %gather3A_378 {strides = array<i32>} : memref<512xf32, #tpu.memory_space<vmem>>, vector<16xf32>,
      %jit3A_381 = arith.constant -1 : i32
      %broadcast_in_dim3A_382 = vector.broadcast %jit3A_381 : i32 to vector<16xi32>
      %select_n3A_383 = arith.select %lt3A_302, %add3A_374, %broadcast_in_dim3A_382 : vector<16xi1>, vector<16xi32>
      %swap3A_384 = arith.constant 320 : index
      %swap3A_385 = tpu.vector_load %arg15[%swap3A_384] {strides = array<i32>} : memref<512xi32, #tpu.memory_space<vmem>>, vector<16xi32>,
      tpu.vector_store %arg15[%swap3A_384], %select_n3A_383 {strides = array<i32>} : memref<512xi32, #tpu.memory_space<vmem>>, vector<16xi32>,
      %add3A_386 = arith.constant 640 : i32
      %add3A_387 = vector.broadcast %add3A_386 : i32 to vector<16xi32>
      %add3A_388 = arith.addi %add3A_315, %add3A_387 : vector<16xi32>
      %jit3A_389 = arith.constant 0 : i32
      %broadcast_in_dim3A_390 = vector.broadcast %jit3A_389 : i32 to vector<16xi32>
      %select_n3A_391 = arith.select %lt3A_302, %add3A_388, %broadcast_in_dim3A_390 : vector<16xi1>, vector<16xi32>
      %gather3A_392 = tpu.vector_load_idx %arg11[%select_n3A_391] : memref<32768xf32, #tpu.memory_space<vmem>>[vector<16xi32>], vector<16xf32>,
      %swap3A_393 = arith.constant 336 : index
      %swap3A_394 = tpu.vector_load %arg14[%swap3A_393] {strides = array<i32>} : memref<512xf32, #tpu.memory_space<vmem>>, vector<16xf32>,
      tpu.vector_store %arg14[%swap3A_393], %gather3A_392 {strides = array<i32>} : memref<512xf32, #tpu.memory_space<vmem>>, vector<16xf32>,
      %jit3A_395 = arith.constant -1 : i32
      %broadcast_in_dim3A_396 = vector.broadcast %jit3A_395 : i32 to vector<16xi32>
      %select_n3A_397 = arith.select %lt3A_302, %add3A_388, %broadcast_in_dim3A_396 : vector<16xi1>, vector<16xi32>
      %swap3A_398 = arith.constant 336 : index
      %swap3A_399 = tpu.vector_load %arg15[%swap3A_398] {strides = array<i32>} : memref<512xi32, #tpu.memory_space<vmem>>, vector<16xi32>,
      tpu.vector_store %arg15[%swap3A_398], %select_n3A_397 {strides = array<i32>} : memref<512xi32, #tpu.memory_space<vmem>>, vector<16xi32>,
      %add3A_400 = arith.constant 768 : i32
      %add3A_401 = vector.broadcast %add3A_400 : i32 to vector<16xi32>
      %add3A_402 = arith.addi %add3A_315, %add3A_401 : vector<16xi32>
      %jit3A_403 = arith.constant 0 : i32
      %broadcast_in_dim3A_404 = vector.broadcast %jit3A_403 : i32 to vector<16xi32>
      %select_n3A_405 = arith.select %lt3A_302, %add3A_402, %broadcast_in_dim3A_404 : vector<16xi1>, vector<16xi32>
      %gather3A_406 = tpu.vector_load_idx %arg11[%select_n3A_405] : memref<32768xf32, #tpu.memory_space<vmem>>[vector<16xi32>], vector<16xf32>,
      %swap3A_407 = arith.constant 352 : index
      %swap3A_408 = tpu.vector_load %arg14[%swap3A_407] {strides = array<i32>} : memref<512xf32, #tpu.memory_space<vmem>>, vector<16xf32>,
      tpu.vector_store %arg14[%swap3A_407], %gather3A_406 {strides = array<i32>} : memref<512xf32, #tpu.memory_space<vmem>>, vector<16xf32>,
      %jit3A_409 = arith.constant -1 : i32
      %broadcast_in_dim3A_410 = vector.broadcast %jit3A_409 : i32 to vector<16xi32>
      %select_n3A_411 = arith.select %lt3A_302, %add3A_402, %broadcast_in_dim3A_410 : vector<16xi1>, vector<16xi32>
      %swap3A_412 = arith.constant 352 : index
      %swap3A_413 = tpu.vector_load %arg15[%swap3A_412] {strides = array<i32>} : memref<512xi32, #tpu.memory_space<vmem>>, vector<16xi32>,
      tpu.vector_store %arg15[%swap3A_412], %select_n3A_411 {strides = array<i32>} : memref<512xi32, #tpu.memory_space<vmem>>, vector<16xi32>,
      %add3A_414 = arith.constant 896 : i32
      %add3A_415 = vector.broadcast %add3A_414 : i32 to vector<16xi32>
      %add3A_416 = arith.addi %add3A_315, %add3A_415 : vector<16xi32>
      %jit3A_417 = arith.constant 0 : i32
      %broadcast_in_dim3A_418 = vector.broadcast %jit3A_417 : i32 to vector<16xi32>
      %select_n3A_419 = arith.select %lt3A_302, %add3A_416, %broadcast_in_dim3A_418 : vector<16xi1>, vector<16xi32>
      %gather3A_420 = tpu.vector_load_idx %arg11[%select_n3A_419] : memref<32768xf32, #tpu.memory_space<vmem>>[vector<16xi32>], vector<16xf32>,
      %swap3A_421 = arith.constant 368 : index
      %swap3A_422 = tpu.vector_load %arg14[%swap3A_421] {strides = array<i32>} : memref<512xf32, #tpu.memory_space<vmem>>, vector<16xf32>,
      tpu.vector_store %arg14[%swap3A_421], %gather3A_420 {strides = array<i32>} : memref<512xf32, #tpu.memory_space<vmem>>, vector<16xf32>,
      %jit3A_423 = arith.constant -1 : i32
      %broadcast_in_dim3A_424 = vector.broadcast %jit3A_423 : i32 to vector<16xi32>
      %select_n3A_425 = arith.select %lt3A_302, %add3A_416, %broadcast_in_dim3A_424 : vector<16xi1>, vector<16xi32>
      %swap3A_426 = arith.constant 368 : index
      %swap3A_427 = tpu.vector_load %arg15[%swap3A_426] {strides = array<i32>} : memref<512xi32, #tpu.memory_space<vmem>>, vector<16xi32>,
      tpu.vector_store %arg15[%swap3A_426], %select_n3A_425 {strides = array<i32>} : memref<512xi32, #tpu.memory_space<vmem>>, vector<16xi32>,
      %get3A_428 = arith.constant 48 : index
      %get3A_429 = tpu.vector_load %arg13[%get3A_428] {strides = array<i32>} : memref<96xi32, #tpu.memory_space<vmem>>, vector<16xi32>,
      %add3A_430 = arith.constant 48 : i32
      %add3A_431 = vector.broadcast %add3A_430 : i32 to vector<16xi32>
      %add3A_432 = arith.addi %iota3A, %add3A_431 : vector<16xi32>
      %lt3A_433 = arith.cmpi slt, %add3A_432, %min3A_36 : vector<16xi32>
      %jit3A_434 = arith.constant 0 : i32
      %broadcast_in_dim3A_435 = vector.broadcast %jit3A_434 : i32 to vector<16xi32>
      %select_n3A_436 = arith.select %lt3A_433, %get3A_429, %broadcast_in_dim3A_435 : vector<16xi1>, vector<16xi32>
      %shift_right_arithmetic3A_437 = arith.constant 7 : i32
      %shift_right_arithmetic3A_438 = vector.broadcast %shift_right_arithmetic3A_437 : i32 to vector<16xi32>
      %shift_right_arithmetic3A_439 = arith.shrsi %select_n3A_436, %shift_right_arithmetic3A_438 : vector<16xi32>
      %mul3A_440 = arith.constant 1024 : i32
      %mul3A_441 = vector.broadcast %mul3A_440 : i32 to vector<16xi32>
      %mul3A_442 = arith.muli %shift_right_arithmetic3A_439, %mul3A_441 : vector<16xi32>
      %and3A_443 = arith.constant 127 : i32
      %and3A_444 = vector.broadcast %and3A_443 : i32 to vector<16xi32>
      %and3A_445 = arith.andi %select_n3A_436, %and3A_444 : vector<16xi32>
      %add3A_446 = arith.addi %mul3A_442, %and3A_445 : vector<16xi32>
      %add3A_447 = arith.constant 0 : i32
      %add3A_448 = vector.broadcast %add3A_447 : i32 to vector<16xi32>
      %add3A_449 = arith.addi %add3A_446, %add3A_448 : vector<16xi32>
      %jit3A_450 = arith.constant 0 : i32
      %broadcast_in_dim3A_451 = vector.broadcast %jit3A_450 : i32 to vector<16xi32>
      %select_n3A_452 = arith.select %lt3A_433, %add3A_449, %broadcast_in_dim3A_451 : vector<16xi1>, vector<16xi32>
      %gather3A_453 = tpu.vector_load_idx %arg11[%select_n3A_452] : memref<32768xf32, #tpu.memory_space<vmem>>[vector<16xi32>], vector<16xf32>,
      %swap3A_454 = arith.constant 384 : index
      %swap3A_455 = tpu.vector_load %arg14[%swap3A_454] {strides = array<i32>} : memref<512xf32, #tpu.memory_space<vmem>>, vector<16xf32>,
      tpu.vector_store %arg14[%swap3A_454], %gather3A_453 {strides = array<i32>} : memref<512xf32, #tpu.memory_space<vmem>>, vector<16xf32>,
      %jit3A_456 = arith.constant -1 : i32
      %broadcast_in_dim3A_457 = vector.broadcast %jit3A_456 : i32 to vector<16xi32>
      %select_n3A_458 = arith.select %lt3A_433, %add3A_449, %broadcast_in_dim3A_457 : vector<16xi1>, vector<16xi32>
      %swap3A_459 = arith.constant 384 : index
      %swap3A_460 = tpu.vector_load %arg15[%swap3A_459] {strides = array<i32>} : memref<512xi32, #tpu.memory_space<vmem>>, vector<16xi32>,
      tpu.vector_store %arg15[%swap3A_459], %select_n3A_458 {strides = array<i32>} : memref<512xi32, #tpu.memory_space<vmem>>, vector<16xi32>,
      %add3A_461 = arith.constant 128 : i32
      %add3A_462 = vector.broadcast %add3A_461 : i32 to vector<16xi32>
      %add3A_463 = arith.addi %add3A_446, %add3A_462 : vector<16xi32>
      %jit3A_464 = arith.constant 0 : i32
      %broadcast_in_dim3A_465 = vector.broadcast %jit3A_464 : i32 to vector<16xi32>
      %select_n3A_466 = arith.select %lt3A_433, %add3A_463, %broadcast_in_dim3A_465 : vector<16xi1>, vector<16xi32>
      %gather3A_467 = tpu.vector_load_idx %arg11[%select_n3A_466] : memref<32768xf32, #tpu.memory_space<vmem>>[vector<16xi32>], vector<16xf32>,
      %swap3A_468 = arith.constant 400 : index
      %swap3A_469 = tpu.vector_load %arg14[%swap3A_468] {strides = array<i32>} : memref<512xf32, #tpu.memory_space<vmem>>, vector<16xf32>,
      tpu.vector_store %arg14[%swap3A_468], %gather3A_467 {strides = array<i32>} : memref<512xf32, #tpu.memory_space<vmem>>, vector<16xf32>,
      %jit3A_470 = arith.constant -1 : i32
      %broadcast_in_dim3A_471 = vector.broadcast %jit3A_470 : i32 to vector<16xi32>
      %select_n3A_472 = arith.select %lt3A_433, %add3A_463, %broadcast_in_dim3A_471 : vector<16xi1>, vector<16xi32>
      %swap3A_473 = arith.constant 400 : index
      %swap3A_474 = tpu.vector_load %arg15[%swap3A_473] {strides = array<i32>} : memref<512xi32, #tpu.memory_space<vmem>>, vector<16xi32>,
      tpu.vector_store %arg15[%swap3A_473], %select_n3A_472 {strides = array<i32>} : memref<512xi32, #tpu.memory_space<vmem>>, vector<16xi32>,
      %add3A_475 = arith.constant 256 : i32
      %add3A_476 = vector.broadcast %add3A_475 : i32 to vector<16xi32>
      %add3A_477 = arith.addi %add3A_446, %add3A_476 : vector<16xi32>
      %jit3A_478 = arith.constant 0 : i32
      %broadcast_in_dim3A_479 = vector.broadcast %jit3A_478 : i32 to vector<16xi32>
      %select_n3A_480 = arith.select %lt3A_433, %add3A_477, %broadcast_in_dim3A_479 : vector<16xi1>, vector<16xi32>
      %gather3A_481 = tpu.vector_load_idx %arg11[%select_n3A_480] : memref<32768xf32, #tpu.memory_space<vmem>>[vector<16xi32>], vector<16xf32>,
      %swap3A_482 = arith.constant 416 : index
      %swap3A_483 = tpu.vector_load %arg14[%swap3A_482] {strides = array<i32>} : memref<512xf32, #tpu.memory_space<vmem>>, vector<16xf32>,
      tpu.vector_store %arg14[%swap3A_482], %gather3A_481 {strides = array<i32>} : memref<512xf32, #tpu.memory_space<vmem>>, vector<16xf32>,
      %jit3A_484 = arith.constant -1 : i32
      %broadcast_in_dim3A_485 = vector.broadcast %jit3A_484 : i32 to vector<16xi32>
      %select_n3A_486 = arith.select %lt3A_433, %add3A_477, %broadcast_in_dim3A_485 : vector<16xi1>, vector<16xi32>
      %swap3A_487 = arith.constant 416 : index
      %swap3A_488 = tpu.vector_load %arg15[%swap3A_487] {strides = array<i32>} : memref<512xi32, #tpu.memory_space<vmem>>, vector<16xi32>,
      tpu.vector_store %arg15[%swap3A_487], %select_n3A_486 {strides = array<i32>} : memref<512xi32, #tpu.memory_space<vmem>>, vector<16xi32>,
      %add3A_489 = arith.constant 384 : i32
      %add3A_490 = vector.broadcast %add3A_489 : i32 to vector<16xi32>
      %add3A_491 = arith.addi %add3A_446, %add3A_490 : vector<16xi32>
      %jit3A_492 = arith.constant 0 : i32
      %broadcast_in_dim3A_493 = vector.broadcast %jit3A_492 : i32 to vector<16xi32>
      %select_n3A_494 = arith.select %lt3A_433, %add3A_491, %broadcast_in_dim3A_493 : vector<16xi1>, vector<16xi32>
      %gather3A_495 = tpu.vector_load_idx %arg11[%select_n3A_494] : memref<32768xf32, #tpu.memory_space<vmem>>[vector<16xi32>], vector<16xf32>,
      %swap3A_496 = arith.constant 432 : index
      %swap3A_497 = tpu.vector_load %arg14[%swap3A_496] {strides = array<i32>} : memref<512xf32, #tpu.memory_space<vmem>>, vector<16xf32>,
      tpu.vector_store %arg14[%swap3A_496], %gather3A_495 {strides = array<i32>} : memref<512xf32, #tpu.memory_space<vmem>>, vector<16xf32>,
      %jit3A_498 = arith.constant -1 : i32
      %broadcast_in_dim3A_499 = vector.broadcast %jit3A_498 : i32 to vector<16xi32>
      %select_n3A_500 = arith.select %lt3A_433, %add3A_491, %broadcast_in_dim3A_499 : vector<16xi1>, vector<16xi32>
      %swap3A_501 = arith.constant 432 : index
      %swap3A_502 = tpu.vector_load %arg15[%swap3A_501] {strides = array<i32>} : memref<512xi32, #tpu.memory_space<vmem>>, vector<16xi32>,
      tpu.vector_store %arg15[%swap3A_501], %select_n3A_500 {strides = array<i32>} : memref<512xi32, #tpu.memory_space<vmem>>, vector<16xi32>,
      %add3A_503 = arith.constant 512 : i32
      %add3A_504 = vector.broadcast %add3A_503 : i32 to vector<16xi32>
      %add3A_505 = arith.addi %add3A_446, %add3A_504 : vector<16xi32>
      %jit3A_506 = arith.constant 0 : i32
      %broadcast_in_dim3A_507 = vector.broadcast %jit3A_506 : i32 to vector<16xi32>
      %select_n3A_508 = arith.select %lt3A_433, %add3A_505, %broadcast_in_dim3A_507 : vector<16xi1>, vector<16xi32>
      %gather3A_509 = tpu.vector_load_idx %arg11[%select_n3A_508] : memref<32768xf32, #tpu.memory_space<vmem>>[vector<16xi32>], vector<16xf32>,
      %swap3A_510 = arith.constant 448 : index
      %swap3A_511 = tpu.vector_load %arg14[%swap3A_510] {strides = array<i32>} : memref<512xf32, #tpu.memory_space<vmem>>, vector<16xf32>,
      tpu.vector_store %arg14[%swap3A_510], %gather3A_509 {strides = array<i32>} : memref<512xf32, #tpu.memory_space<vmem>>, vector<16xf32>,
      %jit3A_512 = arith.constant -1 : i32
      %broadcast_in_dim3A_513 = vector.broadcast %jit3A_512 : i32 to vector<16xi32>
      %select_n3A_514 = arith.select %lt3A_433, %add3A_505, %broadcast_in_dim3A_513 : vector<16xi1>, vector<16xi32>
      %swap3A_515 = arith.constant 448 : index
      %swap3A_516 = tpu.vector_load %arg15[%swap3A_515] {strides = array<i32>} : memref<512xi32, #tpu.memory_space<vmem>>, vector<16xi32>,
      tpu.vector_store %arg15[%swap3A_515], %select_n3A_514 {strides = array<i32>} : memref<512xi32, #tpu.memory_space<vmem>>, vector<16xi32>,
      %add3A_517 = arith.constant 640 : i32
      %add3A_518 = vector.broadcast %add3A_517 : i32 to vector<16xi32>
      %add3A_519 = arith.addi %add3A_446, %add3A_518 : vector<16xi32>
      %jit3A_520 = arith.constant 0 : i32
      %broadcast_in_dim3A_521 = vector.broadcast %jit3A_520 : i32 to vector<16xi32>
      %select_n3A_522 = arith.select %lt3A_433, %add3A_519, %broadcast_in_dim3A_521 : vector<16xi1>, vector<16xi32>
      %gather3A_523 = tpu.vector_load_idx %arg11[%select_n3A_522] : memref<32768xf32, #tpu.memory_space<vmem>>[vector<16xi32>], vector<16xf32>,
      %swap3A_524 = arith.constant 464 : index
      %swap3A_525 = tpu.vector_load %arg14[%swap3A_524] {strides = array<i32>} : memref<512xf32, #tpu.memory_space<vmem>>, vector<16xf32>,
      tpu.vector_store %arg14[%swap3A_524], %gather3A_523 {strides = array<i32>} : memref<512xf32, #tpu.memory_space<vmem>>, vector<16xf32>,
      %jit3A_526 = arith.constant -1 : i32
      %broadcast_in_dim3A_527 = vector.broadcast %jit3A_526 : i32 to vector<16xi32>
      %select_n3A_528 = arith.select %lt3A_433, %add3A_519, %broadcast_in_dim3A_527 : vector<16xi1>, vector<16xi32>
      %swap3A_529 = arith.constant 464 : index
      %swap3A_530 = tpu.vector_load %arg15[%swap3A_529] {strides = array<i32>} : memref<512xi32, #tpu.memory_space<vmem>>, vector<16xi32>,
      tpu.vector_store %arg15[%swap3A_529], %select_n3A_528 {strides = array<i32>} : memref<512xi32, #tpu.memory_space<vmem>>, vector<16xi32>,
      %add3A_531 = arith.constant 768 : i32
      %add3A_532 = vector.broadcast %add3A_531 : i32 to vector<16xi32>
      %add3A_533 = arith.addi %add3A_446, %add3A_532 : vector<16xi32>
      %jit3A_534 = arith.constant 0 : i32
      %broadcast_in_dim3A_535 = vector.broadcast %jit3A_534 : i32 to vector<16xi32>
      %select_n3A_536 = arith.select %lt3A_433, %add3A_533, %broadcast_in_dim3A_535 : vector<16xi1>, vector<16xi32>
      %gather3A_537 = tpu.vector_load_idx %arg11[%select_n3A_536] : memref<32768xf32, #tpu.memory_space<vmem>>[vector<16xi32>], vector<16xf32>,
      %swap3A_538 = arith.constant 480 : index
      %swap3A_539 = tpu.vector_load %arg14[%swap3A_538] {strides = array<i32>} : memref<512xf32, #tpu.memory_space<vmem>>, vector<16xf32>,
      tpu.vector_store %arg14[%swap3A_538], %gather3A_537 {strides = array<i32>} : memref<512xf32, #tpu.memory_space<vmem>>, vector<16xf32>,
      %jit3A_540 = arith.constant -1 : i32
      %broadcast_in_dim3A_541 = vector.broadcast %jit3A_540 : i32 to vector<16xi32>
      %select_n3A_542 = arith.select %lt3A_433, %add3A_533, %broadcast_in_dim3A_541 : vector<16xi1>, vector<16xi32>
      %swap3A_543 = arith.constant 480 : index
      %swap3A_544 = tpu.vector_load %arg15[%swap3A_543] {strides = array<i32>} : memref<512xi32, #tpu.memory_space<vmem>>, vector<16xi32>,
      tpu.vector_store %arg15[%swap3A_543], %select_n3A_542 {strides = array<i32>} : memref<512xi32, #tpu.memory_space<vmem>>, vector<16xi32>,
      %add3A_545 = arith.constant 896 : i32
      %add3A_546 = vector.broadcast %add3A_545 : i32 to vector<16xi32>
      %add3A_547 = arith.addi %add3A_446, %add3A_546 : vector<16xi32>
      %jit3A_548 = arith.constant 0 : i32
      %broadcast_in_dim3A_549 = vector.broadcast %jit3A_548 : i32 to vector<16xi32>
      %select_n3A_550 = arith.select %lt3A_433, %add3A_547, %broadcast_in_dim3A_549 : vector<16xi1>, vector<16xi32>
      %gather3A_551 = tpu.vector_load_idx %arg11[%select_n3A_550] : memref<32768xf32, #tpu.memory_space<vmem>>[vector<16xi32>], vector<16xf32>,
      %swap3A_552 = arith.constant 496 : index
      %swap3A_553 = tpu.vector_load %arg14[%swap3A_552] {strides = array<i32>} : memref<512xf32, #tpu.memory_space<vmem>>, vector<16xf32>,
      tpu.vector_store %arg14[%swap3A_552], %gather3A_551 {strides = array<i32>} : memref<512xf32, #tpu.memory_space<vmem>>, vector<16xf32>,
      %jit3A_554 = arith.constant -1 : i32
      %broadcast_in_dim3A_555 = vector.broadcast %jit3A_554 : i32 to vector<16xi32>
      %select_n3A_556 = arith.select %lt3A_433, %add3A_547, %broadcast_in_dim3A_555 : vector<16xi1>, vector<16xi32>
      %swap3A_557 = arith.constant 496 : index
      %swap3A_558 = tpu.vector_load %arg15[%swap3A_557] {strides = array<i32>} : memref<512xi32, #tpu.memory_space<vmem>>, vector<16xi32>,
      tpu.vector_store %arg15[%swap3A_557], %select_n3A_556 {strides = array<i32>} : memref<512xi32, #tpu.memory_space<vmem>>, vector<16xi32>,
      "tpu.region"() ({
        %run_scoped3A = tpu.sem_alloc : memref<!tpu.dma_semaphore, #tpu.memory_space<semaphore_mem>>
        %dma_start3A_560 = arith.constant 0 : i32
        %dma_start3A_561 = tpu.memref_slice %arg6[%add3A_11, %dma_start3A_560] : memref<512x512xf32, #tpu.memory_space<hbm>> -> memref<1x512xf32, #tpu.memory_space<hbm>>
        %dma_start3A_562 = tpu.memref_squeeze %dma_start3A_561 : memref<1x512xf32, #tpu.memory_space<hbm>> -> memref<512xf32, #tpu.memory_space<hbm>>
        %dma_start3A_563 = arith.constant 0 : i32
        %dma_start3A_564 = tpu.memref_slice %arg6[%add3A_11, %dma_start3A_563] : memref<512x512xf32, #tpu.memory_space<hbm>> -> memref<1x512xf32, #tpu.memory_space<hbm>>
        %dma_start3A_565 = tpu.memref_squeeze %dma_start3A_564 : memref<1x512xf32, #tpu.memory_space<hbm>> -> memref<512xf32, #tpu.memory_space<hbm>>
        tpu.enqueue_dma source(%arg14 : memref<512xf32, #tpu.memory_space<vmem>>) target(%dma_start3A_565 : memref<512xf32, #tpu.memory_space<hbm>>) target_semaphore(%run_scoped3A : memref<!tpu.dma_semaphore, #tpu.memory_space<semaphore_mem>>)
        %dma_wait3A_566 = arith.constant 0 : i32
        %dma_wait3A_567 = tpu.memref_slice %arg6[%add3A_11, %dma_wait3A_566] : memref<512x512xf32, #tpu.memory_space<hbm>> -> memref<1x512xf32, #tpu.memory_space<hbm>>
        %dma_wait3A_568 = tpu.memref_squeeze %dma_wait3A_567 : memref<1x512xf32, #tpu.memory_space<hbm>> -> memref<512xf32, #tpu.memory_space<hbm>>
        %dma_wait3A_569 = arith.constant 0 : i32
        %dma_wait3A_570 = tpu.memref_slice %arg6[%add3A_11, %dma_wait3A_569] : memref<512x512xf32, #tpu.memory_space<hbm>> -> memref<1x512xf32, #tpu.memory_space<hbm>>
        %dma_wait3A_571 = tpu.memref_squeeze %dma_wait3A_570 : memref<1x512xf32, #tpu.memory_space<hbm>> -> memref<512xf32, #tpu.memory_space<hbm>>
        tpu.wait_dma2 semaphore(%run_scoped3A : memref<!tpu.dma_semaphore, #tpu.memory_space<semaphore_mem>>) src(%arg14 : memref<512xf32, #tpu.memory_space<vmem>>) dst(%dma_wait3A_571 : memref<512xf32, #tpu.memory_space<hbm>>)
        tpu.yield
      }) : () -> ()
      "tpu.region"() ({
        %run_scoped3A = tpu.sem_alloc : memref<!tpu.dma_semaphore, #tpu.memory_space<semaphore_mem>>
        %dma_start3A_560 = arith.constant 0 : i32
        %dma_start3A_561 = tpu.memref_slice %arg7[%add3A_11, %dma_start3A_560] : memref<512x512xi32, #tpu.memory_space<hbm>> -> memref<1x512xi32, #tpu.memory_space<hbm>>
        %dma_start3A_562 = tpu.memref_squeeze %dma_start3A_561 : memref<1x512xi32, #tpu.memory_space<hbm>> -> memref<512xi32, #tpu.memory_space<hbm>>
        %dma_start3A_563 = arith.constant 0 : i32
        %dma_start3A_564 = tpu.memref_slice %arg7[%add3A_11, %dma_start3A_563] : memref<512x512xi32, #tpu.memory_space<hbm>> -> memref<1x512xi32, #tpu.memory_space<hbm>>
        %dma_start3A_565 = tpu.memref_squeeze %dma_start3A_564 : memref<1x512xi32, #tpu.memory_space<hbm>> -> memref<512xi32, #tpu.memory_space<hbm>>
        tpu.enqueue_dma source(%arg15 : memref<512xi32, #tpu.memory_space<vmem>>) target(%dma_start3A_565 : memref<512xi32, #tpu.memory_space<hbm>>) target_semaphore(%run_scoped3A : memref<!tpu.dma_semaphore, #tpu.memory_space<semaphore_mem>>)
        %dma_wait3A_566 = arith.constant 0 : i32
        %dma_wait3A_567 = tpu.memref_slice %arg7[%add3A_11, %dma_wait3A_566] : memref<512x512xi32, #tpu.memory_space<hbm>> -> memref<1x512xi32, #tpu.memory_space<hbm>>
        %dma_wait3A_568 = tpu.memref_squeeze %dma_wait3A_567 : memref<1x512xi32, #tpu.memory_space<hbm>> -> memref<512xi32, #tpu.memory_space<hbm>>
        %dma_wait3A_569 = arith.constant 0 : i32
        %dma_wait3A_570 = tpu.memref_slice %arg7[%add3A_11, %dma_wait3A_569] : memref<512x512xi32, #tpu.memory_space<hbm>> -> memref<1x512xi32, #tpu.memory_space<hbm>>
        %dma_wait3A_571 = tpu.memref_squeeze %dma_wait3A_570 : memref<1x512xi32, #tpu.memory_space<hbm>> -> memref<512xi32, #tpu.memory_space<hbm>>
        tpu.wait_dma2 semaphore(%run_scoped3A : memref<!tpu.dma_semaphore, #tpu.memory_space<semaphore_mem>>) src(%arg15 : memref<512xi32, #tpu.memory_space<vmem>>) dst(%dma_wait3A_571 : memref<512xi32, #tpu.memory_space<hbm>>)
        tpu.yield
      }) : () -> ()
      %scan3A_559 = arith.constant 0 : i32
      scf.yield %scan3A_559 : i32
    }
    %scan3A_6 = arith.constant 16 : i32
    return
  }
}

#map = affine_map<(d0, d1) -> (0, 0)>
#map1 = affine_map<(d0, d1) -> (0)>
module attributes {stable_mosaic.version = 14 : i64} {
  func.func @_sc_gather_kernel(%arg0: i32, %arg1: i32, %arg2: memref<1024x4096xf32, #tpu.memory_space<hbm>>, %arg3: memref<512x256xf32, #tpu.memory_space<hbm>>, %arg4: memref<512xf32, #tpu.memory_space<hbm>>, %arg5: memref<1024x32768xf32, #tpu.memory_space<hbm>>, %arg6: memref<512x512xf32, #tpu.memory_space<hbm>>, %arg7: memref<512x512xi32, #tpu.memory_space<hbm>>, %arg8: memref<512xf32, #tpu.memory_space<vmem>>, %arg9: memref<4096xf32, #tpu.memory_space<vmem>>, %arg10: memref<256xf32, #tpu.memory_space<vmem>>, %arg11: memref<32768xf32, #tpu.memory_space<vmem>>, %arg12: memref<64xi32, #tpu.memory_space<vmem>>, %arg13: memref<96xi32, #tpu.memory_space<vmem>>, %arg14: memref<512xf32, #tpu.memory_space<vmem>>, %arg15: memref<512xi32, #tpu.memory_space<vmem>>, %arg16: memref<!tpu.dma_semaphore, #tpu.memory_space<semaphore_mem>>) attributes {dimension_semantics = [#tpu.dimension_semantics<core_parallel>, #tpu.dimension_semantics<subcore_parallel>], iteration_bounds = array<i64: 2, 16>, scalar_prefetch = 0 : i64, scratch_operands = 9 : i64, tpu.core_type = #tpu.core_type<sc_vector_subcore>, window_params = [{transform_indices = #map}, {transform_indices = #map}, {transform_indices = #map1}, {transform_indices = #map}, {transform_indices = #map}, {transform_indices = #map}]} {
    %mul3A = arith.constant 2 : i32
    %mul3A_0 = arith.muli %arg1, %mul3A : i32
    %add3A = arith.addi %mul3A_0, %arg0 : i32
    "tpu.region"() ({
      %run_scoped3A = tpu.sem_alloc : memref<!tpu.dma_semaphore, #tpu.memory_space<semaphore_mem>>
      tpu.enqueue_dma source(%arg4 : memref<512xf32, #tpu.memory_space<hbm>>) target(%arg8 : memref<512xf32, #tpu.memory_space<vmem>>) target_semaphore(%run_scoped3A : memref<!tpu.dma_semaphore, #tpu.memory_space<semaphore_mem>>)
      tpu.wait_dma2 semaphore(%run_scoped3A : memref<!tpu.dma_semaphore, #tpu.memory_space<semaphore_mem>>) src(%arg4 : memref<512xf32, #tpu.memory_space<hbm>>) dst(%arg8 : memref<512xf32, #tpu.memory_space<vmem>>)
      tpu.yield
    }) : () -> ()
    %iota3A = tpu.iota {dimensions = array<i32: 0>} : vector<16xi32>
    %scan3A = arith.constant 0 : i32
    %scan3A_1 = arith.constant 0 : i32
    %scan3A_2 = arith.constant 16 : i32
    %scan3A_3 = arith.addi %scan3A_1, %scan3A_2 : i32
    %scan3A_4 = arith.constant 1 : i32
    %scan3A_5 = scf.for %scan3A_7 = %scan3A_1 to %scan3A_3 step %scan3A_4 iter_args(%scan3A_8 = %scan3A) -> (i32)  : i32 {
      %mul3A_9 = arith.constant 16 : i32
      %mul3A_10 = arith.muli %add3A, %mul3A_9 : i32
      %add3A_11 = arith.addi %mul3A_10, %scan3A_7 : i32
      %add3A_12 = arith.constant 512 : i32
      %add3A_13 = arith.addi %add3A_11, %add3A_12 : i32
      %dma_start3A = arith.constant 0 : i32
      %dma_start3A_14 = tpu.memref_slice %arg5[%add3A_13, %dma_start3A] : memref<1024x32768xf32, #tpu.memory_space<hbm>> -> memref<1x32768xf32, #tpu.memory_space<hbm>>
      %dma_start3A_15 = tpu.memref_squeeze %dma_start3A_14 : memref<1x32768xf32, #tpu.memory_space<hbm>> -> memref<32768xf32, #tpu.memory_space<hbm>>
      %dma_start3A_16 = arith.constant 0 : i32
      %dma_start3A_17 = tpu.memref_slice %arg5[%add3A_13, %dma_start3A_16] : memref<1024x32768xf32, #tpu.memory_space<hbm>> -> memref<1x32768xf32, #tpu.memory_space<hbm>>
      %dma_start3A_18 = tpu.memref_squeeze %dma_start3A_17 : memref<1x32768xf32, #tpu.memory_space<hbm>> -> memref<32768xf32, #tpu.memory_space<hbm>>
      tpu.enqueue_dma source(%dma_start3A_18 : memref<32768xf32, #tpu.memory_space<hbm>>) target(%arg11 : memref<32768xf32, #tpu.memory_space<vmem>>) target_semaphore(%arg16 : memref<!tpu.dma_semaphore, #tpu.memory_space<semaphore_mem>>)
      "tpu.region"() ({
        %run_scoped3A = tpu.sem_alloc : memref<!tpu.dma_semaphore, #tpu.memory_space<semaphore_mem>>
        %dma_start3A_560 = arith.constant 0 : i32
        %dma_start3A_561 = tpu.memref_slice %arg3[%add3A_11, %dma_start3A_560] : memref<512x256xf32, #tpu.memory_space<hbm>> -> memref<1x256xf32, #tpu.memory_space<hbm>>
        %dma_start3A_562 = tpu.memref_squeeze %dma_start3A_561 : memref<1x256xf32, #tpu.memory_space<hbm>> -> memref<256xf32, #tpu.memory_space<hbm>>
        %dma_start3A_563 = arith.constant 0 : i32
        %dma_start3A_564 = tpu.memref_slice %arg3[%add3A_11, %dma_start3A_563] : memref<512x256xf32, #tpu.memory_space<hbm>> -> memref<1x256xf32, #tpu.memory_space<hbm>>
        %dma_start3A_565 = tpu.memref_squeeze %dma_start3A_564 : memref<1x256xf32, #tpu.memory_space<hbm>> -> memref<256xf32, #tpu.memory_space<hbm>>
        tpu.enqueue_dma source(%dma_start3A_565 : memref<256xf32, #tpu.memory_space<hbm>>) target(%arg10 : memref<256xf32, #tpu.memory_space<vmem>>) target_semaphore(%run_scoped3A : memref<!tpu.dma_semaphore, #tpu.memory_space<semaphore_mem>>)
        %dma_wait3A_566 = arith.constant 0 : i32
        %dma_wait3A_567 = tpu.memref_slice %arg3[%add3A_11, %dma_wait3A_566] : memref<512x256xf32, #tpu.memory_space<hbm>> -> memref<1x256xf32, #tpu.memory_space<hbm>>
        %dma_wait3A_568 = tpu.memref_squeeze %dma_wait3A_567 : memref<1x256xf32, #tpu.memory_space<hbm>> -> memref<256xf32, #tpu.memory_space<hbm>>
        %dma_wait3A_569 = arith.constant 0 : i32
        %dma_wait3A_570 = tpu.memref_slice %arg3[%add3A_11, %dma_wait3A_569] : memref<512x256xf32, #tpu.memory_space<hbm>> -> memref<1x256xf32, #tpu.memory_space<hbm>>
        %dma_wait3A_571 = tpu.memref_squeeze %dma_wait3A_570 : memref<1x256xf32, #tpu.memory_space<hbm>> -> memref<256xf32, #tpu.memory_space<hbm>>
        tpu.wait_dma2 semaphore(%run_scoped3A : memref<!tpu.dma_semaphore, #tpu.memory_space<semaphore_mem>>) src(%dma_wait3A_571 : memref<256xf32, #tpu.memory_space<hbm>>) dst(%arg10 : memref<256xf32, #tpu.memory_space<vmem>>)
        tpu.yield
      }) : () -> ()
      "tpu.region"() ({
        %run_scoped3A = tpu.sem_alloc : memref<!tpu.dma_semaphore, #tpu.memory_space<semaphore_mem>>
        %dma_start3A_560 = arith.constant 0 : i32
        %dma_start3A_561 = tpu.memref_slice %arg2[%add3A_13, %dma_start3A_560] : memref<1024x4096xf32, #tpu.memory_space<hbm>> -> memref<1x4096xf32, #tpu.memory_space<hbm>>
        %dma_start3A_562 = tpu.memref_squeeze %dma_start3A_561 : memref<1x4096xf32, #tpu.memory_space<hbm>> -> memref<4096xf32, #tpu.memory_space<hbm>>
        %dma_start3A_563 = arith.constant 0 : i32
        %dma_start3A_564 = tpu.memref_slice %arg2[%add3A_13, %dma_start3A_563] : memref<1024x4096xf32, #tpu.memory_space<hbm>> -> memref<1x4096xf32, #tpu.memory_space<hbm>>
        %dma_start3A_565 = tpu.memref_squeeze %dma_start3A_564 : memref<1x4096xf32, #tpu.memory_space<hbm>> -> memref<4096xf32, #tpu.memory_space<hbm>>
        tpu.enqueue_dma source(%dma_start3A_565 : memref<4096xf32, #tpu.memory_space<hbm>>) target(%arg9 : memref<4096xf32, #tpu.memory_space<vmem>>) target_semaphore(%run_scoped3A : memref<!tpu.dma_semaphore, #tpu.memory_space<semaphore_mem>>)
        %dma_wait3A_566 = arith.constant 0 : i32
        %dma_wait3A_567 = tpu.memref_slice %arg2[%add3A_13, %dma_wait3A_566] : memref<1024x4096xf32, #tpu.memory_space<hbm>> -> memref<1x4096xf32, #tpu.memory_space<hbm>>
        %dma_wait3A_568 = tpu.memref_squeeze %dma_wait3A_567 : memref<1x4096xf32, #tpu.memory_space<hbm>> -> memref<4096xf32, #tpu.memory_space<hbm>>
        %dma_wait3A_569 = arith.constant 0 : i32
        %dma_wait3A_570 = tpu.memref_slice %arg2[%add3A_13, %dma_wait3A_569] : memref<1024x4096xf32, #tpu.memory_space<hbm>> -> memref<1x4096xf32, #tpu.memory_space<hbm>>
        %dma_wait3A_571 = tpu.memref_squeeze %dma_wait3A_570 : memref<1x4096xf32, #tpu.memory_space<hbm>> -> memref<4096xf32, #tpu.memory_space<hbm>>
        tpu.wait_dma2 semaphore(%run_scoped3A : memref<!tpu.dma_semaphore, #tpu.memory_space<semaphore_mem>>) src(%dma_wait3A_571 : memref<4096xf32, #tpu.memory_space<hbm>>) dst(%arg9 : memref<4096xf32, #tpu.memory_space<vmem>>)
        tpu.yield
      }) : () -> ()
      %broadcast_in_dim3A = vector.broadcast %add3A_11 : i32 to vector<16xi32>
      %gather3A = tpu.vector_load_idx %arg8[%broadcast_in_dim3A] : memref<512xf32, #tpu.memory_space<vmem>>[vector<16xi32>], vector<16xf32>,
      %broadcast_in_dim3A_19 = arith.constant 0 : i32
      %broadcast_in_dim3A_20 = vector.broadcast %broadcast_in_dim3A_19 : i32 to vector<16xi32>
      %scan3A_21 = arith.constant 0 : i32
      %scan3A_22 = arith.constant 16 : i32
      %scan3A_23 = arith.addi %scan3A_21, %scan3A_22 : i32
      %scan3A_24 = arith.constant 1 : i32
      %scan3A_25 = scf.for %scan3A_560 = %scan3A_21 to %scan3A_23 step %scan3A_24 iter_args(%scan3A_561 = %broadcast_in_dim3A_20) -> (vector<16xi32>)  : i32 {
        %mul3A_562 = arith.constant 16 : i32
        %mul3A_563 = arith.muli %scan3A_560, %mul3A_562 : i32
        %get3A_564 = arith.index_cast %mul3A_563 : i32 to index
        %get3A_565 = tpu.vector_load %arg10[%get3A_564] {strides = array<i32>} : memref<256xf32, #tpu.memory_space<vmem>>, vector<16xf32>,
        %ge3A = arith.cmpf oge, %get3A_565, %gather3A : vector<16xf32>
        %convert_element_type3A = arith.extui %ge3A : vector<16xi1> to vector<16xi32>
        %broadcast_in_dim3A_566 = arith.constant true
        %broadcast_in_dim3A_567 = vector.broadcast %broadcast_in_dim3A_566 : i1 to vector<16xi1>
        %masked_cumsum3A = tpu.scan <sum>, %convert_element_type3A masked %broadcast_in_dim3A_567 : vector<16xi32>, vector<16xi1> -> vector<16xi32>
        %add3A_568 = arith.addi %scan3A_561, %masked_cumsum3A : vector<16xi32>
        %sub3A = arith.subi %add3A_568, %convert_element_type3A : vector<16xi32>
        %min3A_569 = arith.constant 63 : i32
        %min3A_570 = vector.broadcast %min3A_569 : i32 to vector<16xi32>
        %min3A_571 = arith.minsi %sub3A, %min3A_570 : vector<16xi32>
        %mul3A_572 = arith.constant 16 : i32
        %mul3A_573 = arith.muli %scan3A_560, %mul3A_572 : i32
        %add3A_574 = vector.broadcast %mul3A_573 : i32 to vector<16xi32>
        %add3A_575 = arith.addi %iota3A, %add3A_574 : vector<16xi32>
        tpu.vector_store_idx %arg12[%min3A_571], %add3A_575 masked %ge3A : memref<64xi32, #tpu.memory_space<vmem>>[vector<16xi32>], vector<16xi32>, vector<16xi1>
        %all_reduce_population_count3A = tpu.all_reduce %ge3A {dim = 0 : i64, kind = #tpu.reduction_kind<sum>} : vector<16xi1> -> vector<16xi32>
        %add3A_576 = arith.addi %scan3A_561, %all_reduce_population_count3A : vector<16xi32>
        scf.yield %add3A_576 : vector<16xi32>
      }
      %scan3A_26 = arith.constant 16 : i32
      %broadcast_in_dim3A_27 = arith.constant 0 : i32
      %broadcast_in_dim3A_28 = vector.broadcast %broadcast_in_dim3A_27 : i32 to vector<16xi32>
      %scan3A_29 = arith.constant 0 : i32
      %scan3A_30 = arith.constant 48 : i32
      %scan3A_31 = arith.addi %scan3A_29, %scan3A_30 : i32
      %scan3A_32 = arith.constant 1 : i32
      %scan3A_33 = scf.for %scan3A_560 = %scan3A_29 to %scan3A_31 step %scan3A_32 iter_args(%scan3A_561 = %broadcast_in_dim3A_28) -> (vector<16xi32>)  : i32 {
        %broadcast_in_dim3A_562 = vector.broadcast %scan3A_560 : i32 to vector<16xi32>
        %min3A_563 = arith.constant 63 : i32
        %min3A_564 = vector.broadcast %min3A_563 : i32 to vector<16xi32>
        %min3A_565 = arith.minsi %broadcast_in_dim3A_562, %min3A_564 : vector<16xi32>
        %gather3A_566 = tpu.vector_load_idx %arg12[%min3A_565] : memref<64xi32, #tpu.memory_space<vmem>>[vector<16xi32>], vector<16xi32>,
        %lt3A_567 = arith.cmpi slt, %broadcast_in_dim3A_562, %scan3A_25 : vector<16xi32>
        %mul3A_568 = arith.constant 256 : i32
        %mul3A_569 = vector.broadcast %mul3A_568 : i32 to vector<16xi32>
        %mul3A_570 = arith.muli %iota3A, %mul3A_569 : vector<16xi32>
        %add3A_571 = arith.addi %gather3A_566, %mul3A_570 : vector<16xi32>
        %jit3A_572 = arith.constant 0 : i32
        %broadcast_in_dim3A_573 = vector.broadcast %jit3A_572 : i32 to vector<16xi32>
        %select_n3A_574 = arith.select %lt3A_567, %add3A_571, %broadcast_in_dim3A_573 : vector<16xi1>, vector<16xi32>
        %gather3A_575 = tpu.vector_load_idx %arg9[%select_n3A_574] : memref<4096xf32, #tpu.memory_space<vmem>>[vector<16xi32>], vector<16xf32>,
        %ge3A = arith.cmpf oge, %gather3A_575, %gather3A : vector<16xf32>
        %and3A_576 = arith.andi %ge3A, %lt3A_567 : vector<16xi1>
        %convert_element_type3A = arith.extui %and3A_576 : vector<16xi1> to vector<16xi32>
        %broadcast_in_dim3A_577 = arith.constant true
        %broadcast_in_dim3A_578 = vector.broadcast %broadcast_in_dim3A_577 : i1 to vector<16xi1>
        %masked_cumsum3A = tpu.scan <sum>, %convert_element_type3A masked %broadcast_in_dim3A_578 : vector<16xi32>, vector<16xi1> -> vector<16xi32>
        %add3A_579 = arith.addi %scan3A_561, %masked_cumsum3A : vector<16xi32>
        %sub3A = arith.subi %add3A_579, %convert_element_type3A : vector<16xi32>
        %min3A_580 = arith.constant 79 : i32
        %min3A_581 = vector.broadcast %min3A_580 : i32 to vector<16xi32>
        %min3A_582 = arith.minsi %sub3A, %min3A_581 : vector<16xi32>
        tpu.vector_store_idx %arg13[%min3A_582], %add3A_571 masked %and3A_576 : memref<96xi32, #tpu.memory_space<vmem>>[vector<16xi32>], vector<16xi32>, vector<16xi1>
        %all_reduce_population_count3A = tpu.all_reduce %and3A_576 {dim = 0 : i64, kind = #tpu.reduction_kind<sum>} : vector<16xi1> -> vector<16xi32>
        %add3A_583 = arith.addi %scan3A_561, %all_reduce_population_count3A : vector<16xi32>
        scf.yield %add3A_583 : vector<16xi32>
      }
      %scan3A_34 = arith.constant 48 : i32
      %min3A = arith.constant 64 : i32
      %min3A_35 = vector.broadcast %min3A : i32 to vector<16xi32>
      %min3A_36 = arith.minsi %scan3A_33, %min3A_35 : vector<16xi32>
      %dma_wait3A = arith.constant 0 : i32
      %dma_wait3A_37 = tpu.memref_slice %arg5[%add3A_13, %dma_wait3A] : memref<1024x32768xf32, #tpu.memory_space<hbm>> -> memref<1x32768xf32, #tpu.memory_space<hbm>>
      %dma_wait3A_38 = tpu.memref_squeeze %dma_wait3A_37 : memref<1x32768xf32, #tpu.memory_space<hbm>> -> memref<32768xf32, #tpu.memory_space<hbm>>
      %dma_wait3A_39 = arith.constant 0 : i32
      %dma_wait3A_40 = tpu.memref_slice %arg5[%add3A_13, %dma_wait3A_39] : memref<1024x32768xf32, #tpu.memory_space<hbm>> -> memref<1x32768xf32, #tpu.memory_space<hbm>>
      %dma_wait3A_41 = tpu.memref_squeeze %dma_wait3A_40 : memref<1x32768xf32, #tpu.memory_space<hbm>> -> memref<32768xf32, #tpu.memory_space<hbm>>
      tpu.wait_dma2 semaphore(%arg16 : memref<!tpu.dma_semaphore, #tpu.memory_space<semaphore_mem>>) src(%dma_wait3A_41 : memref<32768xf32, #tpu.memory_space<hbm>>) dst(%arg11 : memref<32768xf32, #tpu.memory_space<vmem>>)
      %get3A = arith.constant 0 : index
      %get3A_42 = tpu.vector_load %arg13[%get3A] {strides = array<i32>} : memref<96xi32, #tpu.memory_space<vmem>>, vector<16xi32>,
      %add3A_43 = arith.constant 0 : i32
      %add3A_44 = vector.broadcast %add3A_43 : i32 to vector<16xi32>
      %add3A_45 = arith.addi %iota3A, %add3A_44 : vector<16xi32>
      %lt3A = arith.cmpi slt, %add3A_45, %min3A_36 : vector<16xi32>
      %jit3A = arith.constant 0 : i32
      %broadcast_in_dim3A_46 = vector.broadcast %jit3A : i32 to vector<16xi32>
      %select_n3A = arith.select %lt3A, %get3A_42, %broadcast_in_dim3A_46 : vector<16xi1>, vector<16xi32>
      %shift_right_arithmetic3A = arith.constant 7 : i32
      %shift_right_arithmetic3A_47 = vector.broadcast %shift_right_arithmetic3A : i32 to vector<16xi32>
      %shift_right_arithmetic3A_48 = arith.shrsi %select_n3A, %shift_right_arithmetic3A_47 : vector<16xi32>
      %mul3A_49 = arith.constant 1024 : i32
      %mul3A_50 = vector.broadcast %mul3A_49 : i32 to vector<16xi32>
      %mul3A_51 = arith.muli %shift_right_arithmetic3A_48, %mul3A_50 : vector<16xi32>
      %and3A = arith.constant 127 : i32
      %and3A_52 = vector.broadcast %and3A : i32 to vector<16xi32>
      %and3A_53 = arith.andi %select_n3A, %and3A_52 : vector<16xi32>
      %add3A_54 = arith.addi %mul3A_51, %and3A_53 : vector<16xi32>
      %add3A_55 = arith.constant 0 : i32
      %add3A_56 = vector.broadcast %add3A_55 : i32 to vector<16xi32>
      %add3A_57 = arith.addi %add3A_54, %add3A_56 : vector<16xi32>
      %jit3A_58 = arith.constant 0 : i32
      %broadcast_in_dim3A_59 = vector.broadcast %jit3A_58 : i32 to vector<16xi32>
      %select_n3A_60 = arith.select %lt3A, %add3A_57, %broadcast_in_dim3A_59 : vector<16xi1>, vector<16xi32>
      %gather3A_61 = tpu.vector_load_idx %arg11[%select_n3A_60] : memref<32768xf32, #tpu.memory_space<vmem>>[vector<16xi32>], vector<16xf32>,
      %swap3A = arith.constant 0 : index
      %swap3A_62 = tpu.vector_load %arg14[%swap3A] {strides = array<i32>} : memref<512xf32, #tpu.memory_space<vmem>>, vector<16xf32>,
      tpu.vector_store %arg14[%swap3A], %gather3A_61 {strides = array<i32>} : memref<512xf32, #tpu.memory_space<vmem>>, vector<16xf32>,
      %jit3A_63 = arith.constant -1 : i32
      %broadcast_in_dim3A_64 = vector.broadcast %jit3A_63 : i32 to vector<16xi32>
      %select_n3A_65 = arith.select %lt3A, %add3A_57, %broadcast_in_dim3A_64 : vector<16xi1>, vector<16xi32>
      %swap3A_66 = arith.constant 0 : index
      %swap3A_67 = tpu.vector_load %arg15[%swap3A_66] {strides = array<i32>} : memref<512xi32, #tpu.memory_space<vmem>>, vector<16xi32>,
      tpu.vector_store %arg15[%swap3A_66], %select_n3A_65 {strides = array<i32>} : memref<512xi32, #tpu.memory_space<vmem>>, vector<16xi32>,
      %add3A_68 = arith.constant 128 : i32
      %add3A_69 = vector.broadcast %add3A_68 : i32 to vector<16xi32>
      %add3A_70 = arith.addi %add3A_54, %add3A_69 : vector<16xi32>
      %jit3A_71 = arith.constant 0 : i32
      %broadcast_in_dim3A_72 = vector.broadcast %jit3A_71 : i32 to vector<16xi32>
      %select_n3A_73 = arith.select %lt3A, %add3A_70, %broadcast_in_dim3A_72 : vector<16xi1>, vector<16xi32>
      %gather3A_74 = tpu.vector_load_idx %arg11[%select_n3A_73] : memref<32768xf32, #tpu.memory_space<vmem>>[vector<16xi32>], vector<16xf32>,
      %swap3A_75 = arith.constant 16 : index
      %swap3A_76 = tpu.vector_load %arg14[%swap3A_75] {strides = array<i32>} : memref<512xf32, #tpu.memory_space<vmem>>, vector<16xf32>,
      tpu.vector_store %arg14[%swap3A_75], %gather3A_74 {strides = array<i32>} : memref<512xf32, #tpu.memory_space<vmem>>, vector<16xf32>,
      %jit3A_77 = arith.constant -1 : i32
      %broadcast_in_dim3A_78 = vector.broadcast %jit3A_77 : i32 to vector<16xi32>
      %select_n3A_79 = arith.select %lt3A, %add3A_70, %broadcast_in_dim3A_78 : vector<16xi1>, vector<16xi32>
      %swap3A_80 = arith.constant 16 : index
      %swap3A_81 = tpu.vector_load %arg15[%swap3A_80] {strides = array<i32>} : memref<512xi32, #tpu.memory_space<vmem>>, vector<16xi32>,
      tpu.vector_store %arg15[%swap3A_80], %select_n3A_79 {strides = array<i32>} : memref<512xi32, #tpu.memory_space<vmem>>, vector<16xi32>,
      %add3A_82 = arith.constant 256 : i32
      %add3A_83 = vector.broadcast %add3A_82 : i32 to vector<16xi32>
      %add3A_84 = arith.addi %add3A_54, %add3A_83 : vector<16xi32>
      %jit3A_85 = arith.constant 0 : i32
      %broadcast_in_dim3A_86 = vector.broadcast %jit3A_85 : i32 to vector<16xi32>
      %select_n3A_87 = arith.select %lt3A, %add3A_84, %broadcast_in_dim3A_86 : vector<16xi1>, vector<16xi32>
      %gather3A_88 = tpu.vector_load_idx %arg11[%select_n3A_87] : memref<32768xf32, #tpu.memory_space<vmem>>[vector<16xi32>], vector<16xf32>,
      %swap3A_89 = arith.constant 32 : index
      %swap3A_90 = tpu.vector_load %arg14[%swap3A_89] {strides = array<i32>} : memref<512xf32, #tpu.memory_space<vmem>>, vector<16xf32>,
      tpu.vector_store %arg14[%swap3A_89], %gather3A_88 {strides = array<i32>} : memref<512xf32, #tpu.memory_space<vmem>>, vector<16xf32>,
      %jit3A_91 = arith.constant -1 : i32
      %broadcast_in_dim3A_92 = vector.broadcast %jit3A_91 : i32 to vector<16xi32>
      %select_n3A_93 = arith.select %lt3A, %add3A_84, %broadcast_in_dim3A_92 : vector<16xi1>, vector<16xi32>
      %swap3A_94 = arith.constant 32 : index
      %swap3A_95 = tpu.vector_load %arg15[%swap3A_94] {strides = array<i32>} : memref<512xi32, #tpu.memory_space<vmem>>, vector<16xi32>,
      tpu.vector_store %arg15[%swap3A_94], %select_n3A_93 {strides = array<i32>} : memref<512xi32, #tpu.memory_space<vmem>>, vector<16xi32>,
      %add3A_96 = arith.constant 384 : i32
      %add3A_97 = vector.broadcast %add3A_96 : i32 to vector<16xi32>
      %add3A_98 = arith.addi %add3A_54, %add3A_97 : vector<16xi32>
      %jit3A_99 = arith.constant 0 : i32
      %broadcast_in_dim3A_100 = vector.broadcast %jit3A_99 : i32 to vector<16xi32>
      %select_n3A_101 = arith.select %lt3A, %add3A_98, %broadcast_in_dim3A_100 : vector<16xi1>, vector<16xi32>
      %gather3A_102 = tpu.vector_load_idx %arg11[%select_n3A_101] : memref<32768xf32, #tpu.memory_space<vmem>>[vector<16xi32>], vector<16xf32>,
      %swap3A_103 = arith.constant 48 : index
      %swap3A_104 = tpu.vector_load %arg14[%swap3A_103] {strides = array<i32>} : memref<512xf32, #tpu.memory_space<vmem>>, vector<16xf32>,
      tpu.vector_store %arg14[%swap3A_103], %gather3A_102 {strides = array<i32>} : memref<512xf32, #tpu.memory_space<vmem>>, vector<16xf32>,
      %jit3A_105 = arith.constant -1 : i32
      %broadcast_in_dim3A_106 = vector.broadcast %jit3A_105 : i32 to vector<16xi32>
      %select_n3A_107 = arith.select %lt3A, %add3A_98, %broadcast_in_dim3A_106 : vector<16xi1>, vector<16xi32>
      %swap3A_108 = arith.constant 48 : index
      %swap3A_109 = tpu.vector_load %arg15[%swap3A_108] {strides = array<i32>} : memref<512xi32, #tpu.memory_space<vmem>>, vector<16xi32>,
      tpu.vector_store %arg15[%swap3A_108], %select_n3A_107 {strides = array<i32>} : memref<512xi32, #tpu.memory_space<vmem>>, vector<16xi32>,
      %add3A_110 = arith.constant 512 : i32
      %add3A_111 = vector.broadcast %add3A_110 : i32 to vector<16xi32>
      %add3A_112 = arith.addi %add3A_54, %add3A_111 : vector<16xi32>
      %jit3A_113 = arith.constant 0 : i32
      %broadcast_in_dim3A_114 = vector.broadcast %jit3A_113 : i32 to vector<16xi32>
      %select_n3A_115 = arith.select %lt3A, %add3A_112, %broadcast_in_dim3A_114 : vector<16xi1>, vector<16xi32>
      %gather3A_116 = tpu.vector_load_idx %arg11[%select_n3A_115] : memref<32768xf32, #tpu.memory_space<vmem>>[vector<16xi32>], vector<16xf32>,
      %swap3A_117 = arith.constant 64 : index
      %swap3A_118 = tpu.vector_load %arg14[%swap3A_117] {strides = array<i32>} : memref<512xf32, #tpu.memory_space<vmem>>, vector<16xf32>,
      tpu.vector_store %arg14[%swap3A_117], %gather3A_116 {strides = array<i32>} : memref<512xf32, #tpu.memory_space<vmem>>, vector<16xf32>,
      %jit3A_119 = arith.constant -1 : i32
      %broadcast_in_dim3A_120 = vector.broadcast %jit3A_119 : i32 to vector<16xi32>
      %select_n3A_121 = arith.select %lt3A, %add3A_112, %broadcast_in_dim3A_120 : vector<16xi1>, vector<16xi32>
      %swap3A_122 = arith.constant 64 : index
      %swap3A_123 = tpu.vector_load %arg15[%swap3A_122] {strides = array<i32>} : memref<512xi32, #tpu.memory_space<vmem>>, vector<16xi32>,
      tpu.vector_store %arg15[%swap3A_122], %select_n3A_121 {strides = array<i32>} : memref<512xi32, #tpu.memory_space<vmem>>, vector<16xi32>,
      %add3A_124 = arith.constant 640 : i32
      %add3A_125 = vector.broadcast %add3A_124 : i32 to vector<16xi32>
      %add3A_126 = arith.addi %add3A_54, %add3A_125 : vector<16xi32>
      %jit3A_127 = arith.constant 0 : i32
      %broadcast_in_dim3A_128 = vector.broadcast %jit3A_127 : i32 to vector<16xi32>
      %select_n3A_129 = arith.select %lt3A, %add3A_126, %broadcast_in_dim3A_128 : vector<16xi1>, vector<16xi32>
      %gather3A_130 = tpu.vector_load_idx %arg11[%select_n3A_129] : memref<32768xf32, #tpu.memory_space<vmem>>[vector<16xi32>], vector<16xf32>,
      %swap3A_131 = arith.constant 80 : index
      %swap3A_132 = tpu.vector_load %arg14[%swap3A_131] {strides = array<i32>} : memref<512xf32, #tpu.memory_space<vmem>>, vector<16xf32>,
      tpu.vector_store %arg14[%swap3A_131], %gather3A_130 {strides = array<i32>} : memref<512xf32, #tpu.memory_space<vmem>>, vector<16xf32>,
      %jit3A_133 = arith.constant -1 : i32
      %broadcast_in_dim3A_134 = vector.broadcast %jit3A_133 : i32 to vector<16xi32>
      %select_n3A_135 = arith.select %lt3A, %add3A_126, %broadcast_in_dim3A_134 : vector<16xi1>, vector<16xi32>
      %swap3A_136 = arith.constant 80 : index
      %swap3A_137 = tpu.vector_load %arg15[%swap3A_136] {strides = array<i32>} : memref<512xi32, #tpu.memory_space<vmem>>, vector<16xi32>,
      tpu.vector_store %arg15[%swap3A_136], %select_n3A_135 {strides = array<i32>} : memref<512xi32, #tpu.memory_space<vmem>>, vector<16xi32>,
      %add3A_138 = arith.constant 768 : i32
      %add3A_139 = vector.broadcast %add3A_138 : i32 to vector<16xi32>
      %add3A_140 = arith.addi %add3A_54, %add3A_139 : vector<16xi32>
      %jit3A_141 = arith.constant 0 : i32
      %broadcast_in_dim3A_142 = vector.broadcast %jit3A_141 : i32 to vector<16xi32>
      %select_n3A_143 = arith.select %lt3A, %add3A_140, %broadcast_in_dim3A_142 : vector<16xi1>, vector<16xi32>
      %gather3A_144 = tpu.vector_load_idx %arg11[%select_n3A_143] : memref<32768xf32, #tpu.memory_space<vmem>>[vector<16xi32>], vector<16xf32>,
      %swap3A_145 = arith.constant 96 : index
      %swap3A_146 = tpu.vector_load %arg14[%swap3A_145] {strides = array<i32>} : memref<512xf32, #tpu.memory_space<vmem>>, vector<16xf32>,
      tpu.vector_store %arg14[%swap3A_145], %gather3A_144 {strides = array<i32>} : memref<512xf32, #tpu.memory_space<vmem>>, vector<16xf32>,
      %jit3A_147 = arith.constant -1 : i32
      %broadcast_in_dim3A_148 = vector.broadcast %jit3A_147 : i32 to vector<16xi32>
      %select_n3A_149 = arith.select %lt3A, %add3A_140, %broadcast_in_dim3A_148 : vector<16xi1>, vector<16xi32>
      %swap3A_150 = arith.constant 96 : index
      %swap3A_151 = tpu.vector_load %arg15[%swap3A_150] {strides = array<i32>} : memref<512xi32, #tpu.memory_space<vmem>>, vector<16xi32>,
      tpu.vector_store %arg15[%swap3A_150], %select_n3A_149 {strides = array<i32>} : memref<512xi32, #tpu.memory_space<vmem>>, vector<16xi32>,
      %add3A_152 = arith.constant 896 : i32
      %add3A_153 = vector.broadcast %add3A_152 : i32 to vector<16xi32>
      %add3A_154 = arith.addi %add3A_54, %add3A_153 : vector<16xi32>
      %jit3A_155 = arith.constant 0 : i32
      %broadcast_in_dim3A_156 = vector.broadcast %jit3A_155 : i32 to vector<16xi32>
      %select_n3A_157 = arith.select %lt3A, %add3A_154, %broadcast_in_dim3A_156 : vector<16xi1>, vector<16xi32>
      %gather3A_158 = tpu.vector_load_idx %arg11[%select_n3A_157] : memref<32768xf32, #tpu.memory_space<vmem>>[vector<16xi32>], vector<16xf32>,
      %swap3A_159 = arith.constant 112 : index
      %swap3A_160 = tpu.vector_load %arg14[%swap3A_159] {strides = array<i32>} : memref<512xf32, #tpu.memory_space<vmem>>, vector<16xf32>,
      tpu.vector_store %arg14[%swap3A_159], %gather3A_158 {strides = array<i32>} : memref<512xf32, #tpu.memory_space<vmem>>, vector<16xf32>,
      %jit3A_161 = arith.constant -1 : i32
      %broadcast_in_dim3A_162 = vector.broadcast %jit3A_161 : i32 to vector<16xi32>
      %select_n3A_163 = arith.select %lt3A, %add3A_154, %broadcast_in_dim3A_162 : vector<16xi1>, vector<16xi32>
      %swap3A_164 = arith.constant 112 : index
      %swap3A_165 = tpu.vector_load %arg15[%swap3A_164] {strides = array<i32>} : memref<512xi32, #tpu.memory_space<vmem>>, vector<16xi32>,
      tpu.vector_store %arg15[%swap3A_164], %select_n3A_163 {strides = array<i32>} : memref<512xi32, #tpu.memory_space<vmem>>, vector<16xi32>,
      %get3A_166 = arith.constant 16 : index
      %get3A_167 = tpu.vector_load %arg13[%get3A_166] {strides = array<i32>} : memref<96xi32, #tpu.memory_space<vmem>>, vector<16xi32>,
      %add3A_168 = arith.constant 16 : i32
      %add3A_169 = vector.broadcast %add3A_168 : i32 to vector<16xi32>
      %add3A_170 = arith.addi %iota3A, %add3A_169 : vector<16xi32>
      %lt3A_171 = arith.cmpi slt, %add3A_170, %min3A_36 : vector<16xi32>
      %jit3A_172 = arith.constant 0 : i32
      %broadcast_in_dim3A_173 = vector.broadcast %jit3A_172 : i32 to vector<16xi32>
      %select_n3A_174 = arith.select %lt3A_171, %get3A_167, %broadcast_in_dim3A_173 : vector<16xi1>, vector<16xi32>
      %shift_right_arithmetic3A_175 = arith.constant 7 : i32
      %shift_right_arithmetic3A_176 = vector.broadcast %shift_right_arithmetic3A_175 : i32 to vector<16xi32>
      %shift_right_arithmetic3A_177 = arith.shrsi %select_n3A_174, %shift_right_arithmetic3A_176 : vector<16xi32>
      %mul3A_178 = arith.constant 1024 : i32
      %mul3A_179 = vector.broadcast %mul3A_178 : i32 to vector<16xi32>
      %mul3A_180 = arith.muli %shift_right_arithmetic3A_177, %mul3A_179 : vector<16xi32>
      %and3A_181 = arith.constant 127 : i32
      %and3A_182 = vector.broadcast %and3A_181 : i32 to vector<16xi32>
      %and3A_183 = arith.andi %select_n3A_174, %and3A_182 : vector<16xi32>
      %add3A_184 = arith.addi %mul3A_180, %and3A_183 : vector<16xi32>
      %add3A_185 = arith.constant 0 : i32
      %add3A_186 = vector.broadcast %add3A_185 : i32 to vector<16xi32>
      %add3A_187 = arith.addi %add3A_184, %add3A_186 : vector<16xi32>
      %jit3A_188 = arith.constant 0 : i32
      %broadcast_in_dim3A_189 = vector.broadcast %jit3A_188 : i32 to vector<16xi32>
      %select_n3A_190 = arith.select %lt3A_171, %add3A_187, %broadcast_in_dim3A_189 : vector<16xi1>, vector<16xi32>
      %gather3A_191 = tpu.vector_load_idx %arg11[%select_n3A_190] : memref<32768xf32, #tpu.memory_space<vmem>>[vector<16xi32>], vector<16xf32>,
      %swap3A_192 = arith.constant 128 : index
      %swap3A_193 = tpu.vector_load %arg14[%swap3A_192] {strides = array<i32>} : memref<512xf32, #tpu.memory_space<vmem>>, vector<16xf32>,
      tpu.vector_store %arg14[%swap3A_192], %gather3A_191 {strides = array<i32>} : memref<512xf32, #tpu.memory_space<vmem>>, vector<16xf32>,
      %jit3A_194 = arith.constant -1 : i32
      %broadcast_in_dim3A_195 = vector.broadcast %jit3A_194 : i32 to vector<16xi32>
      %select_n3A_196 = arith.select %lt3A_171, %add3A_187, %broadcast_in_dim3A_195 : vector<16xi1>, vector<16xi32>
      %swap3A_197 = arith.constant 128 : index
      %swap3A_198 = tpu.vector_load %arg15[%swap3A_197] {strides = array<i32>} : memref<512xi32, #tpu.memory_space<vmem>>, vector<16xi32>,
      tpu.vector_store %arg15[%swap3A_197], %select_n3A_196 {strides = array<i32>} : memref<512xi32, #tpu.memory_space<vmem>>, vector<16xi32>,
      %add3A_199 = arith.constant 128 : i32
      %add3A_200 = vector.broadcast %add3A_199 : i32 to vector<16xi32>
      %add3A_201 = arith.addi %add3A_184, %add3A_200 : vector<16xi32>
      %jit3A_202 = arith.constant 0 : i32
      %broadcast_in_dim3A_203 = vector.broadcast %jit3A_202 : i32 to vector<16xi32>
      %select_n3A_204 = arith.select %lt3A_171, %add3A_201, %broadcast_in_dim3A_203 : vector<16xi1>, vector<16xi32>
      %gather3A_205 = tpu.vector_load_idx %arg11[%select_n3A_204] : memref<32768xf32, #tpu.memory_space<vmem>>[vector<16xi32>], vector<16xf32>,
      %swap3A_206 = arith.constant 144 : index
      %swap3A_207 = tpu.vector_load %arg14[%swap3A_206] {strides = array<i32>} : memref<512xf32, #tpu.memory_space<vmem>>, vector<16xf32>,
      tpu.vector_store %arg14[%swap3A_206], %gather3A_205 {strides = array<i32>} : memref<512xf32, #tpu.memory_space<vmem>>, vector<16xf32>,
      %jit3A_208 = arith.constant -1 : i32
      %broadcast_in_dim3A_209 = vector.broadcast %jit3A_208 : i32 to vector<16xi32>
      %select_n3A_210 = arith.select %lt3A_171, %add3A_201, %broadcast_in_dim3A_209 : vector<16xi1>, vector<16xi32>
      %swap3A_211 = arith.constant 144 : index
      %swap3A_212 = tpu.vector_load %arg15[%swap3A_211] {strides = array<i32>} : memref<512xi32, #tpu.memory_space<vmem>>, vector<16xi32>,
      tpu.vector_store %arg15[%swap3A_211], %select_n3A_210 {strides = array<i32>} : memref<512xi32, #tpu.memory_space<vmem>>, vector<16xi32>,
      %add3A_213 = arith.constant 256 : i32
      %add3A_214 = vector.broadcast %add3A_213 : i32 to vector<16xi32>
      %add3A_215 = arith.addi %add3A_184, %add3A_214 : vector<16xi32>
      %jit3A_216 = arith.constant 0 : i32
      %broadcast_in_dim3A_217 = vector.broadcast %jit3A_216 : i32 to vector<16xi32>
      %select_n3A_218 = arith.select %lt3A_171, %add3A_215, %broadcast_in_dim3A_217 : vector<16xi1>, vector<16xi32>
      %gather3A_219 = tpu.vector_load_idx %arg11[%select_n3A_218] : memref<32768xf32, #tpu.memory_space<vmem>>[vector<16xi32>], vector<16xf32>,
      %swap3A_220 = arith.constant 160 : index
      %swap3A_221 = tpu.vector_load %arg14[%swap3A_220] {strides = array<i32>} : memref<512xf32, #tpu.memory_space<vmem>>, vector<16xf32>,
      tpu.vector_store %arg14[%swap3A_220], %gather3A_219 {strides = array<i32>} : memref<512xf32, #tpu.memory_space<vmem>>, vector<16xf32>,
      %jit3A_222 = arith.constant -1 : i32
      %broadcast_in_dim3A_223 = vector.broadcast %jit3A_222 : i32 to vector<16xi32>
      %select_n3A_224 = arith.select %lt3A_171, %add3A_215, %broadcast_in_dim3A_223 : vector<16xi1>, vector<16xi32>
      %swap3A_225 = arith.constant 160 : index
      %swap3A_226 = tpu.vector_load %arg15[%swap3A_225] {strides = array<i32>} : memref<512xi32, #tpu.memory_space<vmem>>, vector<16xi32>,
      tpu.vector_store %arg15[%swap3A_225], %select_n3A_224 {strides = array<i32>} : memref<512xi32, #tpu.memory_space<vmem>>, vector<16xi32>,
      %add3A_227 = arith.constant 384 : i32
      %add3A_228 = vector.broadcast %add3A_227 : i32 to vector<16xi32>
      %add3A_229 = arith.addi %add3A_184, %add3A_228 : vector<16xi32>
      %jit3A_230 = arith.constant 0 : i32
      %broadcast_in_dim3A_231 = vector.broadcast %jit3A_230 : i32 to vector<16xi32>
      %select_n3A_232 = arith.select %lt3A_171, %add3A_229, %broadcast_in_dim3A_231 : vector<16xi1>, vector<16xi32>
      %gather3A_233 = tpu.vector_load_idx %arg11[%select_n3A_232] : memref<32768xf32, #tpu.memory_space<vmem>>[vector<16xi32>], vector<16xf32>,
      %swap3A_234 = arith.constant 176 : index
      %swap3A_235 = tpu.vector_load %arg14[%swap3A_234] {strides = array<i32>} : memref<512xf32, #tpu.memory_space<vmem>>, vector<16xf32>,
      tpu.vector_store %arg14[%swap3A_234], %gather3A_233 {strides = array<i32>} : memref<512xf32, #tpu.memory_space<vmem>>, vector<16xf32>,
      %jit3A_236 = arith.constant -1 : i32
      %broadcast_in_dim3A_237 = vector.broadcast %jit3A_236 : i32 to vector<16xi32>
      %select_n3A_238 = arith.select %lt3A_171, %add3A_229, %broadcast_in_dim3A_237 : vector<16xi1>, vector<16xi32>
      %swap3A_239 = arith.constant 176 : index
      %swap3A_240 = tpu.vector_load %arg15[%swap3A_239] {strides = array<i32>} : memref<512xi32, #tpu.memory_space<vmem>>, vector<16xi32>,
      tpu.vector_store %arg15[%swap3A_239], %select_n3A_238 {strides = array<i32>} : memref<512xi32, #tpu.memory_space<vmem>>, vector<16xi32>,
      %add3A_241 = arith.constant 512 : i32
      %add3A_242 = vector.broadcast %add3A_241 : i32 to vector<16xi32>
      %add3A_243 = arith.addi %add3A_184, %add3A_242 : vector<16xi32>
      %jit3A_244 = arith.constant 0 : i32
      %broadcast_in_dim3A_245 = vector.broadcast %jit3A_244 : i32 to vector<16xi32>
      %select_n3A_246 = arith.select %lt3A_171, %add3A_243, %broadcast_in_dim3A_245 : vector<16xi1>, vector<16xi32>
      %gather3A_247 = tpu.vector_load_idx %arg11[%select_n3A_246] : memref<32768xf32, #tpu.memory_space<vmem>>[vector<16xi32>], vector<16xf32>,
      %swap3A_248 = arith.constant 192 : index
      %swap3A_249 = tpu.vector_load %arg14[%swap3A_248] {strides = array<i32>} : memref<512xf32, #tpu.memory_space<vmem>>, vector<16xf32>,
      tpu.vector_store %arg14[%swap3A_248], %gather3A_247 {strides = array<i32>} : memref<512xf32, #tpu.memory_space<vmem>>, vector<16xf32>,
      %jit3A_250 = arith.constant -1 : i32
      %broadcast_in_dim3A_251 = vector.broadcast %jit3A_250 : i32 to vector<16xi32>
      %select_n3A_252 = arith.select %lt3A_171, %add3A_243, %broadcast_in_dim3A_251 : vector<16xi1>, vector<16xi32>
      %swap3A_253 = arith.constant 192 : index
      %swap3A_254 = tpu.vector_load %arg15[%swap3A_253] {strides = array<i32>} : memref<512xi32, #tpu.memory_space<vmem>>, vector<16xi32>,
      tpu.vector_store %arg15[%swap3A_253], %select_n3A_252 {strides = array<i32>} : memref<512xi32, #tpu.memory_space<vmem>>, vector<16xi32>,
      %add3A_255 = arith.constant 640 : i32
      %add3A_256 = vector.broadcast %add3A_255 : i32 to vector<16xi32>
      %add3A_257 = arith.addi %add3A_184, %add3A_256 : vector<16xi32>
      %jit3A_258 = arith.constant 0 : i32
      %broadcast_in_dim3A_259 = vector.broadcast %jit3A_258 : i32 to vector<16xi32>
      %select_n3A_260 = arith.select %lt3A_171, %add3A_257, %broadcast_in_dim3A_259 : vector<16xi1>, vector<16xi32>
      %gather3A_261 = tpu.vector_load_idx %arg11[%select_n3A_260] : memref<32768xf32, #tpu.memory_space<vmem>>[vector<16xi32>], vector<16xf32>,
      %swap3A_262 = arith.constant 208 : index
      %swap3A_263 = tpu.vector_load %arg14[%swap3A_262] {strides = array<i32>} : memref<512xf32, #tpu.memory_space<vmem>>, vector<16xf32>,
      tpu.vector_store %arg14[%swap3A_262], %gather3A_261 {strides = array<i32>} : memref<512xf32, #tpu.memory_space<vmem>>, vector<16xf32>,
      %jit3A_264 = arith.constant -1 : i32
      %broadcast_in_dim3A_265 = vector.broadcast %jit3A_264 : i32 to vector<16xi32>
      %select_n3A_266 = arith.select %lt3A_171, %add3A_257, %broadcast_in_dim3A_265 : vector<16xi1>, vector<16xi32>
      %swap3A_267 = arith.constant 208 : index
      %swap3A_268 = tpu.vector_load %arg15[%swap3A_267] {strides = array<i32>} : memref<512xi32, #tpu.memory_space<vmem>>, vector<16xi32>,
      tpu.vector_store %arg15[%swap3A_267], %select_n3A_266 {strides = array<i32>} : memref<512xi32, #tpu.memory_space<vmem>>, vector<16xi32>,
      %add3A_269 = arith.constant 768 : i32
      %add3A_270 = vector.broadcast %add3A_269 : i32 to vector<16xi32>
      %add3A_271 = arith.addi %add3A_184, %add3A_270 : vector<16xi32>
      %jit3A_272 = arith.constant 0 : i32
      %broadcast_in_dim3A_273 = vector.broadcast %jit3A_272 : i32 to vector<16xi32>
      %select_n3A_274 = arith.select %lt3A_171, %add3A_271, %broadcast_in_dim3A_273 : vector<16xi1>, vector<16xi32>
      %gather3A_275 = tpu.vector_load_idx %arg11[%select_n3A_274] : memref<32768xf32, #tpu.memory_space<vmem>>[vector<16xi32>], vector<16xf32>,
      %swap3A_276 = arith.constant 224 : index
      %swap3A_277 = tpu.vector_load %arg14[%swap3A_276] {strides = array<i32>} : memref<512xf32, #tpu.memory_space<vmem>>, vector<16xf32>,
      tpu.vector_store %arg14[%swap3A_276], %gather3A_275 {strides = array<i32>} : memref<512xf32, #tpu.memory_space<vmem>>, vector<16xf32>,
      %jit3A_278 = arith.constant -1 : i32
      %broadcast_in_dim3A_279 = vector.broadcast %jit3A_278 : i32 to vector<16xi32>
      %select_n3A_280 = arith.select %lt3A_171, %add3A_271, %broadcast_in_dim3A_279 : vector<16xi1>, vector<16xi32>
      %swap3A_281 = arith.constant 224 : index
      %swap3A_282 = tpu.vector_load %arg15[%swap3A_281] {strides = array<i32>} : memref<512xi32, #tpu.memory_space<vmem>>, vector<16xi32>,
      tpu.vector_store %arg15[%swap3A_281], %select_n3A_280 {strides = array<i32>} : memref<512xi32, #tpu.memory_space<vmem>>, vector<16xi32>,
      %add3A_283 = arith.constant 896 : i32
      %add3A_284 = vector.broadcast %add3A_283 : i32 to vector<16xi32>
      %add3A_285 = arith.addi %add3A_184, %add3A_284 : vector<16xi32>
      %jit3A_286 = arith.constant 0 : i32
      %broadcast_in_dim3A_287 = vector.broadcast %jit3A_286 : i32 to vector<16xi32>
      %select_n3A_288 = arith.select %lt3A_171, %add3A_285, %broadcast_in_dim3A_287 : vector<16xi1>, vector<16xi32>
      %gather3A_289 = tpu.vector_load_idx %arg11[%select_n3A_288] : memref<32768xf32, #tpu.memory_space<vmem>>[vector<16xi32>], vector<16xf32>,
      %swap3A_290 = arith.constant 240 : index
      %swap3A_291 = tpu.vector_load %arg14[%swap3A_290] {strides = array<i32>} : memref<512xf32, #tpu.memory_space<vmem>>, vector<16xf32>,
      tpu.vector_store %arg14[%swap3A_290], %gather3A_289 {strides = array<i32>} : memref<512xf32, #tpu.memory_space<vmem>>, vector<16xf32>,
      %jit3A_292 = arith.constant -1 : i32
      %broadcast_in_dim3A_293 = vector.broadcast %jit3A_292 : i32 to vector<16xi32>
      %select_n3A_294 = arith.select %lt3A_171, %add3A_285, %broadcast_in_dim3A_293 : vector<16xi1>, vector<16xi32>
      %swap3A_295 = arith.constant 240 : index
      %swap3A_296 = tpu.vector_load %arg15[%swap3A_295] {strides = array<i32>} : memref<512xi32, #tpu.memory_space<vmem>>, vector<16xi32>,
      tpu.vector_store %arg15[%swap3A_295], %select_n3A_294 {strides = array<i32>} : memref<512xi32, #tpu.memory_space<vmem>>, vector<16xi32>,
      %get3A_297 = arith.constant 32 : index
      %get3A_298 = tpu.vector_load %arg13[%get3A_297] {strides = array<i32>} : memref<96xi32, #tpu.memory_space<vmem>>, vector<16xi32>,
      %add3A_299 = arith.constant 32 : i32
      %add3A_300 = vector.broadcast %add3A_299 : i32 to vector<16xi32>
      %add3A_301 = arith.addi %iota3A, %add3A_300 : vector<16xi32>
      %lt3A_302 = arith.cmpi slt, %add3A_301, %min3A_36 : vector<16xi32>
      %jit3A_303 = arith.constant 0 : i32
      %broadcast_in_dim3A_304 = vector.broadcast %jit3A_303 : i32 to vector<16xi32>
      %select_n3A_305 = arith.select %lt3A_302, %get3A_298, %broadcast_in_dim3A_304 : vector<16xi1>, vector<16xi32>
      %shift_right_arithmetic3A_306 = arith.constant 7 : i32
      %shift_right_arithmetic3A_307 = vector.broadcast %shift_right_arithmetic3A_306 : i32 to vector<16xi32>
      %shift_right_arithmetic3A_308 = arith.shrsi %select_n3A_305, %shift_right_arithmetic3A_307 : vector<16xi32>
      %mul3A_309 = arith.constant 1024 : i32
      %mul3A_310 = vector.broadcast %mul3A_309 : i32 to vector<16xi32>
      %mul3A_311 = arith.muli %shift_right_arithmetic3A_308, %mul3A_310 : vector<16xi32>
      %and3A_312 = arith.constant 127 : i32
      %and3A_313 = vector.broadcast %and3A_312 : i32 to vector<16xi32>
      %and3A_314 = arith.andi %select_n3A_305, %and3A_313 : vector<16xi32>
      %add3A_315 = arith.addi %mul3A_311, %and3A_314 : vector<16xi32>
      %add3A_316 = arith.constant 0 : i32
      %add3A_317 = vector.broadcast %add3A_316 : i32 to vector<16xi32>
      %add3A_318 = arith.addi %add3A_315, %add3A_317 : vector<16xi32>
      %jit3A_319 = arith.constant 0 : i32
      %broadcast_in_dim3A_320 = vector.broadcast %jit3A_319 : i32 to vector<16xi32>
      %select_n3A_321 = arith.select %lt3A_302, %add3A_318, %broadcast_in_dim3A_320 : vector<16xi1>, vector<16xi32>
      %gather3A_322 = tpu.vector_load_idx %arg11[%select_n3A_321] : memref<32768xf32, #tpu.memory_space<vmem>>[vector<16xi32>], vector<16xf32>,
      %swap3A_323 = arith.constant 256 : index
      %swap3A_324 = tpu.vector_load %arg14[%swap3A_323] {strides = array<i32>} : memref<512xf32, #tpu.memory_space<vmem>>, vector<16xf32>,
      tpu.vector_store %arg14[%swap3A_323], %gather3A_322 {strides = array<i32>} : memref<512xf32, #tpu.memory_space<vmem>>, vector<16xf32>,
      %jit3A_325 = arith.constant -1 : i32
      %broadcast_in_dim3A_326 = vector.broadcast %jit3A_325 : i32 to vector<16xi32>
      %select_n3A_327 = arith.select %lt3A_302, %add3A_318, %broadcast_in_dim3A_326 : vector<16xi1>, vector<16xi32>
      %swap3A_328 = arith.constant 256 : index
      %swap3A_329 = tpu.vector_load %arg15[%swap3A_328] {strides = array<i32>} : memref<512xi32, #tpu.memory_space<vmem>>, vector<16xi32>,
      tpu.vector_store %arg15[%swap3A_328], %select_n3A_327 {strides = array<i32>} : memref<512xi32, #tpu.memory_space<vmem>>, vector<16xi32>,
      %add3A_330 = arith.constant 128 : i32
      %add3A_331 = vector.broadcast %add3A_330 : i32 to vector<16xi32>
      %add3A_332 = arith.addi %add3A_315, %add3A_331 : vector<16xi32>
      %jit3A_333 = arith.constant 0 : i32
      %broadcast_in_dim3A_334 = vector.broadcast %jit3A_333 : i32 to vector<16xi32>
      %select_n3A_335 = arith.select %lt3A_302, %add3A_332, %broadcast_in_dim3A_334 : vector<16xi1>, vector<16xi32>
      %gather3A_336 = tpu.vector_load_idx %arg11[%select_n3A_335] : memref<32768xf32, #tpu.memory_space<vmem>>[vector<16xi32>], vector<16xf32>,
      %swap3A_337 = arith.constant 272 : index
      %swap3A_338 = tpu.vector_load %arg14[%swap3A_337] {strides = array<i32>} : memref<512xf32, #tpu.memory_space<vmem>>, vector<16xf32>,
      tpu.vector_store %arg14[%swap3A_337], %gather3A_336 {strides = array<i32>} : memref<512xf32, #tpu.memory_space<vmem>>, vector<16xf32>,
      %jit3A_339 = arith.constant -1 : i32
      %broadcast_in_dim3A_340 = vector.broadcast %jit3A_339 : i32 to vector<16xi32>
      %select_n3A_341 = arith.select %lt3A_302, %add3A_332, %broadcast_in_dim3A_340 : vector<16xi1>, vector<16xi32>
      %swap3A_342 = arith.constant 272 : index
      %swap3A_343 = tpu.vector_load %arg15[%swap3A_342] {strides = array<i32>} : memref<512xi32, #tpu.memory_space<vmem>>, vector<16xi32>,
      tpu.vector_store %arg15[%swap3A_342], %select_n3A_341 {strides = array<i32>} : memref<512xi32, #tpu.memory_space<vmem>>, vector<16xi32>,
      %add3A_344 = arith.constant 256 : i32
      %add3A_345 = vector.broadcast %add3A_344 : i32 to vector<16xi32>
      %add3A_346 = arith.addi %add3A_315, %add3A_345 : vector<16xi32>
      %jit3A_347 = arith.constant 0 : i32
      %broadcast_in_dim3A_348 = vector.broadcast %jit3A_347 : i32 to vector<16xi32>
      %select_n3A_349 = arith.select %lt3A_302, %add3A_346, %broadcast_in_dim3A_348 : vector<16xi1>, vector<16xi32>
      %gather3A_350 = tpu.vector_load_idx %arg11[%select_n3A_349] : memref<32768xf32, #tpu.memory_space<vmem>>[vector<16xi32>], vector<16xf32>,
      %swap3A_351 = arith.constant 288 : index
      %swap3A_352 = tpu.vector_load %arg14[%swap3A_351] {strides = array<i32>} : memref<512xf32, #tpu.memory_space<vmem>>, vector<16xf32>,
      tpu.vector_store %arg14[%swap3A_351], %gather3A_350 {strides = array<i32>} : memref<512xf32, #tpu.memory_space<vmem>>, vector<16xf32>,
      %jit3A_353 = arith.constant -1 : i32
      %broadcast_in_dim3A_354 = vector.broadcast %jit3A_353 : i32 to vector<16xi32>
      %select_n3A_355 = arith.select %lt3A_302, %add3A_346, %broadcast_in_dim3A_354 : vector<16xi1>, vector<16xi32>
      %swap3A_356 = arith.constant 288 : index
      %swap3A_357 = tpu.vector_load %arg15[%swap3A_356] {strides = array<i32>} : memref<512xi32, #tpu.memory_space<vmem>>, vector<16xi32>,
      tpu.vector_store %arg15[%swap3A_356], %select_n3A_355 {strides = array<i32>} : memref<512xi32, #tpu.memory_space<vmem>>, vector<16xi32>,
      %add3A_358 = arith.constant 384 : i32
      %add3A_359 = vector.broadcast %add3A_358 : i32 to vector<16xi32>
      %add3A_360 = arith.addi %add3A_315, %add3A_359 : vector<16xi32>
      %jit3A_361 = arith.constant 0 : i32
      %broadcast_in_dim3A_362 = vector.broadcast %jit3A_361 : i32 to vector<16xi32>
      %select_n3A_363 = arith.select %lt3A_302, %add3A_360, %broadcast_in_dim3A_362 : vector<16xi1>, vector<16xi32>
      %gather3A_364 = tpu.vector_load_idx %arg11[%select_n3A_363] : memref<32768xf32, #tpu.memory_space<vmem>>[vector<16xi32>], vector<16xf32>,
      %swap3A_365 = arith.constant 304 : index
      %swap3A_366 = tpu.vector_load %arg14[%swap3A_365] {strides = array<i32>} : memref<512xf32, #tpu.memory_space<vmem>>, vector<16xf32>,
      tpu.vector_store %arg14[%swap3A_365], %gather3A_364 {strides = array<i32>} : memref<512xf32, #tpu.memory_space<vmem>>, vector<16xf32>,
      %jit3A_367 = arith.constant -1 : i32
      %broadcast_in_dim3A_368 = vector.broadcast %jit3A_367 : i32 to vector<16xi32>
      %select_n3A_369 = arith.select %lt3A_302, %add3A_360, %broadcast_in_dim3A_368 : vector<16xi1>, vector<16xi32>
      %swap3A_370 = arith.constant 304 : index
      %swap3A_371 = tpu.vector_load %arg15[%swap3A_370] {strides = array<i32>} : memref<512xi32, #tpu.memory_space<vmem>>, vector<16xi32>,
      tpu.vector_store %arg15[%swap3A_370], %select_n3A_369 {strides = array<i32>} : memref<512xi32, #tpu.memory_space<vmem>>, vector<16xi32>,
      %add3A_372 = arith.constant 512 : i32
      %add3A_373 = vector.broadcast %add3A_372 : i32 to vector<16xi32>
      %add3A_374 = arith.addi %add3A_315, %add3A_373 : vector<16xi32>
      %jit3A_375 = arith.constant 0 : i32
      %broadcast_in_dim3A_376 = vector.broadcast %jit3A_375 : i32 to vector<16xi32>
      %select_n3A_377 = arith.select %lt3A_302, %add3A_374, %broadcast_in_dim3A_376 : vector<16xi1>, vector<16xi32>
      %gather3A_378 = tpu.vector_load_idx %arg11[%select_n3A_377] : memref<32768xf32, #tpu.memory_space<vmem>>[vector<16xi32>], vector<16xf32>,
      %swap3A_379 = arith.constant 320 : index
      %swap3A_380 = tpu.vector_load %arg14[%swap3A_379] {strides = array<i32>} : memref<512xf32, #tpu.memory_space<vmem>>, vector<16xf32>,
      tpu.vector_store %arg14[%swap3A_379], %gather3A_378 {strides = array<i32>} : memref<512xf32, #tpu.memory_space<vmem>>, vector<16xf32>,
      %jit3A_381 = arith.constant -1 : i32
      %broadcast_in_dim3A_382 = vector.broadcast %jit3A_381 : i32 to vector<16xi32>
      %select_n3A_383 = arith.select %lt3A_302, %add3A_374, %broadcast_in_dim3A_382 : vector<16xi1>, vector<16xi32>
      %swap3A_384 = arith.constant 320 : index
      %swap3A_385 = tpu.vector_load %arg15[%swap3A_384] {strides = array<i32>} : memref<512xi32, #tpu.memory_space<vmem>>, vector<16xi32>,
      tpu.vector_store %arg15[%swap3A_384], %select_n3A_383 {strides = array<i32>} : memref<512xi32, #tpu.memory_space<vmem>>, vector<16xi32>,
      %add3A_386 = arith.constant 640 : i32
      %add3A_387 = vector.broadcast %add3A_386 : i32 to vector<16xi32>
      %add3A_388 = arith.addi %add3A_315, %add3A_387 : vector<16xi32>
      %jit3A_389 = arith.constant 0 : i32
      %broadcast_in_dim3A_390 = vector.broadcast %jit3A_389 : i32 to vector<16xi32>
      %select_n3A_391 = arith.select %lt3A_302, %add3A_388, %broadcast_in_dim3A_390 : vector<16xi1>, vector<16xi32>
      %gather3A_392 = tpu.vector_load_idx %arg11[%select_n3A_391] : memref<32768xf32, #tpu.memory_space<vmem>>[vector<16xi32>], vector<16xf32>,
      %swap3A_393 = arith.constant 336 : index
      %swap3A_394 = tpu.vector_load %arg14[%swap3A_393] {strides = array<i32>} : memref<512xf32, #tpu.memory_space<vmem>>, vector<16xf32>,
      tpu.vector_store %arg14[%swap3A_393], %gather3A_392 {strides = array<i32>} : memref<512xf32, #tpu.memory_space<vmem>>, vector<16xf32>,
      %jit3A_395 = arith.constant -1 : i32
      %broadcast_in_dim3A_396 = vector.broadcast %jit3A_395 : i32 to vector<16xi32>
      %select_n3A_397 = arith.select %lt3A_302, %add3A_388, %broadcast_in_dim3A_396 : vector<16xi1>, vector<16xi32>
      %swap3A_398 = arith.constant 336 : index
      %swap3A_399 = tpu.vector_load %arg15[%swap3A_398] {strides = array<i32>} : memref<512xi32, #tpu.memory_space<vmem>>, vector<16xi32>,
      tpu.vector_store %arg15[%swap3A_398], %select_n3A_397 {strides = array<i32>} : memref<512xi32, #tpu.memory_space<vmem>>, vector<16xi32>,
      %add3A_400 = arith.constant 768 : i32
      %add3A_401 = vector.broadcast %add3A_400 : i32 to vector<16xi32>
      %add3A_402 = arith.addi %add3A_315, %add3A_401 : vector<16xi32>
      %jit3A_403 = arith.constant 0 : i32
      %broadcast_in_dim3A_404 = vector.broadcast %jit3A_403 : i32 to vector<16xi32>
      %select_n3A_405 = arith.select %lt3A_302, %add3A_402, %broadcast_in_dim3A_404 : vector<16xi1>, vector<16xi32>
      %gather3A_406 = tpu.vector_load_idx %arg11[%select_n3A_405] : memref<32768xf32, #tpu.memory_space<vmem>>[vector<16xi32>], vector<16xf32>,
      %swap3A_407 = arith.constant 352 : index
      %swap3A_408 = tpu.vector_load %arg14[%swap3A_407] {strides = array<i32>} : memref<512xf32, #tpu.memory_space<vmem>>, vector<16xf32>,
      tpu.vector_store %arg14[%swap3A_407], %gather3A_406 {strides = array<i32>} : memref<512xf32, #tpu.memory_space<vmem>>, vector<16xf32>,
      %jit3A_409 = arith.constant -1 : i32
      %broadcast_in_dim3A_410 = vector.broadcast %jit3A_409 : i32 to vector<16xi32>
      %select_n3A_411 = arith.select %lt3A_302, %add3A_402, %broadcast_in_dim3A_410 : vector<16xi1>, vector<16xi32>
      %swap3A_412 = arith.constant 352 : index
      %swap3A_413 = tpu.vector_load %arg15[%swap3A_412] {strides = array<i32>} : memref<512xi32, #tpu.memory_space<vmem>>, vector<16xi32>,
      tpu.vector_store %arg15[%swap3A_412], %select_n3A_411 {strides = array<i32>} : memref<512xi32, #tpu.memory_space<vmem>>, vector<16xi32>,
      %add3A_414 = arith.constant 896 : i32
      %add3A_415 = vector.broadcast %add3A_414 : i32 to vector<16xi32>
      %add3A_416 = arith.addi %add3A_315, %add3A_415 : vector<16xi32>
      %jit3A_417 = arith.constant 0 : i32
      %broadcast_in_dim3A_418 = vector.broadcast %jit3A_417 : i32 to vector<16xi32>
      %select_n3A_419 = arith.select %lt3A_302, %add3A_416, %broadcast_in_dim3A_418 : vector<16xi1>, vector<16xi32>
      %gather3A_420 = tpu.vector_load_idx %arg11[%select_n3A_419] : memref<32768xf32, #tpu.memory_space<vmem>>[vector<16xi32>], vector<16xf32>,
      %swap3A_421 = arith.constant 368 : index
      %swap3A_422 = tpu.vector_load %arg14[%swap3A_421] {strides = array<i32>} : memref<512xf32, #tpu.memory_space<vmem>>, vector<16xf32>,
      tpu.vector_store %arg14[%swap3A_421], %gather3A_420 {strides = array<i32>} : memref<512xf32, #tpu.memory_space<vmem>>, vector<16xf32>,
      %jit3A_423 = arith.constant -1 : i32
      %broadcast_in_dim3A_424 = vector.broadcast %jit3A_423 : i32 to vector<16xi32>
      %select_n3A_425 = arith.select %lt3A_302, %add3A_416, %broadcast_in_dim3A_424 : vector<16xi1>, vector<16xi32>
      %swap3A_426 = arith.constant 368 : index
      %swap3A_427 = tpu.vector_load %arg15[%swap3A_426] {strides = array<i32>} : memref<512xi32, #tpu.memory_space<vmem>>, vector<16xi32>,
      tpu.vector_store %arg15[%swap3A_426], %select_n3A_425 {strides = array<i32>} : memref<512xi32, #tpu.memory_space<vmem>>, vector<16xi32>,
      %get3A_428 = arith.constant 48 : index
      %get3A_429 = tpu.vector_load %arg13[%get3A_428] {strides = array<i32>} : memref<96xi32, #tpu.memory_space<vmem>>, vector<16xi32>,
      %add3A_430 = arith.constant 48 : i32
      %add3A_431 = vector.broadcast %add3A_430 : i32 to vector<16xi32>
      %add3A_432 = arith.addi %iota3A, %add3A_431 : vector<16xi32>
      %lt3A_433 = arith.cmpi slt, %add3A_432, %min3A_36 : vector<16xi32>
      %jit3A_434 = arith.constant 0 : i32
      %broadcast_in_dim3A_435 = vector.broadcast %jit3A_434 : i32 to vector<16xi32>
      %select_n3A_436 = arith.select %lt3A_433, %get3A_429, %broadcast_in_dim3A_435 : vector<16xi1>, vector<16xi32>
      %shift_right_arithmetic3A_437 = arith.constant 7 : i32
      %shift_right_arithmetic3A_438 = vector.broadcast %shift_right_arithmetic3A_437 : i32 to vector<16xi32>
      %shift_right_arithmetic3A_439 = arith.shrsi %select_n3A_436, %shift_right_arithmetic3A_438 : vector<16xi32>
      %mul3A_440 = arith.constant 1024 : i32
      %mul3A_441 = vector.broadcast %mul3A_440 : i32 to vector<16xi32>
      %mul3A_442 = arith.muli %shift_right_arithmetic3A_439, %mul3A_441 : vector<16xi32>
      %and3A_443 = arith.constant 127 : i32
      %and3A_444 = vector.broadcast %and3A_443 : i32 to vector<16xi32>
      %and3A_445 = arith.andi %select_n3A_436, %and3A_444 : vector<16xi32>
      %add3A_446 = arith.addi %mul3A_442, %and3A_445 : vector<16xi32>
      %add3A_447 = arith.constant 0 : i32
      %add3A_448 = vector.broadcast %add3A_447 : i32 to vector<16xi32>
      %add3A_449 = arith.addi %add3A_446, %add3A_448 : vector<16xi32>
      %jit3A_450 = arith.constant 0 : i32
      %broadcast_in_dim3A_451 = vector.broadcast %jit3A_450 : i32 to vector<16xi32>
      %select_n3A_452 = arith.select %lt3A_433, %add3A_449, %broadcast_in_dim3A_451 : vector<16xi1>, vector<16xi32>
      %gather3A_453 = tpu.vector_load_idx %arg11[%select_n3A_452] : memref<32768xf32, #tpu.memory_space<vmem>>[vector<16xi32>], vector<16xf32>,
      %swap3A_454 = arith.constant 384 : index
      %swap3A_455 = tpu.vector_load %arg14[%swap3A_454] {strides = array<i32>} : memref<512xf32, #tpu.memory_space<vmem>>, vector<16xf32>,
      tpu.vector_store %arg14[%swap3A_454], %gather3A_453 {strides = array<i32>} : memref<512xf32, #tpu.memory_space<vmem>>, vector<16xf32>,
      %jit3A_456 = arith.constant -1 : i32
      %broadcast_in_dim3A_457 = vector.broadcast %jit3A_456 : i32 to vector<16xi32>
      %select_n3A_458 = arith.select %lt3A_433, %add3A_449, %broadcast_in_dim3A_457 : vector<16xi1>, vector<16xi32>
      %swap3A_459 = arith.constant 384 : index
      %swap3A_460 = tpu.vector_load %arg15[%swap3A_459] {strides = array<i32>} : memref<512xi32, #tpu.memory_space<vmem>>, vector<16xi32>,
      tpu.vector_store %arg15[%swap3A_459], %select_n3A_458 {strides = array<i32>} : memref<512xi32, #tpu.memory_space<vmem>>, vector<16xi32>,
      %add3A_461 = arith.constant 128 : i32
      %add3A_462 = vector.broadcast %add3A_461 : i32 to vector<16xi32>
      %add3A_463 = arith.addi %add3A_446, %add3A_462 : vector<16xi32>
      %jit3A_464 = arith.constant 0 : i32
      %broadcast_in_dim3A_465 = vector.broadcast %jit3A_464 : i32 to vector<16xi32>
      %select_n3A_466 = arith.select %lt3A_433, %add3A_463, %broadcast_in_dim3A_465 : vector<16xi1>, vector<16xi32>
      %gather3A_467 = tpu.vector_load_idx %arg11[%select_n3A_466] : memref<32768xf32, #tpu.memory_space<vmem>>[vector<16xi32>], vector<16xf32>,
      %swap3A_468 = arith.constant 400 : index
      %swap3A_469 = tpu.vector_load %arg14[%swap3A_468] {strides = array<i32>} : memref<512xf32, #tpu.memory_space<vmem>>, vector<16xf32>,
      tpu.vector_store %arg14[%swap3A_468], %gather3A_467 {strides = array<i32>} : memref<512xf32, #tpu.memory_space<vmem>>, vector<16xf32>,
      %jit3A_470 = arith.constant -1 : i32
      %broadcast_in_dim3A_471 = vector.broadcast %jit3A_470 : i32 to vector<16xi32>
      %select_n3A_472 = arith.select %lt3A_433, %add3A_463, %broadcast_in_dim3A_471 : vector<16xi1>, vector<16xi32>
      %swap3A_473 = arith.constant 400 : index
      %swap3A_474 = tpu.vector_load %arg15[%swap3A_473] {strides = array<i32>} : memref<512xi32, #tpu.memory_space<vmem>>, vector<16xi32>,
      tpu.vector_store %arg15[%swap3A_473], %select_n3A_472 {strides = array<i32>} : memref<512xi32, #tpu.memory_space<vmem>>, vector<16xi32>,
      %add3A_475 = arith.constant 256 : i32
      %add3A_476 = vector.broadcast %add3A_475 : i32 to vector<16xi32>
      %add3A_477 = arith.addi %add3A_446, %add3A_476 : vector<16xi32>
      %jit3A_478 = arith.constant 0 : i32
      %broadcast_in_dim3A_479 = vector.broadcast %jit3A_478 : i32 to vector<16xi32>
      %select_n3A_480 = arith.select %lt3A_433, %add3A_477, %broadcast_in_dim3A_479 : vector<16xi1>, vector<16xi32>
      %gather3A_481 = tpu.vector_load_idx %arg11[%select_n3A_480] : memref<32768xf32, #tpu.memory_space<vmem>>[vector<16xi32>], vector<16xf32>,
      %swap3A_482 = arith.constant 416 : index
      %swap3A_483 = tpu.vector_load %arg14[%swap3A_482] {strides = array<i32>} : memref<512xf32, #tpu.memory_space<vmem>>, vector<16xf32>,
      tpu.vector_store %arg14[%swap3A_482], %gather3A_481 {strides = array<i32>} : memref<512xf32, #tpu.memory_space<vmem>>, vector<16xf32>,
      %jit3A_484 = arith.constant -1 : i32
      %broadcast_in_dim3A_485 = vector.broadcast %jit3A_484 : i32 to vector<16xi32>
      %select_n3A_486 = arith.select %lt3A_433, %add3A_477, %broadcast_in_dim3A_485 : vector<16xi1>, vector<16xi32>
      %swap3A_487 = arith.constant 416 : index
      %swap3A_488 = tpu.vector_load %arg15[%swap3A_487] {strides = array<i32>} : memref<512xi32, #tpu.memory_space<vmem>>, vector<16xi32>,
      tpu.vector_store %arg15[%swap3A_487], %select_n3A_486 {strides = array<i32>} : memref<512xi32, #tpu.memory_space<vmem>>, vector<16xi32>,
      %add3A_489 = arith.constant 384 : i32
      %add3A_490 = vector.broadcast %add3A_489 : i32 to vector<16xi32>
      %add3A_491 = arith.addi %add3A_446, %add3A_490 : vector<16xi32>
      %jit3A_492 = arith.constant 0 : i32
      %broadcast_in_dim3A_493 = vector.broadcast %jit3A_492 : i32 to vector<16xi32>
      %select_n3A_494 = arith.select %lt3A_433, %add3A_491, %broadcast_in_dim3A_493 : vector<16xi1>, vector<16xi32>
      %gather3A_495 = tpu.vector_load_idx %arg11[%select_n3A_494] : memref<32768xf32, #tpu.memory_space<vmem>>[vector<16xi32>], vector<16xf32>,
      %swap3A_496 = arith.constant 432 : index
      %swap3A_497 = tpu.vector_load %arg14[%swap3A_496] {strides = array<i32>} : memref<512xf32, #tpu.memory_space<vmem>>, vector<16xf32>,
      tpu.vector_store %arg14[%swap3A_496], %gather3A_495 {strides = array<i32>} : memref<512xf32, #tpu.memory_space<vmem>>, vector<16xf32>,
      %jit3A_498 = arith.constant -1 : i32
      %broadcast_in_dim3A_499 = vector.broadcast %jit3A_498 : i32 to vector<16xi32>
      %select_n3A_500 = arith.select %lt3A_433, %add3A_491, %broadcast_in_dim3A_499 : vector<16xi1>, vector<16xi32>
      %swap3A_501 = arith.constant 432 : index
      %swap3A_502 = tpu.vector_load %arg15[%swap3A_501] {strides = array<i32>} : memref<512xi32, #tpu.memory_space<vmem>>, vector<16xi32>,
      tpu.vector_store %arg15[%swap3A_501], %select_n3A_500 {strides = array<i32>} : memref<512xi32, #tpu.memory_space<vmem>>, vector<16xi32>,
      %add3A_503 = arith.constant 512 : i32
      %add3A_504 = vector.broadcast %add3A_503 : i32 to vector<16xi32>
      %add3A_505 = arith.addi %add3A_446, %add3A_504 : vector<16xi32>
      %jit3A_506 = arith.constant 0 : i32
      %broadcast_in_dim3A_507 = vector.broadcast %jit3A_506 : i32 to vector<16xi32>
      %select_n3A_508 = arith.select %lt3A_433, %add3A_505, %broadcast_in_dim3A_507 : vector<16xi1>, vector<16xi32>
      %gather3A_509 = tpu.vector_load_idx %arg11[%select_n3A_508] : memref<32768xf32, #tpu.memory_space<vmem>>[vector<16xi32>], vector<16xf32>,
      %swap3A_510 = arith.constant 448 : index
      %swap3A_511 = tpu.vector_load %arg14[%swap3A_510] {strides = array<i32>} : memref<512xf32, #tpu.memory_space<vmem>>, vector<16xf32>,
      tpu.vector_store %arg14[%swap3A_510], %gather3A_509 {strides = array<i32>} : memref<512xf32, #tpu.memory_space<vmem>>, vector<16xf32>,
      %jit3A_512 = arith.constant -1 : i32
      %broadcast_in_dim3A_513 = vector.broadcast %jit3A_512 : i32 to vector<16xi32>
      %select_n3A_514 = arith.select %lt3A_433, %add3A_505, %broadcast_in_dim3A_513 : vector<16xi1>, vector<16xi32>
      %swap3A_515 = arith.constant 448 : index
      %swap3A_516 = tpu.vector_load %arg15[%swap3A_515] {strides = array<i32>} : memref<512xi32, #tpu.memory_space<vmem>>, vector<16xi32>,
      tpu.vector_store %arg15[%swap3A_515], %select_n3A_514 {strides = array<i32>} : memref<512xi32, #tpu.memory_space<vmem>>, vector<16xi32>,
      %add3A_517 = arith.constant 640 : i32
      %add3A_518 = vector.broadcast %add3A_517 : i32 to vector<16xi32>
      %add3A_519 = arith.addi %add3A_446, %add3A_518 : vector<16xi32>
      %jit3A_520 = arith.constant 0 : i32
      %broadcast_in_dim3A_521 = vector.broadcast %jit3A_520 : i32 to vector<16xi32>
      %select_n3A_522 = arith.select %lt3A_433, %add3A_519, %broadcast_in_dim3A_521 : vector<16xi1>, vector<16xi32>
      %gather3A_523 = tpu.vector_load_idx %arg11[%select_n3A_522] : memref<32768xf32, #tpu.memory_space<vmem>>[vector<16xi32>], vector<16xf32>,
      %swap3A_524 = arith.constant 464 : index
      %swap3A_525 = tpu.vector_load %arg14[%swap3A_524] {strides = array<i32>} : memref<512xf32, #tpu.memory_space<vmem>>, vector<16xf32>,
      tpu.vector_store %arg14[%swap3A_524], %gather3A_523 {strides = array<i32>} : memref<512xf32, #tpu.memory_space<vmem>>, vector<16xf32>,
      %jit3A_526 = arith.constant -1 : i32
      %broadcast_in_dim3A_527 = vector.broadcast %jit3A_526 : i32 to vector<16xi32>
      %select_n3A_528 = arith.select %lt3A_433, %add3A_519, %broadcast_in_dim3A_527 : vector<16xi1>, vector<16xi32>
      %swap3A_529 = arith.constant 464 : index
      %swap3A_530 = tpu.vector_load %arg15[%swap3A_529] {strides = array<i32>} : memref<512xi32, #tpu.memory_space<vmem>>, vector<16xi32>,
      tpu.vector_store %arg15[%swap3A_529], %select_n3A_528 {strides = array<i32>} : memref<512xi32, #tpu.memory_space<vmem>>, vector<16xi32>,
      %add3A_531 = arith.constant 768 : i32
      %add3A_532 = vector.broadcast %add3A_531 : i32 to vector<16xi32>
      %add3A_533 = arith.addi %add3A_446, %add3A_532 : vector<16xi32>
      %jit3A_534 = arith.constant 0 : i32
      %broadcast_in_dim3A_535 = vector.broadcast %jit3A_534 : i32 to vector<16xi32>
      %select_n3A_536 = arith.select %lt3A_433, %add3A_533, %broadcast_in_dim3A_535 : vector<16xi1>, vector<16xi32>
      %gather3A_537 = tpu.vector_load_idx %arg11[%select_n3A_536] : memref<32768xf32, #tpu.memory_space<vmem>>[vector<16xi32>], vector<16xf32>,
      %swap3A_538 = arith.constant 480 : index
      %swap3A_539 = tpu.vector_load %arg14[%swap3A_538] {strides = array<i32>} : memref<512xf32, #tpu.memory_space<vmem>>, vector<16xf32>,
      tpu.vector_store %arg14[%swap3A_538], %gather3A_537 {strides = array<i32>} : memref<512xf32, #tpu.memory_space<vmem>>, vector<16xf32>,
      %jit3A_540 = arith.constant -1 : i32
      %broadcast_in_dim3A_541 = vector.broadcast %jit3A_540 : i32 to vector<16xi32>
      %select_n3A_542 = arith.select %lt3A_433, %add3A_533, %broadcast_in_dim3A_541 : vector<16xi1>, vector<16xi32>
      %swap3A_543 = arith.constant 480 : index
      %swap3A_544 = tpu.vector_load %arg15[%swap3A_543] {strides = array<i32>} : memref<512xi32, #tpu.memory_space<vmem>>, vector<16xi32>,
      tpu.vector_store %arg15[%swap3A_543], %select_n3A_542 {strides = array<i32>} : memref<512xi32, #tpu.memory_space<vmem>>, vector<16xi32>,
      %add3A_545 = arith.constant 896 : i32
      %add3A_546 = vector.broadcast %add3A_545 : i32 to vector<16xi32>
      %add3A_547 = arith.addi %add3A_446, %add3A_546 : vector<16xi32>
      %jit3A_548 = arith.constant 0 : i32
      %broadcast_in_dim3A_549 = vector.broadcast %jit3A_548 : i32 to vector<16xi32>
      %select_n3A_550 = arith.select %lt3A_433, %add3A_547, %broadcast_in_dim3A_549 : vector<16xi1>, vector<16xi32>
      %gather3A_551 = tpu.vector_load_idx %arg11[%select_n3A_550] : memref<32768xf32, #tpu.memory_space<vmem>>[vector<16xi32>], vector<16xf32>,
      %swap3A_552 = arith.constant 496 : index
      %swap3A_553 = tpu.vector_load %arg14[%swap3A_552] {strides = array<i32>} : memref<512xf32, #tpu.memory_space<vmem>>, vector<16xf32>,
      tpu.vector_store %arg14[%swap3A_552], %gather3A_551 {strides = array<i32>} : memref<512xf32, #tpu.memory_space<vmem>>, vector<16xf32>,
      %jit3A_554 = arith.constant -1 : i32
      %broadcast_in_dim3A_555 = vector.broadcast %jit3A_554 : i32 to vector<16xi32>
      %select_n3A_556 = arith.select %lt3A_433, %add3A_547, %broadcast_in_dim3A_555 : vector<16xi1>, vector<16xi32>
      %swap3A_557 = arith.constant 496 : index
      %swap3A_558 = tpu.vector_load %arg15[%swap3A_557] {strides = array<i32>} : memref<512xi32, #tpu.memory_space<vmem>>, vector<16xi32>,
      tpu.vector_store %arg15[%swap3A_557], %select_n3A_556 {strides = array<i32>} : memref<512xi32, #tpu.memory_space<vmem>>, vector<16xi32>,
      "tpu.region"() ({
        %run_scoped3A = tpu.sem_alloc : memref<!tpu.dma_semaphore, #tpu.memory_space<semaphore_mem>>
        %dma_start3A_560 = arith.constant 0 : i32
        %dma_start3A_561 = tpu.memref_slice %arg6[%add3A_11, %dma_start3A_560] : memref<512x512xf32, #tpu.memory_space<hbm>> -> memref<1x512xf32, #tpu.memory_space<hbm>>
        %dma_start3A_562 = tpu.memref_squeeze %dma_start3A_561 : memref<1x512xf32, #tpu.memory_space<hbm>> -> memref<512xf32, #tpu.memory_space<hbm>>
        %dma_start3A_563 = arith.constant 0 : i32
        %dma_start3A_564 = tpu.memref_slice %arg6[%add3A_11, %dma_start3A_563] : memref<512x512xf32, #tpu.memory_space<hbm>> -> memref<1x512xf32, #tpu.memory_space<hbm>>
        %dma_start3A_565 = tpu.memref_squeeze %dma_start3A_564 : memref<1x512xf32, #tpu.memory_space<hbm>> -> memref<512xf32, #tpu.memory_space<hbm>>
        tpu.enqueue_dma source(%arg14 : memref<512xf32, #tpu.memory_space<vmem>>) target(%dma_start3A_565 : memref<512xf32, #tpu.memory_space<hbm>>) target_semaphore(%run_scoped3A : memref<!tpu.dma_semaphore, #tpu.memory_space<semaphore_mem>>)
        %dma_wait3A_566 = arith.constant 0 : i32
        %dma_wait3A_567 = tpu.memref_slice %arg6[%add3A_11, %dma_wait3A_566] : memref<512x512xf32, #tpu.memory_space<hbm>> -> memref<1x512xf32, #tpu.memory_space<hbm>>
        %dma_wait3A_568 = tpu.memref_squeeze %dma_wait3A_567 : memref<1x512xf32, #tpu.memory_space<hbm>> -> memref<512xf32, #tpu.memory_space<hbm>>
        %dma_wait3A_569 = arith.constant 0 : i32
        %dma_wait3A_570 = tpu.memref_slice %arg6[%add3A_11, %dma_wait3A_569] : memref<512x512xf32, #tpu.memory_space<hbm>> -> memref<1x512xf32, #tpu.memory_space<hbm>>
        %dma_wait3A_571 = tpu.memref_squeeze %dma_wait3A_570 : memref<1x512xf32, #tpu.memory_space<hbm>> -> memref<512xf32, #tpu.memory_space<hbm>>
        tpu.wait_dma2 semaphore(%run_scoped3A : memref<!tpu.dma_semaphore, #tpu.memory_space<semaphore_mem>>) src(%arg14 : memref<512xf32, #tpu.memory_space<vmem>>) dst(%dma_wait3A_571 : memref<512xf32, #tpu.memory_space<hbm>>)
        tpu.yield
      }) : () -> ()
      "tpu.region"() ({
        %run_scoped3A = tpu.sem_alloc : memref<!tpu.dma_semaphore, #tpu.memory_space<semaphore_mem>>
        %dma_start3A_560 = arith.constant 0 : i32
        %dma_start3A_561 = tpu.memref_slice %arg7[%add3A_11, %dma_start3A_560] : memref<512x512xi32, #tpu.memory_space<hbm>> -> memref<1x512xi32, #tpu.memory_space<hbm>>
        %dma_start3A_562 = tpu.memref_squeeze %dma_start3A_561 : memref<1x512xi32, #tpu.memory_space<hbm>> -> memref<512xi32, #tpu.memory_space<hbm>>
        %dma_start3A_563 = arith.constant 0 : i32
        %dma_start3A_564 = tpu.memref_slice %arg7[%add3A_11, %dma_start3A_563] : memref<512x512xi32, #tpu.memory_space<hbm>> -> memref<1x512xi32, #tpu.memory_space<hbm>>
        %dma_start3A_565 = tpu.memref_squeeze %dma_start3A_564 : memref<1x512xi32, #tpu.memory_space<hbm>> -> memref<512xi32, #tpu.memory_space<hbm>>
        tpu.enqueue_dma source(%arg15 : memref<512xi32, #tpu.memory_space<vmem>>) target(%dma_start3A_565 : memref<512xi32, #tpu.memory_space<hbm>>) target_semaphore(%run_scoped3A : memref<!tpu.dma_semaphore, #tpu.memory_space<semaphore_mem>>)
        %dma_wait3A_566 = arith.constant 0 : i32
        %dma_wait3A_567 = tpu.memref_slice %arg7[%add3A_11, %dma_wait3A_566] : memref<512x512xi32, #tpu.memory_space<hbm>> -> memref<1x512xi32, #tpu.memory_space<hbm>>
        %dma_wait3A_568 = tpu.memref_squeeze %dma_wait3A_567 : memref<1x512xi32, #tpu.memory_space<hbm>> -> memref<512xi32, #tpu.memory_space<hbm>>
        %dma_wait3A_569 = arith.constant 0 : i32
        %dma_wait3A_570 = tpu.memref_slice %arg7[%add3A_11, %dma_wait3A_569] : memref<512x512xi32, #tpu.memory_space<hbm>> -> memref<1x512xi32, #tpu.memory_space<hbm>>
        %dma_wait3A_571 = tpu.memref_squeeze %dma_wait3A_570 : memref<1x512xi32, #tpu.memory_space<hbm>> -> memref<512xi32, #tpu.memory_space<hbm>>
        tpu.wait_dma2 semaphore(%run_scoped3A : memref<!tpu.dma_semaphore, #tpu.memory_space<semaphore_mem>>) src(%arg15 : memref<512xi32, #tpu.memory_space<vmem>>) dst(%dma_wait3A_571 : memref<512xi32, #tpu.memory_space<hbm>>)
        tpu.yield
      }) : () -> ()
      %scan3A_559 = arith.constant 0 : i32
      scf.yield %scan3A_559 : i32
    }
    %scan3A_6 = arith.constant 16 : i32
    return
  }
}

module attributes {stable_mosaic.version = 14 : i64} {
  func.func @_matmul_seg_kernel(%arg0: i32, %arg1: memref<1024x1024xf32, #tpu.memory_space<vmem>>, %arg2: memref<1024x1024xf32, #tpu.memory_space<vmem>>, %arg3: memref<1024x1024xf32, #tpu.memory_space<vmem>>, %arg4: memref<1024x128xf32, #tpu.memory_space<vmem>>) attributes {dimension_semantics = [#tpu.dimension_semantics<arbitrary>], iteration_bounds = array<i64: 32>, scalar_prefetch = 0 : i64, scratch_operands = 0 : i64, tpu.core_type = #tpu.core_type<tc>, window_params = [{pipeline_mode = #tpu.pipeline_mode<synchronous>, transform_indices = @transform_0, window_bounds = array<i64: 1024, 1024>}, {transform_indices = @transform_1, window_bounds = array<i64: 1024, 1024>}, {transform_indices = @transform_2, window_bounds = array<i64: 1024, 1024>}, {transform_indices = @transform_3, window_bounds = array<i64: 1024, 128>}]} {
    %get3A = arith.constant 0 : index
    %get3A_0 = arith.constant 0 : index
    %get3A_1 = vector.load %arg1[%get3A, %get3A_0] : memref<1024x1024xf32, #tpu.memory_space<vmem>>, vector<1024x1024xf32>
    %get3A_2 = arith.constant 0 : index
    %get3A_3 = arith.constant 0 : index
    %get3A_4 = vector.load %arg2[%get3A_2, %get3A_3] : memref<1024x1024xf32, #tpu.memory_space<vmem>>, vector<1024x1024xf32>
    %dot_general3A = arith.constant dense<0.000000e+00> : vector<1024x1024xf32>
    %dot_general3A_5 = tpu.matmul %get3A_1, %get3A_4, %dot_general3A {dimension_numbers = #tpu.dot_dimension_numbers<[1], [1], [0], [0], [0, 0, 1, 0], [], []>, transpose_lhs_hint = false} : vector<1024x1024xf32>, vector<1024x1024xf32>, vector<1024x1024xf32> -> vector<1024x1024xf32>
    %swap3A = arith.constant 0 : index
    %swap3A_6 = arith.constant 0 : index
    %swap3A_7 = vector.load %arg3[%swap3A, %swap3A_6] : memref<1024x1024xf32, #tpu.memory_space<vmem>>, vector<1024x1024xf32>
    tpu.vector_store %arg3[%swap3A, %swap3A_6], %dot_general3A_5 {strides = array<i32>} : memref<1024x1024xf32, #tpu.memory_space<vmem>>, vector<1024x1024xf32>,
    %slice3A = vector.extract_strided_slice %dot_general3A_5 {offsets = [0, 0], sizes = [1024, 128], strides = [1, 1]} : vector<1024x1024xf32> to vector<1024x128xf32>
    %slice3A_8 = vector.extract_strided_slice %dot_general3A_5 {offsets = [0, 128], sizes = [1024, 128], strides = [1, 1]} : vector<1024x1024xf32> to vector<1024x128xf32>
    %max3A = arith.maximumf %slice3A, %slice3A_8 : vector<1024x128xf32>
    %slice3A_9 = vector.extract_strided_slice %dot_general3A_5 {offsets = [0, 256], sizes = [1024, 128], strides = [1, 1]} : vector<1024x1024xf32> to vector<1024x128xf32>
    %max3A_10 = arith.maximumf %max3A, %slice3A_9 : vector<1024x128xf32>
    %slice3A_11 = vector.extract_strided_slice %dot_general3A_5 {offsets = [0, 384], sizes = [1024, 128], strides = [1, 1]} : vector<1024x1024xf32> to vector<1024x128xf32>
    %max3A_12 = arith.maximumf %max3A_10, %slice3A_11 : vector<1024x128xf32>
    %slice3A_13 = vector.extract_strided_slice %dot_general3A_5 {offsets = [0, 512], sizes = [1024, 128], strides = [1, 1]} : vector<1024x1024xf32> to vector<1024x128xf32>
    %max3A_14 = arith.maximumf %max3A_12, %slice3A_13 : vector<1024x128xf32>
    %slice3A_15 = vector.extract_strided_slice %dot_general3A_5 {offsets = [0, 640], sizes = [1024, 128], strides = [1, 1]} : vector<1024x1024xf32> to vector<1024x128xf32>
    %max3A_16 = arith.maximumf %max3A_14, %slice3A_15 : vector<1024x128xf32>
    %slice3A_17 = vector.extract_strided_slice %dot_general3A_5 {offsets = [0, 768], sizes = [1024, 128], strides = [1, 1]} : vector<1024x1024xf32> to vector<1024x128xf32>
    %max3A_18 = arith.maximumf %max3A_16, %slice3A_17 : vector<1024x128xf32>
    %slice3A_19 = vector.extract_strided_slice %dot_general3A_5 {offsets = [0, 896], sizes = [1024, 128], strides = [1, 1]} : vector<1024x1024xf32> to vector<1024x128xf32>
    %max3A_20 = arith.maximumf %max3A_18, %slice3A_19 : vector<1024x128xf32>
    %swap3A_21 = arith.constant 0 : index
    %swap3A_22 = arith.constant 0 : index
    %swap3A_23 = vector.load %arg4[%swap3A_21, %swap3A_22] : memref<1024x128xf32, #tpu.memory_space<vmem>>, vector<1024x128xf32>
    tpu.vector_store %arg4[%swap3A_21, %swap3A_22], %max3A_20 {strides = array<i32>} : memref<1024x128xf32, #tpu.memory_space<vmem>>, vector<1024x128xf32>,
    return
  }
  func.func @transform_0(%arg0: i32) -> (i32, i32) {
    %c0_i32 = arith.constant 0 : i32
    %c0_i32_0 = arith.constant 0 : i32
    %c0_i32_1 = arith.constant 0 : i32
    return %c0_i32, %c0_i32_0 : i32, i32
  }
  func.func @transform_1(%arg0: i32) -> (i32, i32) {
    %c0_i32 = arith.constant 0 : i32
    %c0_i32_0 = arith.constant 0 : i32
    return %arg0, %c0_i32 : i32, i32
  }
  func.func @transform_2(%arg0: i32) -> (i32, i32) {
    %c0_i32 = arith.constant 0 : i32
    %c0_i32_0 = arith.constant 0 : i32
    return %c0_i32, %arg0 : i32, i32
  }
  func.func @transform_3(%arg0: i32) -> (i32, i32) {
    %c0_i32 = arith.constant 0 : i32
    %c0_i32_0 = arith.constant 0 : i32
    return %c0_i32, %arg0 : i32, i32
  }
}

module attributes {stable_mosaic.version = 14 : i64} {
  func.func @_tseg_kernel(%arg0: i32, %arg1: memref<128x4096xf32, #tpu.memory_space<vmem>>, %arg2: memref<128x128xf32, #tpu.memory_space<vmem>>, %arg3: memref<128x256xf32, #tpu.memory_space<vmem>>) attributes {dimension_semantics = [#tpu.dimension_semantics<arbitrary>], iteration_bounds = array<i64: 4>, scalar_prefetch = 0 : i64, scratch_operands = 0 : i64, tpu.core_type = #tpu.core_type<tc>, window_params = [{transform_indices = @transform_0, window_bounds = array<i64: 128, 4096>}, {transform_indices = @transform_1, window_bounds = array<i64: 128, 128>}, {transform_indices = @transform_2, window_bounds = array<i64: 128, 256>}]} {
    %get3A = arith.constant 0 : index
    %get3A_0 = arith.constant 0 : index
    %get3A_1 = vector.load %arg1[%get3A, %get3A_0] : memref<128x4096xf32, #tpu.memory_space<vmem>>, vector<128x4096xf32>
    %bitcast_convert_type3A = tpu.bitcast %get3A_1 : vector<128x4096xf32> -> vector<128x4096xi32>
    %lt3A = arith.constant 0 : i32
    %lt3A_2 = vector.broadcast %lt3A : i32 to vector<128x4096xi32>
    %lt3A_3 = arith.cmpi slt, %bitcast_convert_type3A, %lt3A_2 : vector<128x4096xi32>
    %not3A = arith.constant dense<-1> : vector<128x4096xi32>
    %not3A_4 = arith.xori %bitcast_convert_type3A, %not3A : vector<128x4096xi32>
    %xor3A = arith.constant -2147483648 : i32
    %xor3A_5 = vector.broadcast %xor3A : i32 to vector<128x4096xi32>
    %xor3A_6 = arith.xori %not3A_4, %xor3A_5 : vector<128x4096xi32>
    %select_n3A = arith.select %lt3A_3, %xor3A_6, %bitcast_convert_type3A : vector<128x4096xi1>, vector<128x4096xi32>
    %broadcast_in_dim3A = arith.constant -2147483648 : i32
    %broadcast_in_dim3A_7 = vector.broadcast %broadcast_in_dim3A : i32 to vector<128x1xi32>
    %broadcast_in_dim3A_8 = arith.constant 2147483647 : i32
    %broadcast_in_dim3A_9 = vector.broadcast %broadcast_in_dim3A_8 : i32 to vector<128x1xi32>
    %scan3A = arith.constant 3.200000e+01 : f32
    %scan3A_10 = arith.constant 0 : i32
    %scan3A_11 = arith.constant 32 : i32
    %scan3A_12 = arith.addi %scan3A_10, %scan3A_11 : i32
    %scan3A_13 = arith.constant 1 : i32
    %scan3A_14:2 = scf.for %scan3A_60 = %scan3A_10 to %scan3A_12 step %scan3A_13 iter_args(%scan3A_61 = %broadcast_in_dim3A_7, %scan3A_62 = %broadcast_in_dim3A_9) -> (vector<128x1xi32>, vector<128x1xi32>)  : i32 {
      %shift_right_arithmetic3A = arith.constant 1 : i32
      %shift_right_arithmetic3A_63 = vector.broadcast %shift_right_arithmetic3A : i32 to vector<128x1xi32>
      %shift_right_arithmetic3A_64 = arith.shrsi %scan3A_61, %shift_right_arithmetic3A_63 : vector<128x1xi32>
      %shift_right_arithmetic3A_65 = arith.constant 1 : i32
      %shift_right_arithmetic3A_66 = vector.broadcast %shift_right_arithmetic3A_65 : i32 to vector<128x1xi32>
      %shift_right_arithmetic3A_67 = arith.shrsi %scan3A_62, %shift_right_arithmetic3A_66 : vector<128x1xi32>
      %add3A = arith.addi %shift_right_arithmetic3A_64, %shift_right_arithmetic3A_67 : vector<128x1xi32>
      %and3A = arith.constant 1 : i32
      %and3A_68 = vector.broadcast %and3A : i32 to vector<128x1xi32>
      %and3A_69 = arith.andi %scan3A_61, %and3A_68 : vector<128x1xi32>
      %and3A_70 = arith.constant 1 : i32
      %and3A_71 = vector.broadcast %and3A_70 : i32 to vector<128x1xi32>
      %and3A_72 = arith.andi %scan3A_62, %and3A_71 : vector<128x1xi32>
      %add3A_73 = arith.addi %and3A_69, %and3A_72 : vector<128x1xi32>
      %add3A_74 = arith.constant 1 : i32
      %add3A_75 = vector.broadcast %add3A_74 : i32 to vector<128x1xi32>
      %add3A_76 = arith.addi %add3A_73, %add3A_75 : vector<128x1xi32>
      %shift_right_arithmetic3A_77 = arith.constant 1 : i32
      %shift_right_arithmetic3A_78 = vector.broadcast %shift_right_arithmetic3A_77 : i32 to vector<128x1xi32>
      %shift_right_arithmetic3A_79 = arith.shrsi %add3A_76, %shift_right_arithmetic3A_78 : vector<128x1xi32>
      %add3A_80 = arith.addi %add3A, %shift_right_arithmetic3A_79 : vector<128x1xi32>
      %ge3A_81 = vector.broadcast %add3A_80 : vector<128x1xi32> to vector<128x4096xi32>
      %ge3A_82 = arith.cmpi sge, %select_n3A, %ge3A_81 : vector<128x4096xi32>
      %convert_element_type3A = arith.extui %ge3A_82 : vector<128x4096xi1> to vector<128x4096xi32>
      %convert_element_type3A_83 = arith.sitofp %convert_element_type3A : vector<128x4096xi32> to vector<128x4096xf32>
      %reduce_sum3A = arith.constant dense<0.000000e+00> : vector<128xf32>
      %reduce_sum3A_84 = vector.multi_reduction <add>, %convert_element_type3A_83, %reduce_sum3A [1] : vector<128x4096xf32> to vector<128xf32>
      %broadcast_in_dim3A_85 = vector.shape_cast %reduce_sum3A_84 : vector<128xf32> to vector<128x1xf32>
      %ge3A_86 = vector.broadcast %scan3A : f32 to vector<128x1xf32>
      %ge3A_87 = arith.cmpf oge, %broadcast_in_dim3A_85, %ge3A_86 : vector<128x1xf32>
      %select_n3A_88 = arith.select %ge3A_87, %add3A_80, %scan3A_61 : vector<128x1xi1>, vector<128x1xi32>
      %sub3A = arith.constant 1 : i32
      %sub3A_89 = vector.broadcast %sub3A : i32 to vector<128x1xi32>
      %sub3A_90 = arith.subi %add3A_80, %sub3A_89 : vector<128x1xi32>
      %select_n3A_91 = arith.select %ge3A_87, %scan3A_62, %sub3A_90 : vector<128x1xi1>, vector<128x1xi32>
      scf.yield %select_n3A_88, %select_n3A_91 : vector<128x1xi32>, vector<128x1xi32>
    }
    %ge3A = arith.constant 0 : i32
    %ge3A_15 = vector.broadcast %ge3A : i32 to vector<128x1xi32>
    %ge3A_16 = arith.cmpi sge, %scan3A_14#0, %ge3A_15 : vector<128x1xi32>
    %xor3A_17 = arith.constant -2147483648 : i32
    %xor3A_18 = vector.broadcast %xor3A_17 : i32 to vector<128x1xi32>
    %xor3A_19 = arith.xori %scan3A_14#0, %xor3A_18 : vector<128x1xi32>
    %not3A_20 = arith.constant dense<-1> : vector<128x1xi32>
    %not3A_21 = arith.xori %xor3A_19, %not3A_20 : vector<128x1xi32>
    %select_n3A_22 = arith.select %ge3A_16, %scan3A_14#0, %not3A_21 : vector<128x1xi1>, vector<128x1xi32>
    %bitcast_convert_type3A_23 = tpu.bitcast %select_n3A_22 : vector<128x1xi32> -> vector<128x1xf32>
    %broadcast_in_dim3A_24 = vector.shape_cast %bitcast_convert_type3A_23 : vector<128x1xf32> to vector<128x1xf32>
    %broadcast_in_dim3A_25 = vector.broadcast %broadcast_in_dim3A_24 : vector<128x1xf32> to vector<128x128xf32>
    %swap3A = arith.constant 0 : index
    %swap3A_26 = arith.constant 0 : index
    %swap3A_27 = vector.load %arg2[%swap3A, %swap3A_26] : memref<128x128xf32, #tpu.memory_space<vmem>>, vector<128x128xf32>
    tpu.vector_store %arg2[%swap3A, %swap3A_26], %broadcast_in_dim3A_25 {strides = array<i32>} : memref<128x128xf32, #tpu.memory_space<vmem>>, vector<128x128xf32>,
    %slice3A = vector.extract_strided_slice %get3A_1 {offsets = [0, 0], sizes = [128, 256], strides = [1, 1]} : vector<128x4096xf32> to vector<128x256xf32>
    %slice3A_28 = vector.extract_strided_slice %get3A_1 {offsets = [0, 256], sizes = [128, 256], strides = [1, 1]} : vector<128x4096xf32> to vector<128x256xf32>
    %max3A = arith.maximumf %slice3A, %slice3A_28 : vector<128x256xf32>
    %slice3A_29 = vector.extract_strided_slice %get3A_1 {offsets = [0, 512], sizes = [128, 256], strides = [1, 1]} : vector<128x4096xf32> to vector<128x256xf32>
    %max3A_30 = arith.maximumf %max3A, %slice3A_29 : vector<128x256xf32>
    %slice3A_31 = vector.extract_strided_slice %get3A_1 {offsets = [0, 768], sizes = [128, 256], strides = [1, 1]} : vector<128x4096xf32> to vector<128x256xf32>
    %max3A_32 = arith.maximumf %max3A_30, %slice3A_31 : vector<128x256xf32>
    %slice3A_33 = vector.extract_strided_slice %get3A_1 {offsets = [0, 1024], sizes = [128, 256], strides = [1, 1]} : vector<128x4096xf32> to vector<128x256xf32>
    %max3A_34 = arith.maximumf %max3A_32, %slice3A_33 : vector<128x256xf32>
    %slice3A_35 = vector.extract_strided_slice %get3A_1 {offsets = [0, 1280], sizes = [128, 256], strides = [1, 1]} : vector<128x4096xf32> to vector<128x256xf32>
    %max3A_36 = arith.maximumf %max3A_34, %slice3A_35 : vector<128x256xf32>
    %slice3A_37 = vector.extract_strided_slice %get3A_1 {offsets = [0, 1536], sizes = [128, 256], strides = [1, 1]} : vector<128x4096xf32> to vector<128x256xf32>
    %max3A_38 = arith.maximumf %max3A_36, %slice3A_37 : vector<128x256xf32>
    %slice3A_39 = vector.extract_strided_slice %get3A_1 {offsets = [0, 1792], sizes = [128, 256], strides = [1, 1]} : vector<128x4096xf32> to vector<128x256xf32>
    %max3A_40 = arith.maximumf %max3A_38, %slice3A_39 : vector<128x256xf32>
    %slice3A_41 = vector.extract_strided_slice %get3A_1 {offsets = [0, 2048], sizes = [128, 256], strides = [1, 1]} : vector<128x4096xf32> to vector<128x256xf32>
    %max3A_42 = arith.maximumf %max3A_40, %slice3A_41 : vector<128x256xf32>
    %slice3A_43 = vector.extract_strided_slice %get3A_1 {offsets = [0, 2304], sizes = [128, 256], strides = [1, 1]} : vector<128x4096xf32> to vector<128x256xf32>
    %max3A_44 = arith.maximumf %max3A_42, %slice3A_43 : vector<128x256xf32>
    %slice3A_45 = vector.extract_strided_slice %get3A_1 {offsets = [0, 2560], sizes = [128, 256], strides = [1, 1]} : vector<128x4096xf32> to vector<128x256xf32>
    %max3A_46 = arith.maximumf %max3A_44, %slice3A_45 : vector<128x256xf32>
    %slice3A_47 = vector.extract_strided_slice %get3A_1 {offsets = [0, 2816], sizes = [128, 256], strides = [1, 1]} : vector<128x4096xf32> to vector<128x256xf32>
    %max3A_48 = arith.maximumf %max3A_46, %slice3A_47 : vector<128x256xf32>
    %slice3A_49 = vector.extract_strided_slice %get3A_1 {offsets = [0, 3072], sizes = [128, 256], strides = [1, 1]} : vector<128x4096xf32> to vector<128x256xf32>
    %max3A_50 = arith.maximumf %max3A_48, %slice3A_49 : vector<128x256xf32>
    %slice3A_51 = vector.extract_strided_slice %get3A_1 {offsets = [0, 3328], sizes = [128, 256], strides = [1, 1]} : vector<128x4096xf32> to vector<128x256xf32>
    %max3A_52 = arith.maximumf %max3A_50, %slice3A_51 : vector<128x256xf32>
    %slice3A_53 = vector.extract_strided_slice %get3A_1 {offsets = [0, 3584], sizes = [128, 256], strides = [1, 1]} : vector<128x4096xf32> to vector<128x256xf32>
    %max3A_54 = arith.maximumf %max3A_52, %slice3A_53 : vector<128x256xf32>
    %slice3A_55 = vector.extract_strided_slice %get3A_1 {offsets = [0, 3840], sizes = [128, 256], strides = [1, 1]} : vector<128x4096xf32> to vector<128x256xf32>
    %max3A_56 = arith.maximumf %max3A_54, %slice3A_55 : vector<128x256xf32>
    %swap3A_57 = arith.constant 0 : index
    %swap3A_58 = arith.constant 0 : index
    %swap3A_59 = vector.load %arg3[%swap3A_57, %swap3A_58] : memref<128x256xf32, #tpu.memory_space<vmem>>, vector<128x256xf32>
    tpu.vector_store %arg3[%swap3A_57, %swap3A_58], %max3A_56 {strides = array<i32>} : memref<128x256xf32, #tpu.memory_space<vmem>>, vector<128x256xf32>,
    return
  }
  func.func @transform_0(%arg0: i32) -> (i32, i32) {
    %add3A = arith.constant 4 : i32
    %add3A_0 = arith.addi %arg0, %add3A : i32
    %c0_i32 = arith.constant 0 : i32
    %c0_i32_1 = arith.constant 0 : i32
    return %add3A_0, %c0_i32 : i32, i32
  }
  func.func @transform_1(%arg0: i32) -> (i32, i32) {
    %c0_i32 = arith.constant 0 : i32
    %c0_i32_0 = arith.constant 0 : i32
    return %arg0, %c0_i32 : i32, i32
  }
  func.func @transform_2(%arg0: i32) -> (i32, i32) {
    %c0_i32 = arith.constant 0 : i32
    %c0_i32_0 = arith.constant 0 : i32
    return %arg0, %c0_i32 : i32, i32
  }
}

module attributes {stable_mosaic.version = 14 : i64} {
  func.func @_tseg_kernel(%arg0: i32, %arg1: memref<128x4096xf32, #tpu.memory_space<vmem>>, %arg2: memref<128x128xf32, #tpu.memory_space<vmem>>, %arg3: memref<128x256xf32, #tpu.memory_space<vmem>>) attributes {dimension_semantics = [#tpu.dimension_semantics<arbitrary>], iteration_bounds = array<i64: 4>, scalar_prefetch = 0 : i64, scratch_operands = 0 : i64, tpu.core_type = #tpu.core_type<tc>, window_params = [{transform_indices = @transform_0, window_bounds = array<i64: 128, 4096>}, {transform_indices = @transform_1, window_bounds = array<i64: 128, 128>}, {transform_indices = @transform_2, window_bounds = array<i64: 128, 256>}]} {
    %get3A = arith.constant 0 : index
    %get3A_0 = arith.constant 0 : index
    %get3A_1 = vector.load %arg1[%get3A, %get3A_0] : memref<128x4096xf32, #tpu.memory_space<vmem>>, vector<128x4096xf32>
    %bitcast_convert_type3A = tpu.bitcast %get3A_1 : vector<128x4096xf32> -> vector<128x4096xi32>
    %lt3A = arith.constant 0 : i32
    %lt3A_2 = vector.broadcast %lt3A : i32 to vector<128x4096xi32>
    %lt3A_3 = arith.cmpi slt, %bitcast_convert_type3A, %lt3A_2 : vector<128x4096xi32>
    %not3A = arith.constant dense<-1> : vector<128x4096xi32>
    %not3A_4 = arith.xori %bitcast_convert_type3A, %not3A : vector<128x4096xi32>
    %xor3A = arith.constant -2147483648 : i32
    %xor3A_5 = vector.broadcast %xor3A : i32 to vector<128x4096xi32>
    %xor3A_6 = arith.xori %not3A_4, %xor3A_5 : vector<128x4096xi32>
    %select_n3A = arith.select %lt3A_3, %xor3A_6, %bitcast_convert_type3A : vector<128x4096xi1>, vector<128x4096xi32>
    %broadcast_in_dim3A = arith.constant -2147483648 : i32
    %broadcast_in_dim3A_7 = vector.broadcast %broadcast_in_dim3A : i32 to vector<128x1xi32>
    %broadcast_in_dim3A_8 = arith.constant 2147483647 : i32
    %broadcast_in_dim3A_9 = vector.broadcast %broadcast_in_dim3A_8 : i32 to vector<128x1xi32>
    %scan3A = arith.constant 3.200000e+01 : f32
    %scan3A_10 = arith.constant 0 : i32
    %scan3A_11 = arith.constant 32 : i32
    %scan3A_12 = arith.addi %scan3A_10, %scan3A_11 : i32
    %scan3A_13 = arith.constant 1 : i32
    %scan3A_14:2 = scf.for %scan3A_60 = %scan3A_10 to %scan3A_12 step %scan3A_13 iter_args(%scan3A_61 = %broadcast_in_dim3A_7, %scan3A_62 = %broadcast_in_dim3A_9) -> (vector<128x1xi32>, vector<128x1xi32>)  : i32 {
      %shift_right_arithmetic3A = arith.constant 1 : i32
      %shift_right_arithmetic3A_63 = vector.broadcast %shift_right_arithmetic3A : i32 to vector<128x1xi32>
      %shift_right_arithmetic3A_64 = arith.shrsi %scan3A_61, %shift_right_arithmetic3A_63 : vector<128x1xi32>
      %shift_right_arithmetic3A_65 = arith.constant 1 : i32
      %shift_right_arithmetic3A_66 = vector.broadcast %shift_right_arithmetic3A_65 : i32 to vector<128x1xi32>
      %shift_right_arithmetic3A_67 = arith.shrsi %scan3A_62, %shift_right_arithmetic3A_66 : vector<128x1xi32>
      %add3A = arith.addi %shift_right_arithmetic3A_64, %shift_right_arithmetic3A_67 : vector<128x1xi32>
      %and3A = arith.constant 1 : i32
      %and3A_68 = vector.broadcast %and3A : i32 to vector<128x1xi32>
      %and3A_69 = arith.andi %scan3A_61, %and3A_68 : vector<128x1xi32>
      %and3A_70 = arith.constant 1 : i32
      %and3A_71 = vector.broadcast %and3A_70 : i32 to vector<128x1xi32>
      %and3A_72 = arith.andi %scan3A_62, %and3A_71 : vector<128x1xi32>
      %add3A_73 = arith.addi %and3A_69, %and3A_72 : vector<128x1xi32>
      %add3A_74 = arith.constant 1 : i32
      %add3A_75 = vector.broadcast %add3A_74 : i32 to vector<128x1xi32>
      %add3A_76 = arith.addi %add3A_73, %add3A_75 : vector<128x1xi32>
      %shift_right_arithmetic3A_77 = arith.constant 1 : i32
      %shift_right_arithmetic3A_78 = vector.broadcast %shift_right_arithmetic3A_77 : i32 to vector<128x1xi32>
      %shift_right_arithmetic3A_79 = arith.shrsi %add3A_76, %shift_right_arithmetic3A_78 : vector<128x1xi32>
      %add3A_80 = arith.addi %add3A, %shift_right_arithmetic3A_79 : vector<128x1xi32>
      %ge3A_81 = vector.broadcast %add3A_80 : vector<128x1xi32> to vector<128x4096xi32>
      %ge3A_82 = arith.cmpi sge, %select_n3A, %ge3A_81 : vector<128x4096xi32>
      %convert_element_type3A = arith.extui %ge3A_82 : vector<128x4096xi1> to vector<128x4096xi32>
      %convert_element_type3A_83 = arith.sitofp %convert_element_type3A : vector<128x4096xi32> to vector<128x4096xf32>
      %reduce_sum3A = arith.constant dense<0.000000e+00> : vector<128xf32>
      %reduce_sum3A_84 = vector.multi_reduction <add>, %convert_element_type3A_83, %reduce_sum3A [1] : vector<128x4096xf32> to vector<128xf32>
      %broadcast_in_dim3A_85 = vector.shape_cast %reduce_sum3A_84 : vector<128xf32> to vector<128x1xf32>
      %ge3A_86 = vector.broadcast %scan3A : f32 to vector<128x1xf32>
      %ge3A_87 = arith.cmpf oge, %broadcast_in_dim3A_85, %ge3A_86 : vector<128x1xf32>
      %select_n3A_88 = arith.select %ge3A_87, %add3A_80, %scan3A_61 : vector<128x1xi1>, vector<128x1xi32>
      %sub3A = arith.constant 1 : i32
      %sub3A_89 = vector.broadcast %sub3A : i32 to vector<128x1xi32>
      %sub3A_90 = arith.subi %add3A_80, %sub3A_89 : vector<128x1xi32>
      %select_n3A_91 = arith.select %ge3A_87, %scan3A_62, %sub3A_90 : vector<128x1xi1>, vector<128x1xi32>
      scf.yield %select_n3A_88, %select_n3A_91 : vector<128x1xi32>, vector<128x1xi32>
    }
    %ge3A = arith.constant 0 : i32
    %ge3A_15 = vector.broadcast %ge3A : i32 to vector<128x1xi32>
    %ge3A_16 = arith.cmpi sge, %scan3A_14#0, %ge3A_15 : vector<128x1xi32>
    %xor3A_17 = arith.constant -2147483648 : i32
    %xor3A_18 = vector.broadcast %xor3A_17 : i32 to vector<128x1xi32>
    %xor3A_19 = arith.xori %scan3A_14#0, %xor3A_18 : vector<128x1xi32>
    %not3A_20 = arith.constant dense<-1> : vector<128x1xi32>
    %not3A_21 = arith.xori %xor3A_19, %not3A_20 : vector<128x1xi32>
    %select_n3A_22 = arith.select %ge3A_16, %scan3A_14#0, %not3A_21 : vector<128x1xi1>, vector<128x1xi32>
    %bitcast_convert_type3A_23 = tpu.bitcast %select_n3A_22 : vector<128x1xi32> -> vector<128x1xf32>
    %broadcast_in_dim3A_24 = vector.shape_cast %bitcast_convert_type3A_23 : vector<128x1xf32> to vector<128x1xf32>
    %broadcast_in_dim3A_25 = vector.broadcast %broadcast_in_dim3A_24 : vector<128x1xf32> to vector<128x128xf32>
    %swap3A = arith.constant 0 : index
    %swap3A_26 = arith.constant 0 : index
    %swap3A_27 = vector.load %arg2[%swap3A, %swap3A_26] : memref<128x128xf32, #tpu.memory_space<vmem>>, vector<128x128xf32>
    tpu.vector_store %arg2[%swap3A, %swap3A_26], %broadcast_in_dim3A_25 {strides = array<i32>} : memref<128x128xf32, #tpu.memory_space<vmem>>, vector<128x128xf32>,
    %slice3A = vector.extract_strided_slice %get3A_1 {offsets = [0, 0], sizes = [128, 256], strides = [1, 1]} : vector<128x4096xf32> to vector<128x256xf32>
    %slice3A_28 = vector.extract_strided_slice %get3A_1 {offsets = [0, 256], sizes = [128, 256], strides = [1, 1]} : vector<128x4096xf32> to vector<128x256xf32>
    %max3A = arith.maximumf %slice3A, %slice3A_28 : vector<128x256xf32>
    %slice3A_29 = vector.extract_strided_slice %get3A_1 {offsets = [0, 512], sizes = [128, 256], strides = [1, 1]} : vector<128x4096xf32> to vector<128x256xf32>
    %max3A_30 = arith.maximumf %max3A, %slice3A_29 : vector<128x256xf32>
    %slice3A_31 = vector.extract_strided_slice %get3A_1 {offsets = [0, 768], sizes = [128, 256], strides = [1, 1]} : vector<128x4096xf32> to vector<128x256xf32>
    %max3A_32 = arith.maximumf %max3A_30, %slice3A_31 : vector<128x256xf32>
    %slice3A_33 = vector.extract_strided_slice %get3A_1 {offsets = [0, 1024], sizes = [128, 256], strides = [1, 1]} : vector<128x4096xf32> to vector<128x256xf32>
    %max3A_34 = arith.maximumf %max3A_32, %slice3A_33 : vector<128x256xf32>
    %slice3A_35 = vector.extract_strided_slice %get3A_1 {offsets = [0, 1280], sizes = [128, 256], strides = [1, 1]} : vector<128x4096xf32> to vector<128x256xf32>
    %max3A_36 = arith.maximumf %max3A_34, %slice3A_35 : vector<128x256xf32>
    %slice3A_37 = vector.extract_strided_slice %get3A_1 {offsets = [0, 1536], sizes = [128, 256], strides = [1, 1]} : vector<128x4096xf32> to vector<128x256xf32>
    %max3A_38 = arith.maximumf %max3A_36, %slice3A_37 : vector<128x256xf32>
    %slice3A_39 = vector.extract_strided_slice %get3A_1 {offsets = [0, 1792], sizes = [128, 256], strides = [1, 1]} : vector<128x4096xf32> to vector<128x256xf32>
    %max3A_40 = arith.maximumf %max3A_38, %slice3A_39 : vector<128x256xf32>
    %slice3A_41 = vector.extract_strided_slice %get3A_1 {offsets = [0, 2048], sizes = [128, 256], strides = [1, 1]} : vector<128x4096xf32> to vector<128x256xf32>
    %max3A_42 = arith.maximumf %max3A_40, %slice3A_41 : vector<128x256xf32>
    %slice3A_43 = vector.extract_strided_slice %get3A_1 {offsets = [0, 2304], sizes = [128, 256], strides = [1, 1]} : vector<128x4096xf32> to vector<128x256xf32>
    %max3A_44 = arith.maximumf %max3A_42, %slice3A_43 : vector<128x256xf32>
    %slice3A_45 = vector.extract_strided_slice %get3A_1 {offsets = [0, 2560], sizes = [128, 256], strides = [1, 1]} : vector<128x4096xf32> to vector<128x256xf32>
    %max3A_46 = arith.maximumf %max3A_44, %slice3A_45 : vector<128x256xf32>
    %slice3A_47 = vector.extract_strided_slice %get3A_1 {offsets = [0, 2816], sizes = [128, 256], strides = [1, 1]} : vector<128x4096xf32> to vector<128x256xf32>
    %max3A_48 = arith.maximumf %max3A_46, %slice3A_47 : vector<128x256xf32>
    %slice3A_49 = vector.extract_strided_slice %get3A_1 {offsets = [0, 3072], sizes = [128, 256], strides = [1, 1]} : vector<128x4096xf32> to vector<128x256xf32>
    %max3A_50 = arith.maximumf %max3A_48, %slice3A_49 : vector<128x256xf32>
    %slice3A_51 = vector.extract_strided_slice %get3A_1 {offsets = [0, 3328], sizes = [128, 256], strides = [1, 1]} : vector<128x4096xf32> to vector<128x256xf32>
    %max3A_52 = arith.maximumf %max3A_50, %slice3A_51 : vector<128x256xf32>
    %slice3A_53 = vector.extract_strided_slice %get3A_1 {offsets = [0, 3584], sizes = [128, 256], strides = [1, 1]} : vector<128x4096xf32> to vector<128x256xf32>
    %max3A_54 = arith.maximumf %max3A_52, %slice3A_53 : vector<128x256xf32>
    %slice3A_55 = vector.extract_strided_slice %get3A_1 {offsets = [0, 3840], sizes = [128, 256], strides = [1, 1]} : vector<128x4096xf32> to vector<128x256xf32>
    %max3A_56 = arith.maximumf %max3A_54, %slice3A_55 : vector<128x256xf32>
    %swap3A_57 = arith.constant 0 : index
    %swap3A_58 = arith.constant 0 : index
    %swap3A_59 = vector.load %arg3[%swap3A_57, %swap3A_58] : memref<128x256xf32, #tpu.memory_space<vmem>>, vector<128x256xf32>
    tpu.vector_store %arg3[%swap3A_57, %swap3A_58], %max3A_56 {strides = array<i32>} : memref<128x256xf32, #tpu.memory_space<vmem>>, vector<128x256xf32>,
    return
  }
  func.func @transform_0(%arg0: i32) -> (i32, i32) {
    %add3A = arith.constant 0 : i32
    %add3A_0 = arith.addi %arg0, %add3A : i32
    %c0_i32 = arith.constant 0 : i32
    %c0_i32_1 = arith.constant 0 : i32
    return %add3A_0, %c0_i32 : i32, i32
  }
  func.func @transform_1(%arg0: i32) -> (i32, i32) {
    %c0_i32 = arith.constant 0 : i32
    %c0_i32_0 = arith.constant 0 : i32
    return %arg0, %c0_i32 : i32, i32
  }
  func.func @transform_2(%arg0: i32) -> (i32, i32) {
    %c0_i32 = arith.constant 0 : i32
    %c0_i32_0 = arith.constant 0 : i32
    return %arg0, %c0_i32 : i32, i32
  }
}

module attributes {stable_mosaic.version = 14 : i64} {
  func.func @_final_kernel(%arg0: i32, %arg1: memref<32x512xf32, #tpu.memory_space<vmem>>, %arg2: memref<32x512xi32, #tpu.memory_space<vmem>>, %arg3: memref<32x32768xf32, #tpu.memory_space<vmem>>, %arg4: memref<32x32768xf32, #tpu.memory_space<vmem>>) attributes {dimension_semantics = [#tpu.dimension_semantics<arbitrary>], iteration_bounds = array<i64: 16>, scalar_prefetch = 0 : i64, scratch_operands = 0 : i64, tpu.core_type = #tpu.core_type<tc>, window_params = [{transform_indices = @transform_0, window_bounds = array<i64: 32, 512>}, {transform_indices = @transform_1, window_bounds = array<i64: 32, 512>}, {transform_indices = @transform_2, window_bounds = array<i64: 32, 32768>}, {transform_indices = @transform_3, window_bounds = array<i64: 32, 32768>}]} {
    %get3A = arith.constant 0 : index
    %get3A_0 = arith.constant 0 : index
    %get3A_1 = vector.load %arg2[%get3A, %get3A_0] : memref<32x512xi32, #tpu.memory_space<vmem>>, vector<32x512xi32>
    %ge3A = arith.constant 0 : i32
    %ge3A_2 = vector.broadcast %ge3A : i32 to vector<32x512xi32>
    %ge3A_3 = arith.cmpi sge, %get3A_1, %ge3A_2 : vector<32x512xi32>
    %get3A_4 = arith.constant 0 : index
    %get3A_5 = arith.constant 0 : index
    %get3A_6 = vector.load %arg1[%get3A_4, %get3A_5] : memref<32x512xf32, #tpu.memory_space<vmem>>, vector<32x512xf32>
    %bitcast_convert_type3A = tpu.bitcast %get3A_6 : vector<32x512xf32> -> vector<32x512xi32>
    %lt3A = arith.constant 0 : i32
    %lt3A_7 = vector.broadcast %lt3A : i32 to vector<32x512xi32>
    %lt3A_8 = arith.cmpi slt, %bitcast_convert_type3A, %lt3A_7 : vector<32x512xi32>
    %not3A = arith.constant dense<-1> : vector<32x512xi32>
    %not3A_9 = arith.xori %bitcast_convert_type3A, %not3A : vector<32x512xi32>
    %xor3A = arith.constant -2147483648 : i32
    %xor3A_10 = vector.broadcast %xor3A : i32 to vector<32x512xi32>
    %xor3A_11 = arith.xori %not3A_9, %xor3A_10 : vector<32x512xi32>
    %select_n3A = arith.select %lt3A_8, %xor3A_11, %bitcast_convert_type3A : vector<32x512xi1>, vector<32x512xi32>
    %jit3A = arith.constant -2147483648 : i32
    %broadcast_in_dim3A = vector.broadcast %jit3A : i32 to vector<32x512xi32>
    %select_n3A_12 = arith.select %ge3A_3, %select_n3A, %broadcast_in_dim3A : vector<32x512xi1>, vector<32x512xi32>
    %broadcast_in_dim3A_13 = arith.constant -2147483648 : i32
    %broadcast_in_dim3A_14 = vector.broadcast %broadcast_in_dim3A_13 : i32 to vector<32x1xi32>
    %broadcast_in_dim3A_15 = arith.constant 2147483647 : i32
    %broadcast_in_dim3A_16 = vector.broadcast %broadcast_in_dim3A_15 : i32 to vector<32x1xi32>
    %scan3A = arith.constant 3.200000e+01 : f32
    %scan3A_17 = arith.constant 0 : i32
    %scan3A_18 = arith.constant 32 : i32
    %scan3A_19 = arith.addi %scan3A_17, %scan3A_18 : i32
    %scan3A_20 = arith.constant 1 : i32
    %scan3A_21:2 = scf.for %scan3A_65 = %scan3A_17 to %scan3A_19 step %scan3A_20 iter_args(%scan3A_66 = %broadcast_in_dim3A_14, %scan3A_67 = %broadcast_in_dim3A_16) -> (vector<32x1xi32>, vector<32x1xi32>)  : i32 {
      %shift_right_arithmetic3A = arith.constant 1 : i32
      %shift_right_arithmetic3A_68 = vector.broadcast %shift_right_arithmetic3A : i32 to vector<32x1xi32>
      %shift_right_arithmetic3A_69 = arith.shrsi %scan3A_66, %shift_right_arithmetic3A_68 : vector<32x1xi32>
      %shift_right_arithmetic3A_70 = arith.constant 1 : i32
      %shift_right_arithmetic3A_71 = vector.broadcast %shift_right_arithmetic3A_70 : i32 to vector<32x1xi32>
      %shift_right_arithmetic3A_72 = arith.shrsi %scan3A_67, %shift_right_arithmetic3A_71 : vector<32x1xi32>
      %add3A = arith.addi %shift_right_arithmetic3A_69, %shift_right_arithmetic3A_72 : vector<32x1xi32>
      %and3A_73 = arith.constant 1 : i32
      %and3A_74 = vector.broadcast %and3A_73 : i32 to vector<32x1xi32>
      %and3A_75 = arith.andi %scan3A_66, %and3A_74 : vector<32x1xi32>
      %and3A_76 = arith.constant 1 : i32
      %and3A_77 = vector.broadcast %and3A_76 : i32 to vector<32x1xi32>
      %and3A_78 = arith.andi %scan3A_67, %and3A_77 : vector<32x1xi32>
      %add3A_79 = arith.addi %and3A_75, %and3A_78 : vector<32x1xi32>
      %add3A_80 = arith.constant 1 : i32
      %add3A_81 = vector.broadcast %add3A_80 : i32 to vector<32x1xi32>
      %add3A_82 = arith.addi %add3A_79, %add3A_81 : vector<32x1xi32>
      %shift_right_arithmetic3A_83 = arith.constant 1 : i32
      %shift_right_arithmetic3A_84 = vector.broadcast %shift_right_arithmetic3A_83 : i32 to vector<32x1xi32>
      %shift_right_arithmetic3A_85 = arith.shrsi %add3A_82, %shift_right_arithmetic3A_84 : vector<32x1xi32>
      %add3A_86 = arith.addi %add3A, %shift_right_arithmetic3A_85 : vector<32x1xi32>
      %ge3A_87 = vector.broadcast %add3A_86 : vector<32x1xi32> to vector<32x512xi32>
      %ge3A_88 = arith.cmpi sge, %select_n3A_12, %ge3A_87 : vector<32x512xi32>
      %convert_element_type3A_89 = arith.extui %ge3A_88 : vector<32x512xi1> to vector<32x512xi32>
      %convert_element_type3A_90 = arith.sitofp %convert_element_type3A_89 : vector<32x512xi32> to vector<32x512xf32>
      %reduce_sum3A_91 = arith.constant dense<0.000000e+00> : vector<32xf32>
      %reduce_sum3A_92 = vector.multi_reduction <add>, %convert_element_type3A_90, %reduce_sum3A_91 [1] : vector<32x512xf32> to vector<32xf32>
      %broadcast_in_dim3A_93 = vector.shape_cast %reduce_sum3A_92 : vector<32xf32> to vector<32x1xf32>
      %ge3A_94 = vector.broadcast %scan3A : f32 to vector<32x1xf32>
      %ge3A_95 = arith.cmpf oge, %broadcast_in_dim3A_93, %ge3A_94 : vector<32x1xf32>
      %select_n3A_96 = arith.select %ge3A_95, %add3A_86, %scan3A_66 : vector<32x1xi1>, vector<32x1xi32>
      %sub3A_97 = arith.constant 1 : i32
      %sub3A_98 = vector.broadcast %sub3A_97 : i32 to vector<32x1xi32>
      %sub3A_99 = arith.subi %add3A_86, %sub3A_98 : vector<32x1xi32>
      %select_n3A_100 = arith.select %ge3A_95, %scan3A_67, %sub3A_99 : vector<32x1xi1>, vector<32x1xi32>
      scf.yield %select_n3A_96, %select_n3A_100 : vector<32x1xi32>, vector<32x1xi32>
    }
    %gt3A = vector.broadcast %scan3A_21#0 : vector<32x1xi32> to vector<32x512xi32>
    %gt3A_22 = arith.cmpi sgt, %select_n3A_12, %gt3A : vector<32x512xi32>
    %convert_element_type3A = arith.extui %gt3A_22 : vector<32x512xi1> to vector<32x512xi32>
    %convert_element_type3A_23 = arith.sitofp %convert_element_type3A : vector<32x512xi32> to vector<32x512xf32>
    %reduce_sum3A = arith.constant dense<0.000000e+00> : vector<32xf32>
    %reduce_sum3A_24 = vector.multi_reduction <add>, %convert_element_type3A_23, %reduce_sum3A [1] : vector<32x512xf32> to vector<32xf32>
    %broadcast_in_dim3A_25 = vector.shape_cast %reduce_sum3A_24 : vector<32xf32> to vector<32x1xf32>
    %eq3A = vector.broadcast %scan3A_21#0 : vector<32x1xi32> to vector<32x512xi32>
    %eq3A_26 = arith.cmpi eq, %select_n3A_12, %eq3A : vector<32x512xi32>
    %and3A = arith.andi %eq3A_26, %ge3A_3 : vector<32x512xi1>
    %sub3A = arith.constant 3.200000e+01 : f32
    %sub3A_27 = vector.broadcast %sub3A : f32 to vector<32x1xf32>
    %sub3A_28 = arith.subf %sub3A_27, %broadcast_in_dim3A_25 : vector<32x1xf32>
    %jit3A_29 = arith.constant 2147483647 : i32
    %broadcast_in_dim3A_30 = vector.broadcast %jit3A_29 : i32 to vector<32x512xi32>
    %select_n3A_31 = arith.select %and3A, %get3A_1, %broadcast_in_dim3A_30 : vector<32x512xi1>, vector<32x512xi32>
    %broadcast_in_dim3A_32 = arith.constant 0 : i32
    %broadcast_in_dim3A_33 = vector.broadcast %broadcast_in_dim3A_32 : i32 to vector<32x1xi32>
    %broadcast_in_dim3A_34 = arith.constant 32767 : i32
    %broadcast_in_dim3A_35 = vector.broadcast %broadcast_in_dim3A_34 : i32 to vector<32x1xi32>
    %scan3A_36 = arith.constant 0 : i32
    %scan3A_37 = arith.constant 15 : i32
    %scan3A_38 = arith.addi %scan3A_36, %scan3A_37 : i32
    %scan3A_39 = arith.constant 1 : i32
    %scan3A_40:2 = scf.for %scan3A_65 = %scan3A_36 to %scan3A_38 step %scan3A_39 iter_args(%scan3A_66 = %broadcast_in_dim3A_33, %scan3A_67 = %broadcast_in_dim3A_35) -> (vector<32x1xi32>, vector<32x1xi32>)  : i32 {
      %shift_right_arithmetic3A = arith.constant 1 : i32
      %shift_right_arithmetic3A_68 = vector.broadcast %shift_right_arithmetic3A : i32 to vector<32x1xi32>
      %shift_right_arithmetic3A_69 = arith.shrsi %scan3A_66, %shift_right_arithmetic3A_68 : vector<32x1xi32>
      %shift_right_arithmetic3A_70 = arith.constant 1 : i32
      %shift_right_arithmetic3A_71 = vector.broadcast %shift_right_arithmetic3A_70 : i32 to vector<32x1xi32>
      %shift_right_arithmetic3A_72 = arith.shrsi %scan3A_67, %shift_right_arithmetic3A_71 : vector<32x1xi32>
      %add3A = arith.addi %shift_right_arithmetic3A_69, %shift_right_arithmetic3A_72 : vector<32x1xi32>
      %and3A_73 = arith.constant 1 : i32
      %and3A_74 = vector.broadcast %and3A_73 : i32 to vector<32x1xi32>
      %and3A_75 = arith.andi %scan3A_66, %and3A_74 : vector<32x1xi32>
      %and3A_76 = arith.constant 1 : i32
      %and3A_77 = vector.broadcast %and3A_76 : i32 to vector<32x1xi32>
      %and3A_78 = arith.andi %scan3A_67, %and3A_77 : vector<32x1xi32>
      %and3A_79 = arith.andi %and3A_75, %and3A_78 : vector<32x1xi32>
      %add3A_80 = arith.addi %add3A, %and3A_79 : vector<32x1xi32>
      %le3A_81 = vector.broadcast %add3A_80 : vector<32x1xi32> to vector<32x512xi32>
      %le3A_82 = arith.cmpi sle, %select_n3A_31, %le3A_81 : vector<32x512xi32>
      %convert_element_type3A_83 = arith.extui %le3A_82 : vector<32x512xi1> to vector<32x512xi32>
      %convert_element_type3A_84 = arith.sitofp %convert_element_type3A_83 : vector<32x512xi32> to vector<32x512xf32>
      %reduce_sum3A_85 = arith.constant dense<0.000000e+00> : vector<32xf32>
      %reduce_sum3A_86 = vector.multi_reduction <add>, %convert_element_type3A_84, %reduce_sum3A_85 [1] : vector<32x512xf32> to vector<32xf32>
      %broadcast_in_dim3A_87 = vector.shape_cast %reduce_sum3A_86 : vector<32xf32> to vector<32x1xf32>
      %ge3A_88 = arith.cmpf oge, %broadcast_in_dim3A_87, %sub3A_28 : vector<32x1xf32>
      %select_n3A_89 = arith.select %ge3A_88, %add3A_80, %scan3A_67 : vector<32x1xi1>, vector<32x1xi32>
      %add3A_90 = arith.constant 1 : i32
      %add3A_91 = vector.broadcast %add3A_90 : i32 to vector<32x1xi32>
      %add3A_92 = arith.addi %add3A_80, %add3A_91 : vector<32x1xi32>
      %select_n3A_93 = arith.select %ge3A_88, %scan3A_66, %add3A_92 : vector<32x1xi1>, vector<32x1xi32>
      scf.yield %select_n3A_93, %select_n3A_89 : vector<32x1xi32>, vector<32x1xi32>
    }
    %get3A_41 = arith.constant 0 : index
    %get3A_42 = arith.constant 0 : index
    %get3A_43 = vector.load %arg3[%get3A_41, %get3A_42] : memref<32x32768xf32, #tpu.memory_space<vmem>>, vector<32x32768xf32>
    %bitcast_convert_type3A_44 = tpu.bitcast %get3A_43 : vector<32x32768xf32> -> vector<32x32768xi32>
    %lt3A_45 = arith.constant 0 : i32
    %lt3A_46 = vector.broadcast %lt3A_45 : i32 to vector<32x32768xi32>
    %lt3A_47 = arith.cmpi slt, %bitcast_convert_type3A_44, %lt3A_46 : vector<32x32768xi32>
    %not3A_48 = arith.constant dense<-1> : vector<32x32768xi32>
    %not3A_49 = arith.xori %bitcast_convert_type3A_44, %not3A_48 : vector<32x32768xi32>
    %xor3A_50 = arith.constant -2147483648 : i32
    %xor3A_51 = vector.broadcast %xor3A_50 : i32 to vector<32x32768xi32>
    %xor3A_52 = arith.xori %not3A_49, %xor3A_51 : vector<32x32768xi32>
    %select_n3A_53 = arith.select %lt3A_47, %xor3A_52, %bitcast_convert_type3A_44 : vector<32x32768xi1>, vector<32x32768xi32>
    %iota3A = tpu.iota {dimensions = array<i32: 1>} : vector<32x32768xi32>
    %gt3A_54 = vector.broadcast %scan3A_21#0 : vector<32x1xi32> to vector<32x32768xi32>
    %gt3A_55 = arith.cmpi sgt, %select_n3A_53, %gt3A_54 : vector<32x32768xi32>
    %eq3A_56 = vector.broadcast %scan3A_21#0 : vector<32x1xi32> to vector<32x32768xi32>
    %eq3A_57 = arith.cmpi eq, %select_n3A_53, %eq3A_56 : vector<32x32768xi32>
    %le3A = vector.broadcast %scan3A_40#1 : vector<32x1xi32> to vector<32x32768xi32>
    %le3A_58 = arith.cmpi sle, %iota3A, %le3A : vector<32x32768xi32>
    %and3A_59 = arith.andi %eq3A_57, %le3A_58 : vector<32x32768xi1>
    %or3A = arith.ori %gt3A_55, %and3A_59 : vector<32x32768xi1>
    %jit3A_60 = arith.constant 0.000000e+00 : f32
    %broadcast_in_dim3A_61 = vector.broadcast %jit3A_60 : f32 to vector<32x32768xf32>
    %select_n3A_62 = arith.select %or3A, %get3A_43, %broadcast_in_dim3A_61 : vector<32x32768xi1>, vector<32x32768xf32>
    %swap3A = arith.constant 0 : index
    %swap3A_63 = arith.constant 0 : index
    %swap3A_64 = vector.load %arg4[%swap3A, %swap3A_63] : memref<32x32768xf32, #tpu.memory_space<vmem>>, vector<32x32768xf32>
    tpu.vector_store %arg4[%swap3A, %swap3A_63], %select_n3A_62 {strides = array<i32>} : memref<32x32768xf32, #tpu.memory_space<vmem>>, vector<32x32768xf32>,
    return
  }
  func.func @transform_0(%arg0: i32) -> (i32, i32) {
    %c0_i32 = arith.constant 0 : i32
    %c0_i32_0 = arith.constant 0 : i32
    return %arg0, %c0_i32 : i32, i32
  }
  func.func @transform_1(%arg0: i32) -> (i32, i32) {
    %c0_i32 = arith.constant 0 : i32
    %c0_i32_0 = arith.constant 0 : i32
    return %arg0, %c0_i32 : i32, i32
  }
  func.func @transform_2(%arg0: i32) -> (i32, i32) {
    %c0_i32 = arith.constant 0 : i32
    %c0_i32_0 = arith.constant 0 : i32
    return %arg0, %c0_i32 : i32, i32
  }
  func.func @transform_3(%arg0: i32) -> (i32, i32) {
    %c0_i32 = arith.constant 0 : i32
    %c0_i32_0 = arith.constant 0 : i32
    return %arg0, %c0_i32 : i32, i32
  }
}

module attributes {stable_mosaic.version = 14 : i64} {
  func.func @_final_acc_kernel(%arg0: i32, %arg1: memref<32x512xf32, #tpu.memory_space<vmem>>, %arg2: memref<32x512xi32, #tpu.memory_space<vmem>>, %arg3: memref<32x32768xf32, #tpu.memory_space<vmem>>, %arg4: memref<1024x32768xf32, #tpu.memory_space<any>>, %arg5: memref<32x32768xf32, #tpu.memory_space<vmem>>) attributes {dimension_semantics = [#tpu.dimension_semantics<arbitrary>], iteration_bounds = array<i64: 16>, scalar_prefetch = 0 : i64, scratch_operands = 0 : i64, tpu.core_type = #tpu.core_type<tc>, window_params = [{transform_indices = @transform_0, window_bounds = array<i64: 32, 512>}, {transform_indices = @transform_1, window_bounds = array<i64: 32, 512>}, {transform_indices = @transform_2, window_bounds = array<i64: 32, 32768>}, {}, {transform_indices = @transform_4, window_bounds = array<i64: 32, 32768>}]} {
    %get3A = arith.constant 0 : index
    %get3A_0 = arith.constant 0 : index
    %get3A_1 = vector.load %arg2[%get3A, %get3A_0] : memref<32x512xi32, #tpu.memory_space<vmem>>, vector<32x512xi32>
    %ge3A = arith.constant 0 : i32
    %ge3A_2 = vector.broadcast %ge3A : i32 to vector<32x512xi32>
    %ge3A_3 = arith.cmpi sge, %get3A_1, %ge3A_2 : vector<32x512xi32>
    %get3A_4 = arith.constant 0 : index
    %get3A_5 = arith.constant 0 : index
    %get3A_6 = vector.load %arg1[%get3A_4, %get3A_5] : memref<32x512xf32, #tpu.memory_space<vmem>>, vector<32x512xf32>
    %bitcast_convert_type3A = tpu.bitcast %get3A_6 : vector<32x512xf32> -> vector<32x512xi32>
    %lt3A = arith.constant 0 : i32
    %lt3A_7 = vector.broadcast %lt3A : i32 to vector<32x512xi32>
    %lt3A_8 = arith.cmpi slt, %bitcast_convert_type3A, %lt3A_7 : vector<32x512xi32>
    %not3A = arith.constant dense<-1> : vector<32x512xi32>
    %not3A_9 = arith.xori %bitcast_convert_type3A, %not3A : vector<32x512xi32>
    %xor3A = arith.constant -2147483648 : i32
    %xor3A_10 = vector.broadcast %xor3A : i32 to vector<32x512xi32>
    %xor3A_11 = arith.xori %not3A_9, %xor3A_10 : vector<32x512xi32>
    %select_n3A = arith.select %lt3A_8, %xor3A_11, %bitcast_convert_type3A : vector<32x512xi1>, vector<32x512xi32>
    %jit3A = arith.constant -2147483648 : i32
    %broadcast_in_dim3A = vector.broadcast %jit3A : i32 to vector<32x512xi32>
    %select_n3A_12 = arith.select %ge3A_3, %select_n3A, %broadcast_in_dim3A : vector<32x512xi1>, vector<32x512xi32>
    %broadcast_in_dim3A_13 = arith.constant -2147483648 : i32
    %broadcast_in_dim3A_14 = vector.broadcast %broadcast_in_dim3A_13 : i32 to vector<32x1xi32>
    %broadcast_in_dim3A_15 = arith.constant 2147483647 : i32
    %broadcast_in_dim3A_16 = vector.broadcast %broadcast_in_dim3A_15 : i32 to vector<32x1xi32>
    %scan3A = arith.constant 3.200000e+01 : f32
    %scan3A_17 = arith.constant 0 : i32
    %scan3A_18 = arith.constant 32 : i32
    %scan3A_19 = arith.addi %scan3A_17, %scan3A_18 : i32
    %scan3A_20 = arith.constant 1 : i32
    %scan3A_21:2 = scf.for %scan3A_65 = %scan3A_17 to %scan3A_19 step %scan3A_20 iter_args(%scan3A_66 = %broadcast_in_dim3A_14, %scan3A_67 = %broadcast_in_dim3A_16) -> (vector<32x1xi32>, vector<32x1xi32>)  : i32 {
      %shift_right_arithmetic3A = arith.constant 1 : i32
      %shift_right_arithmetic3A_68 = vector.broadcast %shift_right_arithmetic3A : i32 to vector<32x1xi32>
      %shift_right_arithmetic3A_69 = arith.shrsi %scan3A_66, %shift_right_arithmetic3A_68 : vector<32x1xi32>
      %shift_right_arithmetic3A_70 = arith.constant 1 : i32
      %shift_right_arithmetic3A_71 = vector.broadcast %shift_right_arithmetic3A_70 : i32 to vector<32x1xi32>
      %shift_right_arithmetic3A_72 = arith.shrsi %scan3A_67, %shift_right_arithmetic3A_71 : vector<32x1xi32>
      %add3A = arith.addi %shift_right_arithmetic3A_69, %shift_right_arithmetic3A_72 : vector<32x1xi32>
      %and3A_73 = arith.constant 1 : i32
      %and3A_74 = vector.broadcast %and3A_73 : i32 to vector<32x1xi32>
      %and3A_75 = arith.andi %scan3A_66, %and3A_74 : vector<32x1xi32>
      %and3A_76 = arith.constant 1 : i32
      %and3A_77 = vector.broadcast %and3A_76 : i32 to vector<32x1xi32>
      %and3A_78 = arith.andi %scan3A_67, %and3A_77 : vector<32x1xi32>
      %add3A_79 = arith.addi %and3A_75, %and3A_78 : vector<32x1xi32>
      %add3A_80 = arith.constant 1 : i32
      %add3A_81 = vector.broadcast %add3A_80 : i32 to vector<32x1xi32>
      %add3A_82 = arith.addi %add3A_79, %add3A_81 : vector<32x1xi32>
      %shift_right_arithmetic3A_83 = arith.constant 1 : i32
      %shift_right_arithmetic3A_84 = vector.broadcast %shift_right_arithmetic3A_83 : i32 to vector<32x1xi32>
      %shift_right_arithmetic3A_85 = arith.shrsi %add3A_82, %shift_right_arithmetic3A_84 : vector<32x1xi32>
      %add3A_86 = arith.addi %add3A, %shift_right_arithmetic3A_85 : vector<32x1xi32>
      %ge3A_87 = vector.broadcast %add3A_86 : vector<32x1xi32> to vector<32x512xi32>
      %ge3A_88 = arith.cmpi sge, %select_n3A_12, %ge3A_87 : vector<32x512xi32>
      %convert_element_type3A_89 = arith.extui %ge3A_88 : vector<32x512xi1> to vector<32x512xi32>
      %convert_element_type3A_90 = arith.sitofp %convert_element_type3A_89 : vector<32x512xi32> to vector<32x512xf32>
      %reduce_sum3A_91 = arith.constant dense<0.000000e+00> : vector<32xf32>
      %reduce_sum3A_92 = vector.multi_reduction <add>, %convert_element_type3A_90, %reduce_sum3A_91 [1] : vector<32x512xf32> to vector<32xf32>
      %broadcast_in_dim3A_93 = vector.shape_cast %reduce_sum3A_92 : vector<32xf32> to vector<32x1xf32>
      %ge3A_94 = vector.broadcast %scan3A : f32 to vector<32x1xf32>
      %ge3A_95 = arith.cmpf oge, %broadcast_in_dim3A_93, %ge3A_94 : vector<32x1xf32>
      %select_n3A_96 = arith.select %ge3A_95, %add3A_86, %scan3A_66 : vector<32x1xi1>, vector<32x1xi32>
      %sub3A_97 = arith.constant 1 : i32
      %sub3A_98 = vector.broadcast %sub3A_97 : i32 to vector<32x1xi32>
      %sub3A_99 = arith.subi %add3A_86, %sub3A_98 : vector<32x1xi32>
      %select_n3A_100 = arith.select %ge3A_95, %scan3A_67, %sub3A_99 : vector<32x1xi1>, vector<32x1xi32>
      scf.yield %select_n3A_96, %select_n3A_100 : vector<32x1xi32>, vector<32x1xi32>
    }
    %gt3A = vector.broadcast %scan3A_21#0 : vector<32x1xi32> to vector<32x512xi32>
    %gt3A_22 = arith.cmpi sgt, %select_n3A_12, %gt3A : vector<32x512xi32>
    %convert_element_type3A = arith.extui %gt3A_22 : vector<32x512xi1> to vector<32x512xi32>
    %convert_element_type3A_23 = arith.sitofp %convert_element_type3A : vector<32x512xi32> to vector<32x512xf32>
    %reduce_sum3A = arith.constant dense<0.000000e+00> : vector<32xf32>
    %reduce_sum3A_24 = vector.multi_reduction <add>, %convert_element_type3A_23, %reduce_sum3A [1] : vector<32x512xf32> to vector<32xf32>
    %broadcast_in_dim3A_25 = vector.shape_cast %reduce_sum3A_24 : vector<32xf32> to vector<32x1xf32>
    %eq3A = vector.broadcast %scan3A_21#0 : vector<32x1xi32> to vector<32x512xi32>
    %eq3A_26 = arith.cmpi eq, %select_n3A_12, %eq3A : vector<32x512xi32>
    %and3A = arith.andi %eq3A_26, %ge3A_3 : vector<32x512xi1>
    %sub3A = arith.constant 3.200000e+01 : f32
    %sub3A_27 = vector.broadcast %sub3A : f32 to vector<32x1xf32>
    %sub3A_28 = arith.subf %sub3A_27, %broadcast_in_dim3A_25 : vector<32x1xf32>
    %jit3A_29 = arith.constant 2147483647 : i32
    %broadcast_in_dim3A_30 = vector.broadcast %jit3A_29 : i32 to vector<32x512xi32>
    %select_n3A_31 = arith.select %and3A, %get3A_1, %broadcast_in_dim3A_30 : vector<32x512xi1>, vector<32x512xi32>
    %broadcast_in_dim3A_32 = arith.constant 0 : i32
    %broadcast_in_dim3A_33 = vector.broadcast %broadcast_in_dim3A_32 : i32 to vector<32x1xi32>
    %broadcast_in_dim3A_34 = arith.constant 32767 : i32
    %broadcast_in_dim3A_35 = vector.broadcast %broadcast_in_dim3A_34 : i32 to vector<32x1xi32>
    %scan3A_36 = arith.constant 0 : i32
    %scan3A_37 = arith.constant 15 : i32
    %scan3A_38 = arith.addi %scan3A_36, %scan3A_37 : i32
    %scan3A_39 = arith.constant 1 : i32
    %scan3A_40:2 = scf.for %scan3A_65 = %scan3A_36 to %scan3A_38 step %scan3A_39 iter_args(%scan3A_66 = %broadcast_in_dim3A_33, %scan3A_67 = %broadcast_in_dim3A_35) -> (vector<32x1xi32>, vector<32x1xi32>)  : i32 {
      %shift_right_arithmetic3A = arith.constant 1 : i32
      %shift_right_arithmetic3A_68 = vector.broadcast %shift_right_arithmetic3A : i32 to vector<32x1xi32>
      %shift_right_arithmetic3A_69 = arith.shrsi %scan3A_66, %shift_right_arithmetic3A_68 : vector<32x1xi32>
      %shift_right_arithmetic3A_70 = arith.constant 1 : i32
      %shift_right_arithmetic3A_71 = vector.broadcast %shift_right_arithmetic3A_70 : i32 to vector<32x1xi32>
      %shift_right_arithmetic3A_72 = arith.shrsi %scan3A_67, %shift_right_arithmetic3A_71 : vector<32x1xi32>
      %add3A = arith.addi %shift_right_arithmetic3A_69, %shift_right_arithmetic3A_72 : vector<32x1xi32>
      %and3A_73 = arith.constant 1 : i32
      %and3A_74 = vector.broadcast %and3A_73 : i32 to vector<32x1xi32>
      %and3A_75 = arith.andi %scan3A_66, %and3A_74 : vector<32x1xi32>
      %and3A_76 = arith.constant 1 : i32
      %and3A_77 = vector.broadcast %and3A_76 : i32 to vector<32x1xi32>
      %and3A_78 = arith.andi %scan3A_67, %and3A_77 : vector<32x1xi32>
      %and3A_79 = arith.andi %and3A_75, %and3A_78 : vector<32x1xi32>
      %add3A_80 = arith.addi %add3A, %and3A_79 : vector<32x1xi32>
      %le3A_81 = vector.broadcast %add3A_80 : vector<32x1xi32> to vector<32x512xi32>
      %le3A_82 = arith.cmpi sle, %select_n3A_31, %le3A_81 : vector<32x512xi32>
      %convert_element_type3A_83 = arith.extui %le3A_82 : vector<32x512xi1> to vector<32x512xi32>
      %convert_element_type3A_84 = arith.sitofp %convert_element_type3A_83 : vector<32x512xi32> to vector<32x512xf32>
      %reduce_sum3A_85 = arith.constant dense<0.000000e+00> : vector<32xf32>
      %reduce_sum3A_86 = vector.multi_reduction <add>, %convert_element_type3A_84, %reduce_sum3A_85 [1] : vector<32x512xf32> to vector<32xf32>
      %broadcast_in_dim3A_87 = vector.shape_cast %reduce_sum3A_86 : vector<32xf32> to vector<32x1xf32>
      %ge3A_88 = arith.cmpf oge, %broadcast_in_dim3A_87, %sub3A_28 : vector<32x1xf32>
      %select_n3A_89 = arith.select %ge3A_88, %add3A_80, %scan3A_67 : vector<32x1xi1>, vector<32x1xi32>
      %add3A_90 = arith.constant 1 : i32
      %add3A_91 = vector.broadcast %add3A_90 : i32 to vector<32x1xi32>
      %add3A_92 = arith.addi %add3A_80, %add3A_91 : vector<32x1xi32>
      %select_n3A_93 = arith.select %ge3A_88, %scan3A_66, %add3A_92 : vector<32x1xi1>, vector<32x1xi32>
      scf.yield %select_n3A_93, %select_n3A_89 : vector<32x1xi32>, vector<32x1xi32>
    }
    %get3A_41 = arith.constant 0 : index
    %get3A_42 = arith.constant 0 : index
    %get3A_43 = vector.load %arg3[%get3A_41, %get3A_42] : memref<32x32768xf32, #tpu.memory_space<vmem>>, vector<32x32768xf32>
    %bitcast_convert_type3A_44 = tpu.bitcast %get3A_43 : vector<32x32768xf32> -> vector<32x32768xi32>
    %lt3A_45 = arith.constant 0 : i32
    %lt3A_46 = vector.broadcast %lt3A_45 : i32 to vector<32x32768xi32>
    %lt3A_47 = arith.cmpi slt, %bitcast_convert_type3A_44, %lt3A_46 : vector<32x32768xi32>
    %not3A_48 = arith.constant dense<-1> : vector<32x32768xi32>
    %not3A_49 = arith.xori %bitcast_convert_type3A_44, %not3A_48 : vector<32x32768xi32>
    %xor3A_50 = arith.constant -2147483648 : i32
    %xor3A_51 = vector.broadcast %xor3A_50 : i32 to vector<32x32768xi32>
    %xor3A_52 = arith.xori %not3A_49, %xor3A_51 : vector<32x32768xi32>
    %select_n3A_53 = arith.select %lt3A_47, %xor3A_52, %bitcast_convert_type3A_44 : vector<32x32768xi1>, vector<32x32768xi32>
    %iota3A = tpu.iota {dimensions = array<i32: 1>} : vector<32x32768xi32>
    %gt3A_54 = vector.broadcast %scan3A_21#0 : vector<32x1xi32> to vector<32x32768xi32>
    %gt3A_55 = arith.cmpi sgt, %select_n3A_53, %gt3A_54 : vector<32x32768xi32>
    %eq3A_56 = vector.broadcast %scan3A_21#0 : vector<32x1xi32> to vector<32x32768xi32>
    %eq3A_57 = arith.cmpi eq, %select_n3A_53, %eq3A_56 : vector<32x32768xi32>
    %le3A = vector.broadcast %scan3A_40#1 : vector<32x1xi32> to vector<32x32768xi32>
    %le3A_58 = arith.cmpi sle, %iota3A, %le3A : vector<32x32768xi32>
    %and3A_59 = arith.andi %eq3A_57, %le3A_58 : vector<32x32768xi1>
    %or3A = arith.ori %gt3A_55, %and3A_59 : vector<32x32768xi1>
    %jit3A_60 = arith.constant 0.000000e+00 : f32
    %broadcast_in_dim3A_61 = vector.broadcast %jit3A_60 : f32 to vector<32x32768xf32>
    %select_n3A_62 = arith.select %or3A, %get3A_43, %broadcast_in_dim3A_61 : vector<32x32768xi1>, vector<32x32768xf32>
    %swap3A = arith.constant 0 : index
    %swap3A_63 = arith.constant 0 : index
    %swap3A_64 = vector.load %arg5[%swap3A, %swap3A_63] : memref<32x32768xf32, #tpu.memory_space<vmem>>, vector<32x32768xf32>
    tpu.vector_store %arg5[%swap3A, %swap3A_63], %select_n3A_62 {strides = array<i32>} : memref<32x32768xf32, #tpu.memory_space<vmem>>, vector<32x32768xf32>,
    return
  }
  func.func @transform_0(%arg0: i32) -> (i32, i32) {
    %c0_i32 = arith.constant 0 : i32
    %c0_i32_0 = arith.constant 0 : i32
    return %arg0, %c0_i32 : i32, i32
  }
  func.func @transform_1(%arg0: i32) -> (i32, i32) {
    %c0_i32 = arith.constant 0 : i32
    %c0_i32_0 = arith.constant 0 : i32
    return %arg0, %c0_i32 : i32, i32
  }
  func.func @transform_2(%arg0: i32) -> (i32, i32) {
    %add3A = arith.constant 16 : i32
    %add3A_0 = arith.addi %arg0, %add3A : i32
    %c0_i32 = arith.constant 0 : i32
    %c0_i32_1 = arith.constant 0 : i32
    return %add3A_0, %c0_i32 : i32, i32
  }
  func.func @transform_4(%arg0: i32) -> (i32, i32) {
    %add3A = arith.constant 16 : i32
    %add3A_0 = arith.addi %arg0, %add3A : i32
    %c0_i32 = arith.constant 0 : i32
    %c0_i32_1 = arith.constant 0 : i32
    return %add3A_0, %c0_i32 : i32, i32
  }
}

</mosaic_0001>

<sc_bundles>
// kernel: kernel.12.cloned.1.call-start
scs
__scs_entry_jumppad:
0x0: {  	(pc) =	sbr.rel $0x88, $3  }
0x1: {  	(tag) =	ssettag $0x0;
	lr =	simm.s32 $0x1  }
0x2: {  	[smem:$0x3F9F] =	sst lr;
	_ =	strace $0xD0000000  }
0x3: {  	_ = 	snop  }
0x4: {  	_ = 	snop  }
0x5: {  	_ = 	snop  }
0x6: {  	_ = 	snop  }
0x7: {  	_ = 	snop  }
__scs_overlays_trampoline_lowered:
0x8: {  	[smem:$0x3FAE] =	sst s0  }
0x9: {  	[smem:$0x3FAF] =	sst s1  }
0xa: {  	[smem:$0x3FB0] =	sst s2  }
0xb: {  	[smem:$0x3FB1] =	sst s3  }
0xc: {  	[smem:$0x3FB2] =	sst s4  }
0xd: {  	[smem:$0x3FB3] =	sst s5  }
0xe: {  	[smem:$0x3FB4] =	sst s6  }
0xf: {  	[smem:$0x3FB5] =	sst s7  }
0x10: {  	[smem:$0x3FB6] =	sst s8  }
0x11: {  	[smem:$0x3FB7] =	sst s9;
	s0 =	simm.s32 @!p0 $0x0  }
0x12: {  	s1 =	sld [smem:$0x3F9D];
	s0 =	simm.s32 @p0 $0x1  }
0x13: {  	[smem:$0x3FB8] =	sst s0;
	s0 =	simm.s32 @!p1 $0x0  }
0x14: {  	s2 =	sld [smem:$0x3F9C];
	s0 =	simm.s32 @p1 $0x1  }
0x15: {  	[smem:$0x3FB9] =	sst s0;
	s0 =	simm.s32 @!p2 $0x0  }
0x16: {  	s3 =	sld [smem:$0x3FDB];
	s0 =	simm.s32 @p2 $0x1  }
0x17: {  	s4 =	simm.s32 $0x1BF5;
	[smem:$0x3FBB] =	sst s0  }
0x18: {  	s0 =	sld [smem:$0x3F9E];
	_ =	swait.ge [sflag:s4], $0x0  }
0x19: {  	s7 =	sld [smem:$0x3F9F]  }
0x1a: {  	s8 =	sadd.s32 $0xFFFFE003, lr  }
0x1b: {  	s9 =	sadd.s32 $0xFFFFFEF7, lr;
	s5 =	simm.s32 $0xFFFFFFFF;
	p2 =	slt.u32 s8, $0xFFFFF086  }
0x1c: {  	p1 =	slt.u32 s9, $0xF7A;
	s5 =	simm.s32 @!p2 $0x0  }
0x1d: {  	s5 =	simm.s32 @p1 $0x1;
	p0 =	seq.s32 s7, s2  }
0x1e: {  	s7 =	smul.u32 @!p0 $0xF7A, s2;
	p2 =	seq.s32 @!p0 s5, $0x0  }
0x1f: {  	s9 =	smul.u32 $0xF7A, s1;
	s8 =	simm.s32 @!p0 $0x1BF5;
	p2 =	por !p2, p0  }
0x20: {  	[sflag:s8] =	ssyncset.s32 @!p0 $0xFFFFF086;
	s6 =	sadd.s32 @!p0 s3, s7;
	s7 =	simm.s32 @!p0 $0x108  }
0x21: {  	s3 =	sadd.s32 s3, s9;
	s6 =	sadd.s32 @!p0 $0x88, s6;
	s7 =	simm.s32 @p2 $0x1082  }
0x22: {  	[simem:s7], [sflag:s8] =	dma.local @!p0 [hbm:s6], $0xF7A  }
0x23: {  	s9 =	sor.u32 $0xD0000000, s2;
	s6 =	simm.s32 $0x108;
	_ =	swait.ge @!p0 [sflag:s8], $0x0  }
0x24: {  	s3 =	sadd.s32 $0x88, s3;
	s6 =	simm.s32 @!p1 $0x1082;
	[sflag:s4] =	ssyncset.s32 $0xFFFFF086  }
0x25: {  	[simem:s6], [sflag:s4] =	dma.local [hbm:s3], $0xF7A  }
0x26: {  	[smem:$0x3F9F] =	sst s1;
	(tag) =	ssettag s2;
	_ =	strace s9  }
0x27: {  	s1 =	sld [smem:$0x3FAF]  }
0x28: {  	s2 =	sld [smem:$0x3FB0]  }
0x29: {  	s4 =	sld [smem:$0x3FB2]  }
0x2a: {  	p0 =	seq.s32 s5, $0x0;
	s5 =	sld [smem:$0x3FB3]  }
0x2b: {  	s6 =	sld [smem:$0x3FB4]  }
0x2c: {  	s7 =	sld [smem:$0x3FB5]  }
0x2d: {  	s3 =	simm.s32 $0x108;
	s8 =	sld [smem:$0x3FB6]  }
0x2e: {  	s3 =	simm.s32 @!p0 $0x1082;
	s9 =	sld [smem:$0x3FB7]  }
0x2f: {  	lr =	sadd.s32 s0, s3;
	s0 =	sld [smem:$0x3FAE]  }
0x30: {  	s3 =	sld [smem:$0x3FB1]  }
0x31: {  	[smem:$0x3FBA] =	sst s10  }
0x32: {  	s10 =	sld [smem:$0x3FB8];
	_ =	sdelay $0x3  }
0x33: {  	p0 =	seq.s32 s10, $0x1;
	s10 =	sld [smem:$0x3FBA];
	_ =	sdelay $0x3  }
0x34: {  	[smem:$0x3FBA] =	sst s10  }
0x35: {  	s10 =	sld [smem:$0x3FB9];
	_ =	sdelay $0x3  }
0x36: {  	p1 =	seq.s32 s10, $0x1;
	s10 =	sld [smem:$0x3FBA];
	_ =	sdelay $0x3  }
0x37: {  	[smem:$0x3FBA] =	sst s10  }
0x38: {  	s10 =	sld [smem:$0x3FBB]  }
0x39: {  	_ = 	snop;
	(pc) =	sbr.ind lr, $3  }
0x3a: {  	_ = 	snop  }
0x3b: {  	_ = 	snop  }
0x3c: {  	p2 =	seq.s32 s10, $0x1;
	s10 =	sld [smem:$0x3FBA]  }
0x3d: {  	_ =	shalt  }
0x3e: {  	_ =	shalt  }
0x3f: {  	_ =	shalt  }
0x40: {  	_ =	shalt  }
0x41: {  	_ =	shalt  }
0x42: {  	_ =	shalt  }
0x43: {  	_ =	shalt  }
0x44: {  	_ =	shalt  }
0x45: {  	_ =	shalt  }
0x46: {  	_ =	shalt  }
0x47: {  	_ =	shalt  }
0x48: {  	_ =	shalt  }
0x49: {  	_ =	shalt  }
0x4a: {  	_ =	shalt  }
0x4b: {  	_ =	shalt  }
0x4c: {  	_ =	shalt  }
0x4d: {  	_ =	shalt  }
0x4e: {  	_ =	shalt  }
0x4f: {  	_ =	shalt  }
0x50: {  	_ =	shalt  }
0x51: {  	_ =	shalt  }
0x52: {  	_ =	shalt  }
0x53: {  	_ =	shalt  }
0x54: {  	_ =	shalt  }
0x55: {  	_ =	shalt  }
0x56: {  	_ =	shalt  }
0x57: {  	_ =	shalt  }
0x58: {  	_ =	shalt  }
0x59: {  	_ =	shalt  }
0x5a: {  	_ =	shalt  }
0x5b: {  	_ =	shalt  }
0x5c: {  	_ =	shalt  }
0x5d: {  	_ =	shalt  }
0x5e: {  	_ =	shalt  }
0x5f: {  	_ =	shalt  }
0x60: {  	_ =	shalt  }
0x61: {  	_ =	shalt  }
0x62: {  	_ =	shalt  }
0x63: {  	_ =	shalt  }
0x64: {  	_ =	shalt  }
0x65: {  	_ =	shalt  }
0x66: {  	_ =	shalt  }
0x67: {  	_ =	shalt  }
0x68: {  	_ =	shalt  }
0x69: {  	_ =	shalt  }
0x6a: {  	_ =	shalt  }
0x6b: {  	_ =	shalt  }
0x6c: {  	_ =	shalt  }
0x6d: {  	_ =	shalt  }
0x6e: {  	_ =	shalt  }
0x6f: {  	_ =	shalt  }
0x70: {  	_ =	shalt  }
0x71: {  	_ =	shalt  }
0x72: {  	_ =	shalt  }
0x73: {  	_ =	shalt  }
0x74: {  	_ =	shalt  }
0x75: {  	_ =	shalt  }
0x76: {  	_ =	shalt  }
0x77: {  	_ =	shalt  }
0x78: {  	_ =	shalt  }
0x79: {  	_ =	shalt  }
0x7a: {  	_ =	shalt  }
0x7b: {  	_ =	shalt  }
0x7c: {  	_ =	shalt  }
0x7d: {  	_ =	shalt  }
0x7e: {  	_ =	shalt  }
0x7f: {  	_ =	shalt  }
0x80: {  	_ =	shalt  }
0x81: {  	_ =	shalt  }
0x82: {  	_ =	shalt  }
0x83: {  	_ =	shalt  }
0x84: {  	_ =	shalt  }
0x85: {  	_ =	shalt  }
0x86: {  	_ =	shalt  }
0x87: {  	_ =	shalt  }
.Lfunc_end0:
.L_simem_size_0:
called_computation.1_lowered:
.L_overlay_start_0:
0x88: {  	s2 =	sld [smem:$0x3FD9]  }
0x89: {  	s3 =	sld [smem:$0x3FFE];
	_ =	sdelay $0x1  }
0x8a: {  	s1 =	srdreg.scid  }
0x8b: {  	s0 =	sand.u32 $0x1, s1  }
0x8c: {  	s17 =	sshll.u32 s0, $0xA;
	s2 =	sadd.s32 s3, s2  }
0x8d: {  	s2 =	sadd.s32 s2, s17  }
0x8e: {  	[smem:$0x3FC6] =	sst s2  }
0x8f: {  	_ = 	snop  }
0x90: {  	(tm) =	ssettm $0x1  }
0x91: {  	s18 =	sld [smem:$0x3FFB];
	_ =	sdelay $0x3  }
0x92: {  	_ =	strace s18  }
0x93: {  	s2 =	sld [smem:$0x3FFC];
	_ =	sdelay $0x3  }
0x94: {  	_ =	strace s2  }
0x95: {  	s2 =	sld [smem:$0x3FFD];
	_ =	sdelay $0x3  }
0x96: {  	_ =	strace s2  }
0x97: {  	_ =	strace $0x8FFFFFFF  }
0x98: {  	s19 =	sld [smem:$0x3FDB];
	_ =	sdelay $0x1  }
0x99: {  	s20 =	simm.s32 $_scs_section_size  }
0x9a: {  	s4 =	simm.s32 $_size__tile_overlayer_lowered;
	s5 =	simm.s32 $_tile_overlayer_lowered  }
0x9b: {  	s6 =	simm.s32 $0x1BFF;
	s21 =	sshll.u32 s5, $0x1;
	s3 =	sadd.s32 s20, s19  }
0x9c: {  	s22 =	simm.s32 $0x0;
	s4 =	sshll.u32 s4, $0x1;
	s5 =	sadd.s32 s21, s3  }
0x9d: {  	[timem:s22], [sflag:s6] =	dma.local [hbm:s5], s4  }
0x9e: {  	_ =	swait.ge [sflag:s6], s4  }
0x9f: {  	s4 =	ssub.s32 $0x0, s4;
	[sflag:s6] =	ssyncset.done $0x0  }
0xa0: {  	[sflag:s6] =	ssyncadd.s32 s4;
	_ =	sdelay $0x1  }
0xa1: {  	s23 =	simm.s32 $0x1B8B  }
0xa2: {  	_ =	swait.ge [sflag:s23], $0x1  }
0xa3: {  	[sflag:s23] =	ssyncset.done $0x0  }
0xa4: {  	[sflag:s23] =	ssyncadd.s32 $0xFFFFFFFF  }
0xa5: {  	s4 =	sld [smem:$0x0]  }
0xa6: {  	s5 =	sand.u32 $0xFFFFFFFE, s1  }
0xa7: {  	p0 =	sne.s32 s1, s5  }
0xa8: {  	s5 =	sshll.u32 @p0 s5, $0xE  }
0xa9: {  	s5 =	sadd.s32 @p0 $0x11B8D, s5;
	s6 =	sshll.u32 @p0 s4, $0x11  }
0xaa: {  	s5 =	sor.u32 @p0 s6, s5  }
0xab: {  	[sflag:s5] =	ssyncadd.remote.s32 @p0 $0x1;
	_ =	sdelay $0x1  }
0xac: {  	s5 =	simm.s32 @p0 $0x1B8D  }
0xad: {  	_ =	swait.eq @p0 [sflag:s5], $0x1  }
0xae: {  	[sflag:s5] =	ssyncadd.s32 @p0 $0xFFFFFFFF  }
0xaf: {  	s6 =	sshll.u32 @!p0 s1, $0xE  }
0xb0: {  	s6 =	sor.u32 @!p0 $0x4000, s6;
	s5 =	simm.s32 @!p0 $0x1B8D  }
0xb1: {  	s4 =	sshll.u32 @!p0 s4, $0x11;
	s6 =	sadd.s32 @!p0 $0x11B8D, s6;
	_ =	swait.eq @!p0 [sflag:s5], $0x1  }
0xb2: {  	s4 =	sor.u32 @!p0 s4, s6;
	[sflag:s5] =	ssyncadd.s32 @!p0 $0xFFFFFFFF  }
0xb3: {  	s25 =	simm.s32 $0x1B8E;
	s24 =	sld [smem:$0x3FFE];
	[sflag:s4] =	ssyncadd.remote.s32 @!p0 $0x1  }
0xb4: {  	s26 =	simm.s32 $execute0_lowered;
	[smem:$0x3FD2] =	sst s25  }
0xb5: {  	s5 =	sshll.u32 s26, $0x1;
	_ =	strace $0x80000049;
	[dreg:$0x1] =	wrdreg $0xFFFFFFFF  }
0xb6: {  	s28 =	simm.s32 $_size_execute0_lowered;
	s3 =	sadd.s32 s3, s5;
	[dreg:$0x0] =	wrdreg $0x0  }
0xb7: {  	s5 =	sshll.u32 s28, $0x1;
	[dreg:$0x2] =	wrdreg s3  }
0xb8: {  	[dreg:$0x3] =	wrdreg s5  }
0xb9: {  	[dreg:$0x4] =	wrdreg $0xC0  }
0xba: {  	_ =	task [dreg:s22], $0x5FFFF  }
0xbb: {  	[dreg:$0x1] =	wrdreg $0xFFFFFFFF  }
0xbc: {  	[dreg:$0x0] =	wrdreg $0x60  }
0xbd: {  	[dreg:$0x2] =	wrdreg s24  }
0xbe: {  	[dreg:$0x3] =	wrdreg $0xA  }
0xbf: {  	_ =	task.clear_ibuf [dreg:s22], $0x4FFFF;
	_ =	strace $0x90000049  }
0xc0: {  	s29 =	simm.s32 $0xA;
	_ =	strace $0x8000004B  }
0xc1: {  	_ =	swait.ge [sflag:s29], $0x1  }
0xc2: {  	[sflag:s29] =	ssyncadd.s32 $0xFFFFFFFF  }
0xc3: {  	_ =	strace $0x9000004B  }
0xc4: {  	_ =	sfence  }
0xc5: {  	s30 =	sld [smem:$0x0];
	_ =	sdelay $0x2  }
0xc6: {  	s31 =	sshll.u32 s1, $0xD;
	s1 =	sshrl.u32 s1, $0x2  }
0xc7: {  	s4 =	sand.u32 $0x4000, s31;
	s1 =	sadd.s32 s1, s30  }
0xc8: {  	s0 =	sor.u32 s4, s0;
	s1 =	sshll.u32 s1, $0x11  }
0xc9: {  	s0 =	sor.u32 s1, s0  }
0xca: {  	s0 =	sadd.s32 $0x8F2B, s0  }
0xcb: {  	[sflag:s0] =	ssyncadd.remote.s32 $0x1  }
0xcc: {  	_ =	sfence.sel $0xFFFF  }
0xcd: {  	[dreg:$0x0] =	wrdreg $0xFFFFFFFF;
	(pc) =	sbr.abs _section_cstart, $3  }
0xce: {  	[dreg:$0x1] =	wrdreg $0xFFFFFFFF  }
0xcf: {  	_ =	task.clear_ibuf [dreg:s22], $0x2FFFF;
	_ =	strace $0x9FFFFFFF  }
0xd0: {  	(tm) =	ssettm $0x7FFFFFFF  }
0xd1: {  	_ =	shalt  }
tec
execute0_lowered:
.L_overlay_start_1:
0x0: {  	(tag) =	ssettag $0x1  }
0x1: {  	s8 =	rddreg [dreg:$0x0]  }
0x2: {  	s0 =	rddreg [dreg:$0x1]  }
0x3: {  	s1 =	simm.s32 $0x0;
	s4 =	srdreg.scid;
	s13 =	simm.s32 $0x400  }
0x4: {  	s14 =	simm.s32 $0x1300;
	s15 =	simm.s32 $0x200;
	s16 =	simm.s32 $0x9300  }
0x5: {  	s17 =	simm.s32 $0x9380;
	s18 =	simm.s32 $0x1;
	s19 =	simm.s32 $0x9400  }
0x6: {  	s20 =	simm.s32 $0x9600;
	s21 =	simm.s32 $0x0;
	[smem:$0x7FF] =	sst s1  }
0x7: {  	s2 =	sadd.s32 $0x401E00, s8;
	s3 =	sadd.s32 $0x48E000, s8;
	s5 =	sadd.s32 $0x492000, s8  }
0x8: {  	s6 =	sadd.s32 $0x1E00, s8;
	s9 =	sand.u32 $0x1, s4;
	s7 =	sadd.s32 $0x492200, s8  }
0x9: {  	s4 =	stileid.u32;
	s8 =	sadd.s32 $0x49A200, s8;
	s10 =	ssub.s32 $0x2, s9  }
0xa: {  	v0 =	vlaneseq.u32;
	s12 =	sshll.u32 s4, $0x5;
	s9 =	sshll.u32 s9, $0x4;
	s11 =	sshrl.u32 s10, $0x1  }
0xb: {  	v1 =	vimm.s32 $0x0;
	v2 =	vmul.u32 $0x100, v0;
	_ =	strace $0x8000004A;
	s9 =	sor.u32 s9, s12;
	s10 =	ssub.s32 s10, s11  }
0xc: {  	v3 =	vor.u32 $0x10, v0;
	v4 =	vor.u32 $0x20, v0;
	v5 =	vor.u32 $0x30, v0;
	s12 =	simm.s32 $0x80;
	s11 =	simm.s32 $0x2;
	s10 =	smax.u32 s10, $0x1  }
.LBB2_1:
0xd: {  	[tilespmem:s1], [sflag:$0x2] =	stream.linear.gather [hbm4b:s5+s1], $0x200, $0x38;
	[tilespmem:$0x9800] =	vst v63  }
0xe: {  	_ =	swait.ge [sflag:s11], $0x200  }
0xf: {  	[sflag:s11] =	ssyncset.done $0x0  }
0x10: {  	s22 =	simm.s32 $0x0;
	[sflag:s11] =	ssyncadd.s32 $0xFFFFFE00  }
.LBB2_2:
0x11: {  	s25 =	sadd.s32 s9, s22  }
0x12: {  	s23 =	sshrl.u32 s25, $0x3  }
0x13: {  	s24 =	sshll.u32 s22, $0x7;
	s28 =	sor.u32 $0x40, s23  }
0x14: {  	s24 =	sand.u32 $0x380, s24;
	s26 =	sshll.u32 s28, $0x12  }
0x15: {  	s26 =	sor.u32 s24, s26  }
0x16: {  	s26 =	sshrl.u32 s26, $0x3  }
0x17: {  	s31 =	sshll.u32 s23, $0xB;
	s26 =	sadd.s32 s6, s26  }
0x18: {  	[tilespmem:s14], [sflag:$0x1] =	stream.strided.gather [hbm4b:s26+s12], $0x8000, s13, s12, $0x38;
	[tilespmem:$0x9800] =	vst v63  }
0x19: {  	s26 =	sor.u32 s24, s31  }
0x1a: {  	s26 =	sshrl.u32 s26, $0x3  }
0x1b: {  	s28 =	sshll.u32 s28, $0xF;
	s29 =	sadd.s32 s3, s26;
	s26 =	simm.s32 $0x1200  }
0x1c: {  	[tilespmem:s26], [sflag:$0x2] =	stream.strided.gather [hbm4b:s29+s12], $0x100, s13, s12, $0x38;
	[tilespmem:$0x9800] =	vst v63  }
0x1d: {  	s28 =	sor.u32 s24, s28;
	_ =	swait.ge [sflag:s11], $0x100  }
0x1e: {  	s28 =	sshrl.u32 s28, $0x3;
	[sflag:s11] =	ssyncset.done $0x0  }
0x1f: {  	v6 =	vmov s25;
	s28 =	sadd.s32 s2, s28;
	[sflag:s11] =	ssyncadd.s32 $0xFFFFFF00  }
0x20: {  	[tilespmem:s15], [sflag:$0x2] =	stream.strided.gather [hbm4b:s28+s12], $0x1000, s13, s12, $0x38;
	[tilespmem:$0x9800] =	vst v63  }
0x21: {  	_ =	swait.ge [sflag:s11], $0x1000  }
0x22: {  	[sflag:s11] =	ssyncset.done $0x0  }
0x23: {  	s25 =	simm.s32 $0x0;
	[sflag:s11] =	ssyncadd.s32 $0xFFFFF000  }
0x24: {  	v7 =	vld.idx.msk [tilespmem:v6+s25+$0x0], $0xffff  }
0x25: {  	v8 =	vimm.s32 $0x0;
	v9 =	vimm.s32 $0x0;
	s29 =	simm.s32 $0x10;
	s28 =	simm.s32 $0x0;
	v6 =	vimm.s32 $0x0;
	v10 =	vld [tilespmem:s26+$0x0]  }
.LBB2_3:
0x26: {  	p0 =	sne.s32 s29, $0xF0;
	_ =	sdelay $0x3  }
0x27: {  	vm0 =	vge.f32 v10, v7  }
0x28: {  	v10 =	vsel vm0, $0x1, v1;
	v11 =	vmpcnt.ones.xlane vm0  }
0x29: {  	(xrf0) =	vadd.scan.msk.s32 $0xffff, v10  }
0x2a: {  	v8 =	vadd.s32 v8, v11;
	_ =	sdelay $0x3  }
0x2b: {  	v10 =	vsel vm0, $0xFFFFFFFF, v1  }
0x2c: {  	v10 =	vadd.s32 v10, v9;
	v9 =	vmov v8;
	v11, _, _ =	vpop (xrf0)  }
0x2d: {  	v10 =	vadd.s32 v11, v10  }
0x2e: {  	vm1 =	vlt.s32 v10, $0x3F  }
0x2f: {  	v10 =	vnsel vm1, $0x3F, v10;
	_ =	sdelay $0x1  }
.Ltmp0:
0x30: {  	(pc) =	sbr.rel @p0 .LBB2_3-.Ltmp0, $4  }
0x31: {  	_ = 	snop  }
0x32: {  	v11 =	vor.u32 s28, v0;
	s28 =	smov.u32 s29  }
0x33: {  	s26 =	sadd.s32 $0x10, s26;
	[tilespmem:v10+s16+$0x0] =	vst.idx.msk vm0, v11  }
0x34: {  	s29 =	sadd.s32 $0x10, s29;
	v10 =	vld [tilespmem:s26+$0x0]  }
0x35: {  	_ =	sdelay $0x3  }
0x36: {  	vm0 =	vge.f32 v10, v7  }
0x37: {  	v10 =	vsel vm0, $0x1, v1  }
0x38: {  	(xrf0) =	vadd.scan.msk.s32 $0xffff, v10;
	_ =	sdelay $0x2  }
0x39: {  	v10 =	vsel vm0, $0xFFFFFFFF, v1;
	_ =	sdelay $0x2  }
0x3a: {  	v9 =	vadd.s32 v10, v9;
	v10, _, _ =	vpop (xrf0)  }
0x3b: {  	v9 =	vadd.s32 v10, v9  }
0x3c: {  	vm1 =	vlt.s32 v9, $0x3F  }
0x3d: {  	v9 =	vnsel vm1, $0x3F, v9;
	_ =	sdelay $0x2  }
0x3e: {  	v10 =	vmpcnt.ones.xlane vm0  }
0x3f: {  	v11 =	vor.u32 s28, v0  }
0x40: {  	v8 =	vadd.s32 v8, v10;
	[tilespmem:v9+s16+$0x0] =	vst.idx.msk vm0, v11  }
.LBB2_5:
0x41: {  	v9 =	vmov s25;
	_ =	sdelay $0x4  }
0x42: {  	v10 =	vld.idx.msk [tilespmem:v9+s16+$0x0], $0xffff;
	_ =	sdelay $0x4  }
0x43: {  	vm0 =	vlt.s32 v9, v8;
	v9 =	vadd.s32 v2, v10  }
0x44: {  	v10 =	vnsel vm0, $0x0, v9;
	_ =	sdelay $0x4  }
0x45: {  	v10 =	vld.idx.msk [tilespmem:v10+s15+$0x0], $0xffff;
	_ =	sdelay $0x4  }
0x46: {  	vm1 =	vge.f32 v10, v7  }
0x47: {  	vm0 =	vmand vm0, vm1  }
0x48: {  	v10 =	vsel vm0, $0x1, v1  }
0x49: {  	(xrf0) =	vadd.scan.msk.s32 $0xffff, v10;
	_ =	sdelay $0x4  }
0x4a: {  	v10 =	vsel vm0, $0xFFFFFFFF, v1  }
0x4b: {  	v10 =	vadd.s32 v10, v6;
	v11, _, _ =	vpop (xrf0)  }
0x4c: {  	v10 =	vadd.s32 v11, v10  }
0x4d: {  	vm15 =	vlt.s32 v10, $0x4F  }
0x4e: {  	p0 =	sne.s32 s25, $0x2F;
	v10 =	vnsel vm15, $0x4F, v10  }
.Ltmp1:
0x4f: {  	_ = 	snop;
	(pc) =	sbr.rel @p0 .LBB2_5-.Ltmp1, $3  }
0x50: {  	_ = 	snop  }
0x51: {  	v11 =	vmpcnt.ones.xlane vm0;
	_ =	sdelay $0x1  }
0x52: {  	s25 =	sadd.s32 $0x1, s25;
	v6 =	vadd.s32 v6, v11;
	[tilespmem:v10+s17+$0x0] =	vst.idx.msk vm0, v9  }
0x53: {  	_ =	swait.ge [sflag:s18], $0x8000  }
0x54: {  	[sflag:s18] =	ssyncset.done $0x0  }
0x55: {  	[sflag:s18] =	ssyncadd.s32 $0xFFFF8000  }
0x56: {  	v7 =	vld [tilespmem:$0x9380];
	_ =	sdelay $0x3  }
0x57: {  	vm1 =	vgt.s32 v6, v0  }
0x58: {  	v7 =	vnsel vm1, $0x0, v7  }
0x59: {  	v8 =	vshll.u32 v7, $0x3  }
0x5a: {  	v7 =	vand.u32 $0x7F, v7;
	v8 =	vand.u32 $0xFFFFFC00, v8  }
0x5b: {  	v7 =	vor.u32 v7, v8  }
0x5c: {  	v8 =	vnsel vm1, $0x0, v7;
	_ =	sdelay $0x4  }
0x5d: {  	v9 =	vor.u32 $0x80, v7;
	v8 =	vld.idx.msk [tilespmem:v8+s14+$0x0], $0xffff  }
0x5e: {  	v10 =	vnsel vm1, $0x0, v9;
	_ =	sdelay $0x1  }
0x5f: {  	v46 =	vnsel vm1, $0xFFFFFFFF, v7  }
0x60: {  	[tilespmem:$0x9600] =	vst v46  }
0x61: {  	[tilespmem:$0x9400] =	vst v8  }
0x62: {  	v47 =	vor.u32 $0x100, v7;
	v8 =	vld.idx.msk [tilespmem:v10+s14+$0x0], $0xffff  }
0x63: {  	v11 =	vnsel vm1, $0x0, v47;
	_ =	sdelay $0x1  }
0x64: {  	v48 =	vnsel vm1, $0xFFFFFFFF, v9  }
0x65: {  	[tilespmem:$0x9610] =	vst v48  }
0x66: {  	[tilespmem:$0x9410] =	vst v8  }
0x67: {  	v49 =	vor.u32 $0x180, v7;
	v8 =	vld.idx.msk [tilespmem:v11+s14+$0x0], $0xffff  }
0x68: {  	v50 =	vnsel vm1, $0x0, v49;
	_ =	sdelay $0x1  }
0x69: {  	v51 =	vnsel vm1, $0xFFFFFFFF, v47  }
0x6a: {  	[tilespmem:$0x9620] =	vst v51  }
0x6b: {  	[tilespmem:$0x9420] =	vst v8  }
0x6c: {  	v52 =	vor.u32 $0x200, v7;
	v8 =	vld.idx.msk [tilespmem:v50+s14+$0x0], $0xffff  }
0x6d: {  	v53 =	vnsel vm1, $0x0, v52;
	_ =	sdelay $0x1  }
0x6e: {  	v54 =	vnsel vm1, $0xFFFFFFFF, v49  }
0x6f: {  	[tilespmem:$0x9630] =	vst v54  }
0x70: {  	[tilespmem:$0x9430] =	vst v8  }
0x71: {  	v55 =	vor.u32 $0x280, v7;
	v8 =	vld.idx.msk [tilespmem:v53+s14+$0x0], $0xffff  }
0x72: {  	v56 =	vnsel vm1, $0x0, v55;
	_ =	sdelay $0x1  }
0x73: {  	v57 =	vnsel vm1, $0xFFFFFFFF, v52  }
0x74: {  	[tilespmem:$0x9640] =	vst v57  }
0x75: {  	[tilespmem:$0x9440] =	vst v8  }
0x76: {  	v58 =	vor.u32 $0x300, v7;
	v8 =	vld.idx.msk [tilespmem:v56+s14+$0x0], $0xffff  }
0x77: {  	v59 =	vnsel vm1, $0x0, v58;
	_ =	sdelay $0x1  }
0x78: {  	v60 =	vnsel vm1, $0xFFFFFFFF, v55  }
0x79: {  	v61 =	vld [tilespmem:$0x9390];
	[tilespmem:$0x9650] =	vst v60  }
0x7a: {  	[tilespmem:$0x9450] =	vst v8  }
0x7b: {  	v7 =	vor.u32 $0x380, v7;
	v8 =	vld.idx.msk [tilespmem:v59+s14+$0x0], $0xffff  }
0x7c: {  	v62 =	vnsel vm1, $0x0, v7  }
0x7d: {  	vm0 =	vgt.s32 v6, v3  }
0x7e: {  	v63 =	vnsel vm1, $0xFFFFFFFF, v58;
	v9 =	vnsel vm0, $0x0, v61  }
0x7f: {  	v12 =	vshll.u32 v9, $0x3;
	[tilespmem:$0x9660] =	vst v63  }
0x80: {  	v9 =	vand.u32 $0x7F, v9;
	[tilespmem:$0x9460] =	vst v8;
	v8 =	vand.u32 $0xFFFFFC00, v12  }
0x81: {  	v13 =	vld.idx.msk [tilespmem:v62+s14+$0x0], $0xffff;
	v8 =	vor.u32 v9, v8  }
0x82: {  	v9 =	vnsel vm0, $0x0, v8;
	_ =	sdelay $0x1  }
0x83: {  	v7 =	vnsel vm1, $0xFFFFFFFF, v7  }
0x84: {  	[tilespmem:$0x9670] =	vst v7  }
0x85: {  	[tilespmem:$0x9470] =	vst v13  }
0x86: {  	v7 =	vld.idx.msk [tilespmem:v9+s14+$0x0], $0xffff  }
0x87: {  	v14 =	vor.u32 $0x80, v8  }
0x88: {  	v15 =	vnsel vm0, $0x0, v14;
	_ =	sdelay $0x2  }
0x89: {  	[tilespmem:$0x9480] =	vst v7;
	v7 =	vnsel vm0, $0xFFFFFFFF, v8  }
0x8a: {  	[tilespmem:$0x9680] =	vst v7  }
0x8b: {  	v7 =	vld.idx.msk [tilespmem:v15+s14+$0x0], $0xffff  }
0x8c: {  	v16 =	vor.u32 $0x100, v8  }
0x8d: {  	v17 =	vnsel vm0, $0x0, v16;
	_ =	sdelay $0x2  }
0x8e: {  	[tilespmem:$0x9490] =	vst v7;
	v7 =	vnsel vm0, $0xFFFFFFFF, v14  }
0x8f: {  	[tilespmem:$0x9690] =	vst v7  }
0x90: {  	v7 =	vld.idx.msk [tilespmem:v17+s14+$0x0], $0xffff  }
0x91: {  	v18 =	vor.u32 $0x180, v8  }
0x92: {  	v19 =	vnsel vm0, $0x0, v18;
	_ =	sdelay $0x2  }
0x93: {  	[tilespmem:$0x94A0] =	vst v7;
	v7 =	vnsel vm0, $0xFFFFFFFF, v16  }
0x94: {  	[tilespmem:$0x96A0] =	vst v7  }
0x95: {  	v7 =	vld.idx.msk [tilespmem:v19+s14+$0x0], $0xffff  }
0x96: {  	v20 =	vor.u32 $0x200, v8  }
0x97: {  	v21 =	vnsel vm0, $0x0, v20;
	_ =	sdelay $0x2  }
0x98: {  	[tilespmem:$0x94B0] =	vst v7;
	v7 =	vnsel vm0, $0xFFFFFFFF, v18  }
0x99: {  	[tilespmem:$0x96B0] =	vst v7  }
0x9a: {  	v7 =	vld.idx.msk [tilespmem:v21+s14+$0x0], $0xffff  }
0x9b: {  	v22 =	vor.u32 $0x280, v8  }
0x9c: {  	v23 =	vnsel vm0, $0x0, v22;
	_ =	sdelay $0x2  }
0x9d: {  	[tilespmem:$0x94C0] =	vst v7;
	v7 =	vnsel vm0, $0xFFFFFFFF, v20  }
0x9e: {  	[tilespmem:$0x96C0] =	vst v7  }
0x9f: {  	v7 =	vld.idx.msk [tilespmem:v23+s14+$0x0], $0xffff  }
0xa0: {  	v24 =	vor.u32 $0x300, v8  }
0xa1: {  	v25 =	vnsel vm0, $0x0, v24;
	_ =	sdelay $0x2  }
0xa2: {  	[tilespmem:$0x94D0] =	vst v7;
	v7 =	vnsel vm0, $0xFFFFFFFF, v22  }
0xa3: {  	v26 =	vld [tilespmem:$0x93A0];
	[tilespmem:$0x96D0] =	vst v7  }
0xa4: {  	v7 =	vld.idx.msk [tilespmem:v25+s14+$0x0], $0xffff;
	_ =	sdelay $0x1  }
0xa5: {  	v8 =	vor.u32 $0x380, v8  }
0xa6: {  	v27 =	vnsel vm0, $0x0, v8  }
0xa7: {  	vm14 =	vgt.s32 v6, v4  }
0xa8: {  	v9 =	vnsel vm14, $0x0, v26;
	[tilespmem:$0x94E0] =	vst v7;
	v7 =	vnsel vm0, $0xFFFFFFFF, v24  }
0xa9: {  	[tilespmem:$0x96E0] =	vst v7;
	v7 =	vshll.u32 v9, $0x3  }
0xaa: {  	v9 =	vand.u32 $0x7F, v9;
	v7 =	vand.u32 $0xFFFFFC00, v7  }
0xab: {  	v28 =	vld.idx.msk [tilespmem:v27+s14+$0x0], $0xffff;
	v7 =	vor.u32 v9, v7  }
0xac: {  	v9 =	vnsel vm14, $0x0, v7;
	_ =	sdelay $0x1  }
0xad: {  	v8 =	vnsel vm0, $0xFFFFFFFF, v8  }
0xae: {  	[tilespmem:$0x96F0] =	vst v8  }
0xaf: {  	[tilespmem:$0x94F0] =	vst v28  }
0xb0: {  	v29 =	vor.u32 $0x80, v7;
	v8 =	vld.idx.msk [tilespmem:v9+s14+$0x0], $0xffff  }
0xb1: {  	v30 =	vnsel vm14, $0x0, v29;
	_ =	sdelay $0x1  }
0xb2: {  	v31 =	vnsel vm14, $0xFFFFFFFF, v7  }
0xb3: {  	[tilespmem:$0x9700] =	vst v31  }
0xb4: {  	[tilespmem:$0x9500] =	vst v8  }
0xb5: {  	v32 =	vor.u32 $0x100, v7;
	v8 =	vld.idx.msk [tilespmem:v30+s14+$0x0], $0xffff  }
0xb6: {  	v33 =	vnsel vm14, $0x0, v32;
	_ =	sdelay $0x1  }
0xb7: {  	v34 =	vnsel vm14, $0xFFFFFFFF, v29  }
0xb8: {  	[tilespmem:$0x9710] =	vst v34  }
0xb9: {  	[tilespmem:$0x9510] =	vst v8  }
0xba: {  	v35 =	vor.u32 $0x180, v7;
	v8 =	vld.idx.msk [tilespmem:v33+s14+$0x0], $0xffff  }
0xbb: {  	v36 =	vnsel vm14, $0x0, v35;
	_ =	sdelay $0x1  }
0xbc: {  	v37 =	vnsel vm14, $0xFFFFFFFF, v32  }
0xbd: {  	[tilespmem:$0x9720] =	vst v37  }
0xbe: {  	[tilespmem:$0x9520] =	vst v8  }
0xbf: {  	v38 =	vor.u32 $0x200, v7;
	v8 =	vld.idx.msk [tilespmem:v36+s14+$0x0], $0xffff  }
0xc0: {  	v39 =	vnsel vm14, $0x0, v38;
	_ =	sdelay $0x1  }
0xc1: {  	v40 =	vnsel vm14, $0xFFFFFFFF, v35  }
0xc2: {  	[tilespmem:$0x9730] =	vst v40  }
0xc3: {  	[tilespmem:$0x9530] =	vst v8  }
0xc4: {  	v41 =	vor.u32 $0x280, v7;
	v8 =	vld.idx.msk [tilespmem:v39+s14+$0x0], $0xffff  }
0xc5: {  	v42 =	vnsel vm14, $0x0, v41;
	_ =	sdelay $0x1  }
0xc6: {  	v43 =	vnsel vm14, $0xFFFFFFFF, v38  }
0xc7: {  	[tilespmem:$0x9740] =	vst v43  }
0xc8: {  	[tilespmem:$0x9540] =	vst v8  }
0xc9: {  	v44 =	vor.u32 $0x300, v7;
	v8 =	vld.idx.msk [tilespmem:v42+s14+$0x0], $0xffff  }
0xca: {  	v45 =	vnsel vm14, $0x0, v44;
	_ =	sdelay $0x1  }
0xcb: {  	v46 =	vnsel vm14, $0xFFFFFFFF, v41  }
0xcc: {  	v47 =	vld [tilespmem:$0x93B0];
	[tilespmem:$0x9750] =	vst v46  }
0xcd: {  	[tilespmem:$0x9550] =	vst v8  }
0xce: {  	v7 =	vor.u32 $0x380, v7;
	v8 =	vld.idx.msk [tilespmem:v45+s14+$0x0], $0xffff  }
0xcf: {  	v48 =	vnsel vm14, $0x0, v7  }
0xd0: {  	vm15 =	vgt.s32 v6, v5  }
0xd1: {  	v49 =	vnsel vm15, $0x0, v47;
	v6 =	vnsel vm14, $0xFFFFFFFF, v44  }
0xd2: {  	[tilespmem:$0x9760] =	vst v6;
	v6 =	vshll.u32 v49, $0x3  }
0xd3: {  	v6 =	vand.u32 $0xFFFFFC00, v6;
	[tilespmem:$0x9560] =	vst v8;
	v8 =	vand.u32 $0x7F, v49  }
0xd4: {  	v50 =	vld.idx.msk [tilespmem:v48+s14+$0x0], $0xffff;
	v6 =	vor.u32 v8, v6  }
0xd5: {  	v8 =	vnsel vm15, $0x0, v6;
	_ =	sdelay $0x1  }
0xd6: {  	v7 =	vnsel vm14, $0xFFFFFFFF, v7  }
0xd7: {  	[tilespmem:$0x9770] =	vst v7  }
0xd8: {  	[tilespmem:$0x9570] =	vst v50  }
0xd9: {  	v7 =	vld.idx.msk [tilespmem:v8+s14+$0x0], $0xffff  }
0xda: {  	v51 =	vor.u32 $0x80, v6  }
0xdb: {  	v52 =	vnsel vm15, $0x0, v51;
	_ =	sdelay $0x2  }
0xdc: {  	[tilespmem:$0x9580] =	vst v7;
	v7 =	vnsel vm15, $0xFFFFFFFF, v6  }
0xdd: {  	[tilespmem:$0x9780] =	vst v7  }
0xde: {  	v7 =	vld.idx.msk [tilespmem:v52+s14+$0x0], $0xffff  }
0xdf: {  	v53 =	vor.u32 $0x100, v6  }
0xe0: {  	v54 =	vnsel vm15, $0x0, v53;
	_ =	sdelay $0x2  }
0xe1: {  	[tilespmem:$0x9590] =	vst v7;
	v7 =	vnsel vm15, $0xFFFFFFFF, v51  }
0xe2: {  	[tilespmem:$0x9790] =	vst v7  }
0xe3: {  	v7 =	vld.idx.msk [tilespmem:v54+s14+$0x0], $0xffff  }
0xe4: {  	v55 =	vor.u32 $0x180, v6  }
0xe5: {  	v56 =	vnsel vm15, $0x0, v55;
	_ =	sdelay $0x2  }
0xe6: {  	[tilespmem:$0x95A0] =	vst v7;
	v7 =	vnsel vm15, $0xFFFFFFFF, v53  }
0xe7: {  	[tilespmem:$0x97A0] =	vst v7  }
0xe8: {  	v7 =	vld.idx.msk [tilespmem:v56+s14+$0x0], $0xffff  }
0xe9: {  	v57 =	vor.u32 $0x200, v6  }
0xea: {  	v58 =	vnsel vm15, $0x0, v57;
	_ =	sdelay $0x2  }
0xeb: {  	[tilespmem:$0x95B0] =	vst v7;
	v7 =	vnsel vm15, $0xFFFFFFFF, v55  }
0xec: {  	[tilespmem:$0x97B0] =	vst v7  }
0xed: {  	v7 =	vld.idx.msk [tilespmem:v58+s14+$0x0], $0xffff  }
0xee: {  	v59 =	vor.u32 $0x280, v6  }
0xef: {  	v60 =	vnsel vm15, $0x0, v59;
	_ =	sdelay $0x2  }
0xf0: {  	[tilespmem:$0x95C0] =	vst v7;
	v7 =	vnsel vm15, $0xFFFFFFFF, v57  }
0xf1: {  	[tilespmem:$0x97C0] =	vst v7  }
0xf2: {  	v7 =	vld.idx.msk [tilespmem:v60+s14+$0x0], $0xffff  }
0xf3: {  	v61 =	vor.u32 $0x300, v6  }
0xf4: {  	v62 =	vnsel vm15, $0x0, v61;
	_ =	sdelay $0x2  }
0xf5: {  	[tilespmem:$0x95D0] =	vst v7;
	v7 =	vnsel vm15, $0xFFFFFFFF, v59  }
0xf6: {  	[tilespmem:$0x97D0] =	vst v7  }
0xf7: {  	v7 =	vld.idx.msk [tilespmem:v62+s14+$0x0], $0xffff  }
0xf8: {  	v6 =	vor.u32 $0x380, v6  }
0xf9: {  	v63 =	vnsel vm15, $0x0, v6;
	_ =	sdelay $0x2  }
0xfa: {  	[tilespmem:$0x95E0] =	vst v7;
	v7 =	vnsel vm15, $0xFFFFFFFF, v61  }
0xfb: {  	[tilespmem:$0x97E0] =	vst v7  }
0xfc: {  	v7 =	vld.idx.msk [tilespmem:v63+s14+$0x0], $0xffff;
	_ =	sdelay $0x1  }
0xfd: {  	s23 =	sshll.u32 s23, $0xC  }
0xfe: {  	s23 =	sor.u32 s24, s23;
	v6 =	vnsel vm15, $0xFFFFFFFF, v6  }
0xff: {  	s23 =	sshrl.u32 s23, $0x3;
	[tilespmem:$0x97F0] =	vst v6  }
0x100: {  	s31 =	sadd.s32 s7, s23;
	[tilespmem:$0x95F0] =	vst v7  }
0x101: {  	[hbm4b:s31+s12] =	stream.strided.scatter [tilespmem:s19], [sflag:$0x2], $0x200, s13, s12, $0x38;
	[tilespmem:$0x9800] =	vst v63  }
0x102: {  	s22 =	sadd.s32 $0x1, s22;
	_ =	swait.ge [sflag:s11], $0x200  }
0x103: {  	p0 =	sne.s32 s22, $0x10;
	[sflag:s11] =	ssyncset.done $0x0  }
.Ltmp2:
0x104: {  	s23 =	sadd.s32 s8, s23;
	[sflag:s11] =	ssyncadd.s32 $0xFFFFFE00;
	(pc) =	sbr.rel @p0 .LBB2_2-.Ltmp2, $4  }
0x105: {  	[hbm4b:s23+s12] =	stream.strided.scatter [tilespmem:s20], [sflag:$0x2], $0x200, s13, s12, $0x38;
	[tilespmem:$0x9800] =	vst v63  }
0x106: {  	_ =	swait.ge [sflag:s11], $0x200  }
0x107: {  	[sflag:s11] =	ssyncset.done $0x0  }
0x108: {  	[sflag:s11] =	ssyncadd.s32 $0xFFFFFE00  }
0x109: {  	s21 =	sadd.s32 $0x1, s21  }
0x10a: {  	p0 =	sne.s32 s21, s10  }
.Ltmp3:
0x10b: {  	_ = 	snop;
	(pc) =	sbr.rel @p0 .LBB2_1-.Ltmp3, $1  }
0x10c: {  	_ =	sdelay $0x3  }
0x10d: {  	_ =	sfence.sel $0x180000  }
0x10e: {  	[bflag:$0x0] =	sbarrier.arrive $0xFFFF  }
0x10f: {  	p0 =	sne.s32 s4, $0x0;
	_ =	strace $0x9000004A  }
0x110: {  	s0 =	sadd.s32 @!p0 $0x100000, s0;
	[bflag:$0x2] =	sbarrier.arrive $0xFFFF  }
0x111: {  	[sflag:s0] =	ssyncadd.tile.s32 @!p0 $0x1;
	_ =	shalt  }
.Lfunc_end2:
_tile_overlayer_lowered:
.L_overlay_start_2:
0x112: {  	(tag) =	ssettag $0x2  }
0x113: {  	s0 =	rddreg [dreg:$0x0];
	s2 =	stileid.u32  }
0x114: {  	s1 =	rddreg [dreg:$0x1];
	p0 =	sne.s32 s2, $0x0  }
0x115: {  	s3 =	rddreg [dreg:$0x2];
	[bflag:$0x3] =	sbarrier.arrive $0xFFFF;
	s2 =	simm.s32 @!p0 $0x1C02  }
0x116: {  	[timem:s3], [sflag:s2] =	dma.local @!p0 [hbm:s0], s1  }
0x117: {  	s0 =	simm.s32 @!p0 $0x2  }
0x118: {  	_ =	swait.ge @!p0 [sflag:s0], s1  }
0x119: {  	s1 =	ssub.s32 @!p0 $0x0, s1;
	[sflag:s0] =	ssyncset.done @!p0 $0x0  }
0x11a: {  	[sflag:s0] =	ssyncadd.s32 @!p0 s1  }
0x11b: {  	[bflag:$0x3] =	sbarrier.arrive $0xFFFF  }
0x11c: {  	_ =	shalt  }

// kernel: kernel.9.cloned.1.call-start
scs
__scs_entry_jumppad:
0x0: {  	(pc) =	sbr.rel $0x88, $3  }
0x1: {  	(tag) =	ssettag $0x0;
	lr =	simm.s32 $0x1  }
0x2: {  	[smem:$0x3F9F] =	sst lr;
	_ =	strace $0xD0000000  }
0x3: {  	_ = 	snop  }
0x4: {  	_ = 	snop  }
0x5: {  	_ = 	snop  }
0x6: {  	_ = 	snop  }
0x7: {  	_ = 	snop  }
__scs_overlays_trampoline_lowered:
0x8: {  	[smem:$0x3FAE] =	sst s0  }
0x9: {  	[smem:$0x3FAF] =	sst s1  }
0xa: {  	[smem:$0x3FB0] =	sst s2  }
0xb: {  	[smem:$0x3FB1] =	sst s3  }
0xc: {  	[smem:$0x3FB2] =	sst s4  }
0xd: {  	[smem:$0x3FB3] =	sst s5  }
0xe: {  	[smem:$0x3FB4] =	sst s6  }
0xf: {  	[smem:$0x3FB5] =	sst s7  }
0x10: {  	[smem:$0x3FB6] =	sst s8  }
0x11: {  	[smem:$0x3FB7] =	sst s9;
	s0 =	simm.s32 @!p0 $0x0  }
0x12: {  	s1 =	sld [smem:$0x3F9D];
	s0 =	simm.s32 @p0 $0x1  }
0x13: {  	[smem:$0x3FB8] =	sst s0;
	s0 =	simm.s32 @!p1 $0x0  }
0x14: {  	s2 =	sld [smem:$0x3F9C];
	s0 =	simm.s32 @p1 $0x1  }
0x15: {  	[smem:$0x3FB9] =	sst s0;
	s0 =	simm.s32 @!p2 $0x0  }
0x16: {  	s3 =	sld [smem:$0x3FDB];
	s0 =	simm.s32 @p2 $0x1  }
0x17: {  	s4 =	simm.s32 $0x1BF5;
	[smem:$0x3FBB] =	sst s0  }
0x18: {  	s0 =	sld [smem:$0x3F9E];
	_ =	swait.ge [sflag:s4], $0x0  }
0x19: {  	s7 =	sld [smem:$0x3F9F]  }
0x1a: {  	s8 =	sadd.s32 $0xFFFFE003, lr  }
0x1b: {  	s9 =	sadd.s32 $0xFFFFFEF7, lr;
	s5 =	simm.s32 $0xFFFFFFFF;
	p2 =	slt.u32 s8, $0xFFFFF086  }
0x1c: {  	p1 =	slt.u32 s9, $0xF7A;
	s5 =	simm.s32 @!p2 $0x0  }
0x1d: {  	s5 =	simm.s32 @p1 $0x1;
	p0 =	seq.s32 s7, s2  }
0x1e: {  	s7 =	smul.u32 @!p0 $0xF7A, s2;
	p2 =	seq.s32 @!p0 s5, $0x0  }
0x1f: {  	s9 =	smul.u32 $0xF7A, s1;
	s8 =	simm.s32 @!p0 $0x1BF5;
	p2 =	por !p2, p0  }
0x20: {  	[sflag:s8] =	ssyncset.s32 @!p0 $0xFFFFF086;
	s6 =	sadd.s32 @!p0 s3, s7;
	s7 =	simm.s32 @!p0 $0x108  }
0x21: {  	s3 =	sadd.s32 s3, s9;
	s6 =	sadd.s32 @!p0 $0x88, s6;
	s7 =	simm.s32 @p2 $0x1082  }
0x22: {  	[simem:s7], [sflag:s8] =	dma.local @!p0 [hbm:s6], $0xF7A  }
0x23: {  	s9 =	sor.u32 $0xD0000000, s2;
	s6 =	simm.s32 $0x108;
	_ =	swait.ge @!p0 [sflag:s8], $0x0  }
0x24: {  	s3 =	sadd.s32 $0x88, s3;
	s6 =	simm.s32 @!p1 $0x1082;
	[sflag:s4] =	ssyncset.s32 $0xFFFFF086  }
0x25: {  	[simem:s6], [sflag:s4] =	dma.local [hbm:s3], $0xF7A  }
0x26: {  	[smem:$0x3F9F] =	sst s1;
	(tag) =	ssettag s2;
	_ =	strace s9  }
0x27: {  	s1 =	sld [smem:$0x3FAF]  }
0x28: {  	s2 =	sld [smem:$0x3FB0]  }
0x29: {  	s4 =	sld [smem:$0x3FB2]  }
0x2a: {  	p0 =	seq.s32 s5, $0x0;
	s5 =	sld [smem:$0x3FB3]  }
0x2b: {  	s6 =	sld [smem:$0x3FB4]  }
0x2c: {  	s7 =	sld [smem:$0x3FB5]  }
0x2d: {  	s3 =	simm.s32 $0x108;
	s8 =	sld [smem:$0x3FB6]  }
0x2e: {  	s3 =	simm.s32 @!p0 $0x1082;
	s9 =	sld [smem:$0x3FB7]  }
0x2f: {  	lr =	sadd.s32 s0, s3;
	s0 =	sld [smem:$0x3FAE]  }
0x30: {  	s3 =	sld [smem:$0x3FB1]  }
0x31: {  	[smem:$0x3FBA] =	sst s10  }
0x32: {  	s10 =	sld [smem:$0x3FB8];
	_ =	sdelay $0x3  }
0x33: {  	p0 =	seq.s32 s10, $0x1;
	s10 =	sld [smem:$0x3FBA];
	_ =	sdelay $0x3  }
0x34: {  	[smem:$0x3FBA] =	sst s10  }
0x35: {  	s10 =	sld [smem:$0x3FB9];
	_ =	sdelay $0x3  }
0x36: {  	p1 =	seq.s32 s10, $0x1;
	s10 =	sld [smem:$0x3FBA];
	_ =	sdelay $0x3  }
0x37: {  	[smem:$0x3FBA] =	sst s10  }
0x38: {  	s10 =	sld [smem:$0x3FBB]  }
0x39: {  	_ = 	snop;
	(pc) =	sbr.ind lr, $3  }
0x3a: {  	_ = 	snop  }
0x3b: {  	_ = 	snop  }
0x3c: {  	p2 =	seq.s32 s10, $0x1;
	s10 =	sld [smem:$0x3FBA]  }
0x3d: {  	_ =	shalt  }
0x3e: {  	_ =	shalt  }
0x3f: {  	_ =	shalt  }
0x40: {  	_ =	shalt  }
0x41: {  	_ =	shalt  }
0x42: {  	_ =	shalt  }
0x43: {  	_ =	shalt  }
0x44: {  	_ =	shalt  }
0x45: {  	_ =	shalt  }
0x46: {  	_ =	shalt  }
0x47: {  	_ =	shalt  }
0x48: {  	_ =	shalt  }
0x49: {  	_ =	shalt  }
0x4a: {  	_ =	shalt  }
0x4b: {  	_ =	shalt  }
0x4c: {  	_ =	shalt  }
0x4d: {  	_ =	shalt  }
0x4e: {  	_ =	shalt  }
0x4f: {  	_ =	shalt  }
0x50: {  	_ =	shalt  }
0x51: {  	_ =	shalt  }
0x52: {  	_ =	shalt  }
0x53: {  	_ =	shalt  }
0x54: {  	_ =	shalt  }
0x55: {  	_ =	shalt  }
0x56: {  	_ =	shalt  }
0x57: {  	_ =	shalt  }
0x58: {  	_ =	shalt  }
0x59: {  	_ =	shalt  }
0x5a: {  	_ =	shalt  }
0x5b: {  	_ =	shalt  }
0x5c: {  	_ =	shalt  }
0x5d: {  	_ =	shalt  }
0x5e: {  	_ =	shalt  }
0x5f: {  	_ =	shalt  }
0x60: {  	_ =	shalt  }
0x61: {  	_ =	shalt  }
0x62: {  	_ =	shalt  }
0x63: {  	_ =	shalt  }
0x64: {  	_ =	shalt  }
0x65: {  	_ =	shalt  }
0x66: {  	_ =	shalt  }
0x67: {  	_ =	shalt  }
0x68: {  	_ =	shalt  }
0x69: {  	_ =	shalt  }
0x6a: {  	_ =	shalt  }
0x6b: {  	_ =	shalt  }
0x6c: {  	_ =	shalt  }
0x6d: {  	_ =	shalt  }
0x6e: {  	_ =	shalt  }
0x6f: {  	_ =	shalt  }
0x70: {  	_ =	shalt  }
0x71: {  	_ =	shalt  }
0x72: {  	_ =	shalt  }
0x73: {  	_ =	shalt  }
0x74: {  	_ =	shalt  }
0x75: {  	_ =	shalt  }
0x76: {  	_ =	shalt  }
0x77: {  	_ =	shalt  }
0x78: {  	_ =	shalt  }
0x79: {  	_ =	shalt  }
0x7a: {  	_ =	shalt  }
0x7b: {  	_ =	shalt  }
0x7c: {  	_ =	shalt  }
0x7d: {  	_ =	shalt  }
0x7e: {  	_ =	shalt  }
0x7f: {  	_ =	shalt  }
0x80: {  	_ =	shalt  }
0x81: {  	_ =	shalt  }
0x82: {  	_ =	shalt  }
0x83: {  	_ =	shalt  }
0x84: {  	_ =	shalt  }
0x85: {  	_ =	shalt  }
0x86: {  	_ =	shalt  }
0x87: {  	_ =	shalt  }
.Lfunc_end0:
.L_simem_size_0:
called_computation_lowered:
.L_overlay_start_0:
0x88: {  	s2 =	sld [smem:$0x3FD9]  }
0x89: {  	s3 =	sld [smem:$0x3FFE];
	_ =	sdelay $0x1  }
0x8a: {  	s1 =	srdreg.scid  }
0x8b: {  	s0 =	sand.u32 $0x1, s1  }
0x8c: {  	s17 =	sshll.u32 s0, $0xA;
	s2 =	sadd.s32 s3, s2  }
0x8d: {  	s2 =	sadd.s32 s2, s17  }
0x8e: {  	[smem:$0x3FC6] =	sst s2  }
0x8f: {  	_ = 	snop  }
0x90: {  	s2 =	sld [smem:$0x3FD0];
	(tm) =	ssettm $0x1  }
0x91: {  	s18 =	sld [smem:$0x3FFB];
	_ =	sdelay $0x3  }
0x92: {  	_ =	strace s18  }
0x93: {  	s3 =	sld [smem:$0x3FFC];
	_ =	sdelay $0x3  }
0x94: {  	_ =	strace s3  }
0x95: {  	s3 =	sld [smem:$0x3FFD];
	_ =	sdelay $0x3  }
0x96: {  	_ =	strace s3  }
0x97: {  	_ =	strace $0x8FFFFFFF  }
0x98: {  	s19 =	sld [smem:$0x3FDB];
	_ =	sdelay $0x1  }
0x99: {  	s4 =	simm.s32 $_scs_section_size  }
0x9a: {  	s5 =	simm.s32 $_size__tile_overlayer_lowered;
	s6 =	simm.s32 $_tile_overlayer_lowered  }
0x9b: {  	s22 =	simm.s32 $0x1BFF;
	s21 =	sshll.u32 s6, $0x1;
	s3 =	sadd.s32 s4, s19  }
0x9c: {  	s7 =	simm.s32 $0x0;
	s20 =	sshll.u32 s5, $0x1;
	s5 =	sadd.s32 s21, s3  }
0x9d: {  	[timem:s7], [sflag:s22] =	dma.local [hbm:s5], s20  }
0x9e: {  	_ =	swait.ge [sflag:s22], s20  }
0x9f: {  	s4 =	ssub.s32 $0x0, s20;
	[sflag:s22] =	ssyncset.done $0x0  }
0xa0: {  	[sflag:s22] =	ssyncadd.s32 s4;
	_ =	sdelay $0x1  }
0xa1: {  	s23 =	simm.s32 $0x1B8B  }
0xa2: {  	_ =	swait.ge [sflag:s23], $0x1  }
0xa3: {  	[sflag:s23] =	ssyncset.done $0x0  }
0xa4: {  	s25 =	simm.s32 $0x1B8E;
	s24 =	sld [smem:$0x3FFE];
	[sflag:s23] =	ssyncadd.s32 $0xFFFFFFFF  }
0xa5: {  	s26 =	simm.s32 $execute0_lowered;
	[smem:$0x3FD2] =	sst s25  }
0xa6: {  	s5 =	sshll.u32 s26, $0x1;
	_ =	strace $0x80000046;
	[dreg:$0x1] =	wrdreg $0xFFFFFFFF  }
0xa7: {  	s28 =	simm.s32 $_size_execute0_lowered;
	s3 =	sadd.s32 s3, s5;
	[dreg:$0x0] =	wrdreg $0x0  }
0xa8: {  	s5 =	sshll.u32 s28, $0x1;
	[dreg:$0x2] =	wrdreg s3  }
0xa9: {  	[dreg:$0x3] =	wrdreg s5  }
0xaa: {  	[dreg:$0x4] =	wrdreg $0xC0  }
0xab: {  	_ =	task [dreg:s7], $0x5FFFF  }
0xac: {  	[dreg:$0x1] =	wrdreg $0xFFFFFFFF  }
0xad: {  	[dreg:$0x0] =	wrdreg $0x60  }
0xae: {  	[dreg:$0x2] =	wrdreg s24  }
0xaf: {  	[dreg:$0x3] =	wrdreg s2  }
0xb0: {  	[dreg:$0x4] =	wrdreg $0x9  }
0xb1: {  	_ =	task.clear_ibuf [dreg:s7], $0x5FFFF;
	_ =	strace $0x90000046  }
0xb2: {  	s29 =	simm.s32 $0x9;
	_ =	strace $0x80000048  }
0xb3: {  	_ =	swait.ge [sflag:s29], $0x1  }
0xb4: {  	[sflag:s29] =	ssyncadd.s32 $0xFFFFFFFF  }
0xb5: {  	_ =	strace $0x90000048  }
0xb6: {  	_ =	sfence  }
0xb7: {  	s30 =	sld [smem:$0x0];
	_ =	sdelay $0x2  }
0xb8: {  	s31 =	sshll.u32 s1, $0xD;
	s1 =	sshrl.u32 s1, $0x2  }
0xb9: {  	s3 =	sand.u32 $0x4000, s31;
	s1 =	sadd.s32 s1, s30  }
0xba: {  	s0 =	sor.u32 s3, s0;
	s1 =	sshll.u32 s1, $0x11  }
0xbb: {  	s0 =	sor.u32 s1, s0  }
0xbc: {  	s0 =	sadd.s32 $0x8F2B, s0  }
0xbd: {  	[sflag:s0] =	ssyncadd.remote.s32 $0x1  }
0xbe: {  	_ =	sfence.sel $0xFFFF  }
0xbf: {  	[dreg:$0x0] =	wrdreg $0xFFFFFFFF;
	(pc) =	sbr.abs _section_cstart, $3  }
0xc0: {  	[dreg:$0x1] =	wrdreg $0xFFFFFFFF  }
0xc1: {  	_ =	task.clear_ibuf [dreg:s7], $0x2FFFF;
	_ =	strace $0x9FFFFFFF  }
0xc2: {  	(tm) =	ssettm $0x7FFFFFFF  }
0xc3: {  	_ =	shalt  }
tec
execute0_lowered:
.L_overlay_start_1:
0x0: {  	(tag) =	ssettag $0x1  }
0x1: {  	s8 =	rddreg [dreg:$0x0]  }
0x2: {  	s1 =	rddreg [dreg:$0x1]  }
0x3: {  	s0 =	rddreg [dreg:$0x2];
	s2 =	simm.s32 $0x0;
	s4 =	srdreg.scid  }
0x4: {  	s13 =	simm.s32 $0x400;
	s14 =	simm.s32 $0x1300;
	s15 =	simm.s32 $0x200  }
0x5: {  	s16 =	simm.s32 $0x9300;
	s17 =	simm.s32 $0x9380;
	s18 =	simm.s32 $0x1  }
0x6: {  	s19 =	simm.s32 $0x9400;
	s20 =	simm.s32 $0x9600;
	[smem:$0x7FF] =	sst s2  }
0x7: {  	s21 =	simm.s32 $0x0;
	s3 =	sadd.s32 $0x401E00, s8;
	s5 =	sadd.s32 $0x481E00, s8  }
0x8: {  	s6 =	sadd.s32 $0x485E00, s8;
	s9 =	sand.u32 $0x1, s4;
	s7 =	sadd.s32 $0x1E00, s8  }
0x9: {  	s4 =	stileid.u32;
	s8 =	sadd.s32 $0x486000, s8;
	s10 =	ssub.s32 $0x2, s9  }
0xa: {  	v0 =	vlaneseq.u32;
	s12 =	sshll.u32 s4, $0x5;
	s9 =	sshll.u32 s9, $0x4;
	s11 =	sshrl.u32 s10, $0x1  }
0xb: {  	v1 =	vimm.s32 $0x0;
	v2 =	vmul.u32 $0x100, v0;
	_ =	strace $0x80000047;
	s9 =	sor.u32 s9, s12;
	s10 =	ssub.s32 s10, s11  }
0xc: {  	v3 =	vor.u32 $0x10, v0;
	v4 =	vor.u32 $0x20, v0;
	v5 =	vor.u32 $0x30, v0;
	s12 =	simm.s32 $0x80;
	s11 =	simm.s32 $0x2;
	s10 =	smax.u32 s10, $0x1  }
.LBB2_1:
0xd: {  	[tilespmem:s2], [sflag:$0x2] =	stream.linear.gather [hbm4b:s6+s2], $0x200, $0x38;
	[tilespmem:$0x9800] =	vst v63  }
0xe: {  	_ =	swait.ge [sflag:s11], $0x200  }
0xf: {  	[sflag:s11] =	ssyncset.done $0x0  }
0x10: {  	s22 =	simm.s32 $0x0;
	[sflag:s11] =	ssyncadd.s32 $0xFFFFFE00  }
.LBB2_2:
0x11: {  	s25 =	sadd.s32 s9, s22  }
0x12: {  	s24 =	sshll.u32 s22, $0x7;
	s23 =	sshrl.u32 s25, $0x3  }
0x13: {  	s24 =	sand.u32 $0x380, s24;
	s26 =	sshll.u32 s23, $0x12  }
0x14: {  	s26 =	sor.u32 s24, s26  }
0x15: {  	s26 =	sshrl.u32 s26, $0x3  }
0x16: {  	s31 =	sshll.u32 s23, $0xB;
	s26 =	sadd.s32 s7, s26  }
0x17: {  	[tilespmem:s14], [sflag:$0x1] =	stream.strided.gather [hbm4b:s26+s12], $0x8000, s13, s12, $0x38;
	[tilespmem:$0x9800] =	vst v63  }
0x18: {  	s26 =	sor.u32 s24, s31  }
0x19: {  	s26 =	sshrl.u32 s26, $0x3  }
0x1a: {  	s28 =	sadd.s32 s5, s26;
	s26 =	simm.s32 $0x1200  }
0x1b: {  	[tilespmem:s26], [sflag:$0x2] =	stream.strided.gather [hbm4b:s28+s12], $0x100, s13, s12, $0x38;
	[tilespmem:$0x9800] =	vst v63  }
0x1c: {  	s28 =	sshll.u32 s23, $0xF  }
0x1d: {  	_ =	swait.ge [sflag:s11], $0x100;
	s28 =	sor.u32 s24, s28  }
0x1e: {  	[sflag:s11] =	ssyncset.done $0x0;
	s28 =	sshrl.u32 s28, $0x3  }
0x1f: {  	v6 =	vmov s25;
	[sflag:s11] =	ssyncadd.s32 $0xFFFFFF00;
	s28 =	sadd.s32 s3, s28  }
0x20: {  	[tilespmem:s15], [sflag:$0x2] =	stream.strided.gather [hbm4b:s28+s12], $0x1000, s13, s12, $0x38;
	[tilespmem:$0x9800] =	vst v63  }
0x21: {  	_ =	swait.ge [sflag:s11], $0x1000  }
0x22: {  	[sflag:s11] =	ssyncset.done $0x0  }
0x23: {  	s25 =	simm.s32 $0x0;
	[sflag:s11] =	ssyncadd.s32 $0xFFFFF000  }
0x24: {  	v7 =	vld.idx.msk [tilespmem:v6+s25+$0x0], $0xffff  }
0x25: {  	s29 =	simm.s32 $0x10;
	v8 =	vimm.s32 $0x0;
	v9 =	vimm.s32 $0x0;
	s28 =	simm.s32 $0x0;
	v6 =	vimm.s32 $0x0;
	v10 =	vld [tilespmem:s26+$0x0]  }
.LBB2_3:
0x26: {  	p0 =	sne.s32 s29, $0xF0;
	_ =	sdelay $0x3  }
0x27: {  	vm0 =	vge.f32 v10, v7  }
0x28: {  	v10 =	vsel vm0, $0x1, v1;
	v11 =	vmpcnt.ones.xlane vm0  }
0x29: {  	(xrf0) =	vadd.scan.msk.s32 $0xffff, v10  }
0x2a: {  	v8 =	vadd.s32 v8, v11;
	_ =	sdelay $0x3  }
0x2b: {  	v10 =	vsel vm0, $0xFFFFFFFF, v1  }
0x2c: {  	v10 =	vadd.s32 v10, v9;
	v9 =	vmov v8;
	v11, _, _ =	vpop (xrf0)  }
0x2d: {  	v10 =	vadd.s32 v11, v10  }
0x2e: {  	vm1 =	vlt.s32 v10, $0x3F  }
0x2f: {  	v10 =	vnsel vm1, $0x3F, v10;
	_ =	sdelay $0x1  }
.Ltmp0:
0x30: {  	(pc) =	sbr.rel @p0 .LBB2_3-.Ltmp0, $4  }
0x31: {  	_ = 	snop  }
0x32: {  	v11 =	vor.u32 s28, v0;
	s28 =	smov.u32 s29  }
0x33: {  	s26 =	sadd.s32 $0x10, s26;
	[tilespmem:v10+s16+$0x0] =	vst.idx.msk vm0, v11  }
0x34: {  	s29 =	sadd.s32 $0x10, s29;
	v10 =	vld [tilespmem:s26+$0x0]  }
0x35: {  	_ =	sdelay $0x3  }
0x36: {  	vm0 =	vge.f32 v10, v7  }
0x37: {  	v10 =	vsel vm0, $0x1, v1  }
0x38: {  	(xrf0) =	vadd.scan.msk.s32 $0xffff, v10;
	_ =	sdelay $0x2  }
0x39: {  	v10 =	vsel vm0, $0xFFFFFFFF, v1;
	_ =	sdelay $0x2  }
0x3a: {  	v9 =	vadd.s32 v10, v9;
	v10, _, _ =	vpop (xrf0)  }
0x3b: {  	v9 =	vadd.s32 v10, v9  }
0x3c: {  	vm1 =	vlt.s32 v9, $0x3F  }
0x3d: {  	v9 =	vnsel vm1, $0x3F, v9;
	_ =	sdelay $0x2  }
0x3e: {  	v10 =	vmpcnt.ones.xlane vm0  }
0x3f: {  	v11 =	vor.u32 s28, v0  }
0x40: {  	v8 =	vadd.s32 v8, v10;
	[tilespmem:v9+s16+$0x0] =	vst.idx.msk vm0, v11  }
.LBB2_5:
0x41: {  	v9 =	vmov s25;
	_ =	sdelay $0x4  }
0x42: {  	v10 =	vld.idx.msk [tilespmem:v9+s16+$0x0], $0xffff;
	_ =	sdelay $0x4  }
0x43: {  	vm0 =	vlt.s32 v9, v8;
	v9 =	vadd.s32 v2, v10  }
0x44: {  	v10 =	vnsel vm0, $0x0, v9;
	_ =	sdelay $0x4  }
0x45: {  	v10 =	vld.idx.msk [tilespmem:v10+s15+$0x0], $0xffff;
	_ =	sdelay $0x4  }
0x46: {  	vm1 =	vge.f32 v10, v7  }
0x47: {  	vm0 =	vmand vm0, vm1  }
0x48: {  	v10 =	vsel vm0, $0x1, v1  }
0x49: {  	(xrf0) =	vadd.scan.msk.s32 $0xffff, v10;
	_ =	sdelay $0x4  }
0x4a: {  	v10 =	vsel vm0, $0xFFFFFFFF, v1  }
0x4b: {  	v10 =	vadd.s32 v10, v6;
	v11, _, _ =	vpop (xrf0)  }
0x4c: {  	v10 =	vadd.s32 v11, v10  }
0x4d: {  	vm15 =	vlt.s32 v10, $0x4F  }
0x4e: {  	p0 =	sne.s32 s25, $0x2F;
	v10 =	vnsel vm15, $0x4F, v10  }
.Ltmp1:
0x4f: {  	_ = 	snop;
	(pc) =	sbr.rel @p0 .LBB2_5-.Ltmp1, $3  }
0x50: {  	_ = 	snop  }
0x51: {  	v11 =	vmpcnt.ones.xlane vm0;
	_ =	sdelay $0x1  }
0x52: {  	s25 =	sadd.s32 $0x1, s25;
	v6 =	vadd.s32 v6, v11;
	[tilespmem:v10+s17+$0x0] =	vst.idx.msk vm0, v9  }
0x53: {  	_ =	swait.ge [sflag:s18], $0x8000  }
0x54: {  	[sflag:s18] =	ssyncset.done $0x0  }
0x55: {  	[sflag:s18] =	ssyncadd.s32 $0xFFFF8000  }
0x56: {  	v7 =	vld [tilespmem:$0x9380];
	_ =	sdelay $0x3  }
0x57: {  	vm1 =	vgt.s32 v6, v0  }
0x58: {  	v7 =	vnsel vm1, $0x0, v7  }
0x59: {  	v8 =	vshll.u32 v7, $0x3  }
0x5a: {  	v7 =	vand.u32 $0x7F, v7;
	v8 =	vand.u32 $0xFFFFFC00, v8  }
0x5b: {  	v7 =	vor.u32 v7, v8  }
0x5c: {  	v8 =	vnsel vm1, $0x0, v7;
	_ =	sdelay $0x4  }
0x5d: {  	v9 =	vor.u32 $0x80, v7;
	v8 =	vld.idx.msk [tilespmem:v8+s14+$0x0], $0xffff  }
0x5e: {  	v10 =	vnsel vm1, $0x0, v9;
	_ =	sdelay $0x1  }
0x5f: {  	v46 =	vnsel vm1, $0xFFFFFFFF, v7  }
0x60: {  	[tilespmem:$0x9600] =	vst v46  }
0x61: {  	[tilespmem:$0x9400] =	vst v8  }
0x62: {  	v47 =	vor.u32 $0x100, v7;
	v8 =	vld.idx.msk [tilespmem:v10+s14+$0x0], $0xffff  }
0x63: {  	v11 =	vnsel vm1, $0x0, v47;
	_ =	sdelay $0x1  }
0x64: {  	v48 =	vnsel vm1, $0xFFFFFFFF, v9  }
0x65: {  	[tilespmem:$0x9610] =	vst v48  }
0x66: {  	[tilespmem:$0x9410] =	vst v8  }
0x67: {  	v49 =	vor.u32 $0x180, v7;
	v8 =	vld.idx.msk [tilespmem:v11+s14+$0x0], $0xffff  }
0x68: {  	v50 =	vnsel vm1, $0x0, v49;
	_ =	sdelay $0x1  }
0x69: {  	v51 =	vnsel vm1, $0xFFFFFFFF, v47  }
0x6a: {  	[tilespmem:$0x9620] =	vst v51  }
0x6b: {  	[tilespmem:$0x9420] =	vst v8  }
0x6c: {  	v52 =	vor.u32 $0x200, v7;
	v8 =	vld.idx.msk [tilespmem:v50+s14+$0x0], $0xffff  }
0x6d: {  	v53 =	vnsel vm1, $0x0, v52;
	_ =	sdelay $0x1  }
0x6e: {  	v54 =	vnsel vm1, $0xFFFFFFFF, v49  }
0x6f: {  	[tilespmem:$0x9630] =	vst v54  }
0x70: {  	[tilespmem:$0x9430] =	vst v8  }
0x71: {  	v55 =	vor.u32 $0x280, v7;
	v8 =	vld.idx.msk [tilespmem:v53+s14+$0x0], $0xffff  }
0x72: {  	v56 =	vnsel vm1, $0x0, v55;
	_ =	sdelay $0x1  }
0x73: {  	v57 =	vnsel vm1, $0xFFFFFFFF, v52  }
0x74: {  	[tilespmem:$0x9640] =	vst v57  }
0x75: {  	[tilespmem:$0x9440] =	vst v8  }
0x76: {  	v58 =	vor.u32 $0x300, v7;
	v8 =	vld.idx.msk [tilespmem:v56+s14+$0x0], $0xffff  }
0x77: {  	v59 =	vnsel vm1, $0x0, v58;
	_ =	sdelay $0x1  }
0x78: {  	v60 =	vnsel vm1, $0xFFFFFFFF, v55  }
0x79: {  	v61 =	vld [tilespmem:$0x9390];
	[tilespmem:$0x9650] =	vst v60  }
0x7a: {  	[tilespmem:$0x9450] =	vst v8  }
0x7b: {  	v7 =	vor.u32 $0x380, v7;
	v8 =	vld.idx.msk [tilespmem:v59+s14+$0x0], $0xffff  }
0x7c: {  	v62 =	vnsel vm1, $0x0, v7  }
0x7d: {  	vm0 =	vgt.s32 v6, v3  }
0x7e: {  	v63 =	vnsel vm1, $0xFFFFFFFF, v58;
	v9 =	vnsel vm0, $0x0, v61  }
0x7f: {  	v12 =	vshll.u32 v9, $0x3;
	[tilespmem:$0x9660] =	vst v63  }
0x80: {  	v9 =	vand.u32 $0x7F, v9;
	[tilespmem:$0x9460] =	vst v8;
	v8 =	vand.u32 $0xFFFFFC00, v12  }
0x81: {  	v13 =	vld.idx.msk [tilespmem:v62+s14+$0x0], $0xffff;
	v8 =	vor.u32 v9, v8  }
0x82: {  	v9 =	vnsel vm0, $0x0, v8;
	_ =	sdelay $0x1  }
0x83: {  	v7 =	vnsel vm1, $0xFFFFFFFF, v7  }
0x84: {  	[tilespmem:$0x9670] =	vst v7  }
0x85: {  	[tilespmem:$0x9470] =	vst v13  }
0x86: {  	v7 =	vld.idx.msk [tilespmem:v9+s14+$0x0], $0xffff  }
0x87: {  	v14 =	vor.u32 $0x80, v8  }
0x88: {  	v15 =	vnsel vm0, $0x0, v14;
	_ =	sdelay $0x2  }
0x89: {  	[tilespmem:$0x9480] =	vst v7;
	v7 =	vnsel vm0, $0xFFFFFFFF, v8  }
0x8a: {  	[tilespmem:$0x9680] =	vst v7  }
0x8b: {  	v7 =	vld.idx.msk [tilespmem:v15+s14+$0x0], $0xffff  }
0x8c: {  	v16 =	vor.u32 $0x100, v8  }
0x8d: {  	v17 =	vnsel vm0, $0x0, v16;
	_ =	sdelay $0x2  }
0x8e: {  	[tilespmem:$0x9490] =	vst v7;
	v7 =	vnsel vm0, $0xFFFFFFFF, v14  }
0x8f: {  	[tilespmem:$0x9690] =	vst v7  }
0x90: {  	v7 =	vld.idx.msk [tilespmem:v17+s14+$0x0], $0xffff  }
0x91: {  	v18 =	vor.u32 $0x180, v8  }
0x92: {  	v19 =	vnsel vm0, $0x0, v18;
	_ =	sdelay $0x2  }
0x93: {  	[tilespmem:$0x94A0] =	vst v7;
	v7 =	vnsel vm0, $0xFFFFFFFF, v16  }
0x94: {  	[tilespmem:$0x96A0] =	vst v7  }
0x95: {  	v7 =	vld.idx.msk [tilespmem:v19+s14+$0x0], $0xffff  }
0x96: {  	v20 =	vor.u32 $0x200, v8  }
0x97: {  	v21 =	vnsel vm0, $0x0, v20;
	_ =	sdelay $0x2  }
0x98: {  	[tilespmem:$0x94B0] =	vst v7;
	v7 =	vnsel vm0, $0xFFFFFFFF, v18  }
0x99: {  	[tilespmem:$0x96B0] =	vst v7  }
0x9a: {  	v7 =	vld.idx.msk [tilespmem:v21+s14+$0x0], $0xffff  }
0x9b: {  	v22 =	vor.u32 $0x280, v8  }
0x9c: {  	v23 =	vnsel vm0, $0x0, v22;
	_ =	sdelay $0x2  }
0x9d: {  	[tilespmem:$0x94C0] =	vst v7;
	v7 =	vnsel vm0, $0xFFFFFFFF, v20  }
0x9e: {  	[tilespmem:$0x96C0] =	vst v7  }
0x9f: {  	v7 =	vld.idx.msk [tilespmem:v23+s14+$0x0], $0xffff  }
0xa0: {  	v24 =	vor.u32 $0x300, v8  }
0xa1: {  	v25 =	vnsel vm0, $0x0, v24;
	_ =	sdelay $0x2  }
0xa2: {  	[tilespmem:$0x94D0] =	vst v7;
	v7 =	vnsel vm0, $0xFFFFFFFF, v22  }
0xa3: {  	v26 =	vld [tilespmem:$0x93A0];
	[tilespmem:$0x96D0] =	vst v7  }
0xa4: {  	v7 =	vld.idx.msk [tilespmem:v25+s14+$0x0], $0xffff;
	_ =	sdelay $0x1  }
0xa5: {  	v8 =	vor.u32 $0x380, v8  }
0xa6: {  	v27 =	vnsel vm0, $0x0, v8  }
0xa7: {  	vm14 =	vgt.s32 v6, v4  }
0xa8: {  	v9 =	vnsel vm14, $0x0, v26;
	[tilespmem:$0x94E0] =	vst v7;
	v7 =	vnsel vm0, $0xFFFFFFFF, v24  }
0xa9: {  	[tilespmem:$0x96E0] =	vst v7;
	v7 =	vshll.u32 v9, $0x3  }
0xaa: {  	v9 =	vand.u32 $0x7F, v9;
	v7 =	vand.u32 $0xFFFFFC00, v7  }
0xab: {  	v28 =	vld.idx.msk [tilespmem:v27+s14+$0x0], $0xffff;
	v7 =	vor.u32 v9, v7  }
0xac: {  	v9 =	vnsel vm14, $0x0, v7;
	_ =	sdelay $0x1  }
0xad: {  	v8 =	vnsel vm0, $0xFFFFFFFF, v8  }
0xae: {  	[tilespmem:$0x96F0] =	vst v8  }
0xaf: {  	[tilespmem:$0x94F0] =	vst v28  }
0xb0: {  	v29 =	vor.u32 $0x80, v7;
	v8 =	vld.idx.msk [tilespmem:v9+s14+$0x0], $0xffff  }
0xb1: {  	v30 =	vnsel vm14, $0x0, v29;
	_ =	sdelay $0x1  }
0xb2: {  	v31 =	vnsel vm14, $0xFFFFFFFF, v7  }
0xb3: {  	[tilespmem:$0x9700] =	vst v31  }
0xb4: {  	[tilespmem:$0x9500] =	vst v8  }
0xb5: {  	v32 =	vor.u32 $0x100, v7;
	v8 =	vld.idx.msk [tilespmem:v30+s14+$0x0], $0xffff  }
0xb6: {  	v33 =	vnsel vm14, $0x0, v32;
	_ =	sdelay $0x1  }
0xb7: {  	v34 =	vnsel vm14, $0xFFFFFFFF, v29  }
0xb8: {  	[tilespmem:$0x9710] =	vst v34  }
0xb9: {  	[tilespmem:$0x9510] =	vst v8  }
0xba: {  	v35 =	vor.u32 $0x180, v7;
	v8 =	vld.idx.msk [tilespmem:v33+s14+$0x0], $0xffff  }
0xbb: {  	v36 =	vnsel vm14, $0x0, v35;
	_ =	sdelay $0x1  }
0xbc: {  	v37 =	vnsel vm14, $0xFFFFFFFF, v32  }
0xbd: {  	[tilespmem:$0x9720] =	vst v37  }
0xbe: {  	[tilespmem:$0x9520] =	vst v8  }
0xbf: {  	v38 =	vor.u32 $0x200, v7;
	v8 =	vld.idx.msk [tilespmem:v36+s14+$0x0], $0xffff  }
0xc0: {  	v39 =	vnsel vm14, $0x0, v38;
	_ =	sdelay $0x1  }
0xc1: {  	v40 =	vnsel vm14, $0xFFFFFFFF, v35  }
0xc2: {  	[tilespmem:$0x9730] =	vst v40  }
0xc3: {  	[tilespmem:$0x9530] =	vst v8  }
0xc4: {  	v41 =	vor.u32 $0x280, v7;
	v8 =	vld.idx.msk [tilespmem:v39+s14+$0x0], $0xffff  }
0xc5: {  	v42 =	vnsel vm14, $0x0, v41;
	_ =	sdelay $0x1  }
0xc6: {  	v43 =	vnsel vm14, $0xFFFFFFFF, v38  }
0xc7: {  	[tilespmem:$0x9740] =	vst v43  }
0xc8: {  	[tilespmem:$0x9540] =	vst v8  }
0xc9: {  	v44 =	vor.u32 $0x300, v7;
	v8 =	vld.idx.msk [tilespmem:v42+s14+$0x0], $0xffff  }
0xca: {  	v45 =	vnsel vm14, $0x0, v44;
	_ =	sdelay $0x1  }
0xcb: {  	v46 =	vnsel vm14, $0xFFFFFFFF, v41  }
0xcc: {  	v47 =	vld [tilespmem:$0x93B0];
	[tilespmem:$0x9750] =	vst v46  }
0xcd: {  	[tilespmem:$0x9550] =	vst v8  }
0xce: {  	v7 =	vor.u32 $0x380, v7;
	v8 =	vld.idx.msk [tilespmem:v45+s14+$0x0], $0xffff  }
0xcf: {  	v48 =	vnsel vm14, $0x0, v7  }
0xd0: {  	vm15 =	vgt.s32 v6, v5  }
0xd1: {  	v49 =	vnsel vm15, $0x0, v47;
	v6 =	vnsel vm14, $0xFFFFFFFF, v44  }
0xd2: {  	[tilespmem:$0x9760] =	vst v6;
	v6 =	vshll.u32 v49, $0x3  }
0xd3: {  	v6 =	vand.u32 $0xFFFFFC00, v6;
	[tilespmem:$0x9560] =	vst v8;
	v8 =	vand.u32 $0x7F, v49  }
0xd4: {  	v50 =	vld.idx.msk [tilespmem:v48+s14+$0x0], $0xffff;
	v6 =	vor.u32 v8, v6  }
0xd5: {  	v8 =	vnsel vm15, $0x0, v6;
	_ =	sdelay $0x1  }
0xd6: {  	v7 =	vnsel vm14, $0xFFFFFFFF, v7  }
0xd7: {  	[tilespmem:$0x9770] =	vst v7  }
0xd8: {  	[tilespmem:$0x9570] =	vst v50  }
0xd9: {  	v7 =	vld.idx.msk [tilespmem:v8+s14+$0x0], $0xffff  }
0xda: {  	v51 =	vor.u32 $0x80, v6  }
0xdb: {  	v52 =	vnsel vm15, $0x0, v51;
	_ =	sdelay $0x2  }
0xdc: {  	[tilespmem:$0x9580] =	vst v7;
	v7 =	vnsel vm15, $0xFFFFFFFF, v6  }
0xdd: {  	[tilespmem:$0x9780] =	vst v7  }
0xde: {  	v7 =	vld.idx.msk [tilespmem:v52+s14+$0x0], $0xffff  }
0xdf: {  	v53 =	vor.u32 $0x100, v6  }
0xe0: {  	v54 =	vnsel vm15, $0x0, v53;
	_ =	sdelay $0x2  }
0xe1: {  	[tilespmem:$0x9590] =	vst v7;
	v7 =	vnsel vm15, $0xFFFFFFFF, v51  }
0xe2: {  	[tilespmem:$0x9790] =	vst v7  }
0xe3: {  	v7 =	vld.idx.msk [tilespmem:v54+s14+$0x0], $0xffff  }
0xe4: {  	v55 =	vor.u32 $0x180, v6  }
0xe5: {  	v56 =	vnsel vm15, $0x0, v55;
	_ =	sdelay $0x2  }
0xe6: {  	[tilespmem:$0x95A0] =	vst v7;
	v7 =	vnsel vm15, $0xFFFFFFFF, v53  }
0xe7: {  	[tilespmem:$0x97A0] =	vst v7  }
0xe8: {  	v7 =	vld.idx.msk [tilespmem:v56+s14+$0x0], $0xffff  }
0xe9: {  	v57 =	vor.u32 $0x200, v6  }
0xea: {  	v58 =	vnsel vm15, $0x0, v57;
	_ =	sdelay $0x2  }
0xeb: {  	[tilespmem:$0x95B0] =	vst v7;
	v7 =	vnsel vm15, $0xFFFFFFFF, v55  }
0xec: {  	[tilespmem:$0x97B0] =	vst v7  }
0xed: {  	v7 =	vld.idx.msk [tilespmem:v58+s14+$0x0], $0xffff  }
0xee: {  	v59 =	vor.u32 $0x280, v6  }
0xef: {  	v60 =	vnsel vm15, $0x0, v59;
	_ =	sdelay $0x2  }
0xf0: {  	[tilespmem:$0x95C0] =	vst v7;
	v7 =	vnsel vm15, $0xFFFFFFFF, v57  }
0xf1: {  	[tilespmem:$0x97C0] =	vst v7  }
0xf2: {  	v7 =	vld.idx.msk [tilespmem:v60+s14+$0x0], $0xffff  }
0xf3: {  	v61 =	vor.u32 $0x300, v6  }
0xf4: {  	v62 =	vnsel vm15, $0x0, v61;
	_ =	sdelay $0x2  }
0xf5: {  	[tilespmem:$0x95D0] =	vst v7;
	v7 =	vnsel vm15, $0xFFFFFFFF, v59  }
0xf6: {  	[tilespmem:$0x97D0] =	vst v7  }
0xf7: {  	v7 =	vld.idx.msk [tilespmem:v62+s14+$0x0], $0xffff  }
0xf8: {  	v6 =	vor.u32 $0x380, v6  }
0xf9: {  	v63 =	vnsel vm15, $0x0, v6;
	_ =	sdelay $0x2  }
0xfa: {  	[tilespmem:$0x95E0] =	vst v7;
	v7 =	vnsel vm15, $0xFFFFFFFF, v61  }
0xfb: {  	[tilespmem:$0x97E0] =	vst v7  }
0xfc: {  	v7 =	vld.idx.msk [tilespmem:v63+s14+$0x0], $0xffff;
	_ =	sdelay $0x1  }
0xfd: {  	s23 =	sshll.u32 s23, $0xC  }
0xfe: {  	s23 =	sor.u32 s24, s23;
	v6 =	vnsel vm15, $0xFFFFFFFF, v6  }
0xff: {  	s23 =	sshrl.u32 s23, $0x3;
	[tilespmem:$0x97F0] =	vst v6  }
0x100: {  	s31 =	sadd.s32 s1, s23;
	[tilespmem:$0x95F0] =	vst v7  }
0x101: {  	[hbm4b:s31+s12] =	stream.strided.scatter [tilespmem:s19], [sflag:$0x2], $0x200, s13, s12, $0x38;
	[tilespmem:$0x9800] =	vst v63  }
0x102: {  	s22 =	sadd.s32 $0x1, s22;
	_ =	swait.ge [sflag:s11], $0x200  }
0x103: {  	p0 =	sne.s32 s22, $0x10;
	[sflag:s11] =	ssyncset.done $0x0  }
.Ltmp2:
0x104: {  	s23 =	sadd.s32 s8, s23;
	[sflag:s11] =	ssyncadd.s32 $0xFFFFFE00;
	(pc) =	sbr.rel @p0 .LBB2_2-.Ltmp2, $4  }
0x105: {  	[hbm4b:s23+s12] =	stream.strided.scatter [tilespmem:s20], [sflag:$0x2], $0x200, s13, s12, $0x38;
	[tilespmem:$0x9800] =	vst v63  }
0x106: {  	_ =	swait.ge [sflag:s11], $0x200  }
0x107: {  	[sflag:s11] =	ssyncset.done $0x0  }
0x108: {  	[sflag:s11] =	ssyncadd.s32 $0xFFFFFE00  }
0x109: {  	s21 =	sadd.s32 $0x1, s21  }
0x10a: {  	p0 =	sne.s32 s21, s10  }
.Ltmp3:
0x10b: {  	_ = 	snop;
	(pc) =	sbr.rel @p0 .LBB2_1-.Ltmp3, $1  }
0x10c: {  	_ =	sdelay $0x3  }
0x10d: {  	_ =	sfence.sel $0x180000  }
0x10e: {  	[bflag:$0x0] =	sbarrier.arrive $0xFFFF  }
0x10f: {  	p0 =	sne.s32 s4, $0x0;
	_ =	strace $0x90000047  }
0x110: {  	s0 =	sadd.s32 @!p0 $0x100000, s0;
	[bflag:$0x2] =	sbarrier.arrive $0xFFFF  }
0x111: {  	[sflag:s0] =	ssyncadd.tile.s32 @!p0 $0x1;
	_ =	shalt  }
.Lfunc_end2:
_tile_overlayer_lowered:
.L_overlay_start_2:
0x112: {  	(tag) =	ssettag $0x2  }
0x113: {  	s0 =	rddreg [dreg:$0x0];
	s2 =	stileid.u32  }
0x114: {  	s1 =	rddreg [dreg:$0x1];
	p0 =	sne.s32 s2, $0x0  }
0x115: {  	s3 =	rddreg [dreg:$0x2];
	[bflag:$0x3] =	sbarrier.arrive $0xFFFF;
	s2 =	simm.s32 @!p0 $0x1C02  }
0x116: {  	[timem:s3], [sflag:s2] =	dma.local @!p0 [hbm:s0], s1  }
0x117: {  	s0 =	simm.s32 @!p0 $0x2  }
0x118: {  	_ =	swait.ge @!p0 [sflag:s0], s1  }
0x119: {  	s1 =	ssub.s32 @!p0 $0x0, s1;
	[sflag:s0] =	ssyncset.done @!p0 $0x0  }
0x11a: {  	[sflag:s0] =	ssyncadd.s32 @!p0 s1  }
0x11b: {  	[bflag:$0x3] =	sbarrier.arrive $0xFFFF  }
0x11c: {  	_ =	shalt  }

</sc_bundles>
